<compile_context>
chip_gen: v7x
topology: tpu7x:2x2x1
jax: 0.10.2.dev20260603
libtpu: 0.0.44.dev20260713+nightly
codegen_flags: <defaults>
</compile_context>

<pallas_src>
import functools

import jax
import jax.numpy as jnp
from jax import lax
from jax.experimental import pallas as pl
from jax.experimental.pallas import tpu as pltpu
from jax.experimental.pallas import tpu_sc as plsc

_HARD_RATIO = 0.3

_NB = 4096
_MAX_LOSS = 16.25
_SCALE = _NB / _MAX_LOSS
_CH = 65536
_LANES = 16
_UNROLL = 4


def _bce_body(p_ref, t_ref, bin_ref):
    p = jnp.clip(p_ref[...], 1e-7, 1.0 - 1e-7)
    t = t_ref[...]
    loss = -(t * jnp.log(p) + (1.0 - t) * jnp.log1p(-p))
    bins = jnp.clip((loss * _SCALE).astype(jnp.int32), 0, _NB - 1)
    bin_ref[...] = bins.astype(jnp.int16)


@functools.lru_cache(maxsize=None)
def _make_bce(rows, cols, block_rows):
    grid = (rows // block_rows,)
    return pl.pallas_call(
        _bce_body,
        grid=grid,
        in_specs=[
            pl.BlockSpec((block_rows, cols), lambda i: (i, 0)),
            pl.BlockSpec((block_rows, cols), lambda i: (i, 0)),
        ],
        out_specs=pl.BlockSpec((block_rows, cols), lambda i: (i, 0)),
        out_shape=jax.ShapeDtypeStruct((rows, cols), jnp.int16),
    )


@functools.lru_cache(maxsize=None)
def _make_select(b, n, k):
    info = plsc.get_sparse_core_info()
    nw = info.num_cores * info.num_subcores
    assert b == nw, (b, nw)
    assert n % _CH == 0
    nch = n // _CH
    nbv = _NB // _LANES
    inv_scale = 1.0 / _SCALE
    mesh = plsc.VectorSubcoreMesh(core_axis_name="c", subcore_axis_name="s")

    rows_per_chunk = _CH // 512
    rows_per_sample = n // 512

    def body(bins_hbm, out_hbm, buf0, buf1, hcnt0, hcnt1, ovec, sem0, sem1):
        row = lax.axis_index("s") * info.num_cores + lax.axis_index("c")

        bufs = (buf0, buf1)
        sems = (sem0, sem1)

        def start(cidx):
            base = pl.multiple_of(
                row * rows_per_sample + cidx * rows_per_chunk, rows_per_chunk)
            return pltpu.async_copy(
                bins_hbm.at[pl.ds(base, rows_per_chunk), :], bufs[cidx % 2],
                sems[cidx % 2])

        zi = jnp.zeros((_LANES,), jnp.int32)

        @plsc.parallel_loop(0, _NB, step=_LANES, unroll=4)
        def _(j):
            base = pl.multiple_of(j, _LANES)
            hcnt0[pl.ds(base, _LANES)] = zi
            hcnt1[pl.ds(base, _LANES)] = zi

        handles = [start(0), None]

        ones_i = jnp.ones((_LANES,), jnp.int32)
        for c in range(nch):
            handles[c % 2].wait()
            if c + 1 < nch:
                handles[(c + 1) % 2] = start(c + 1)
            buf = bufs[c % 2]

            @plsc.parallel_loop(0, rows_per_chunk, step=1, unroll=1)
            def _(r, buf=buf):
                for g in range(512 // (2 * _LANES)):
                    bb = buf[r, pl.ds(g * 2 * _LANES, 2 * _LANES)]
                    i0, i1 = plsc.unpack(bb,
                                         format=plsc.PackFormat.INTERLEAVED)
                    plsc.addupdate_scatter(hcnt0, [i0], ones_i)
                    plsc.addupdate_scatter(hcnt1, [i1], ones_i)

        lane = lax.iota(jnp.int32, _LANES)

        def scan_body(j, carry):
            cnt_so_far, hard, total = carry
            jj = nbv - 1 - j
            base = pl.multiple_of(jj * _LANES, _LANES)
            c = hcnt0[pl.ds(base, _LANES)] + hcnt1[pl.ds(base, _LANES)]
            c_r = lax.rev(c, (0,))
            center = ((jj * _LANES + 15 - lane).astype(jnp.float32) + 0.5) \
                * inv_scale
            cw = c_r.astype(jnp.float32) * center
            total = total + jnp.sum(cw)
            cumc = lax.cumsum(c_r, axis=0) + cnt_so_far
            full = cumc <= k
            hard = hard + jnp.sum(jnp.where(full, cw, 0.0))
            prevc = cumc - c_r
            straddle = jnp.logical_and(cumc > k, prevc <= k)
            rem = (k - prevc).astype(jnp.float32)
            hard = hard + jnp.sum(jnp.where(straddle, rem * center, 0.0))
            cnt_so_far = cnt_so_far + jnp.sum(c)
            return (cnt_so_far, hard, total)

        _, hard, total = lax.fori_loop(
            0, nbv, scan_body,
            (jnp.int32(0), jnp.float32(0.0), jnp.float32(0.0)))

        ovec[...] = jnp.where(lane == 0, total, jnp.where(lane == 1, hard, 0.0))
        obase = pl.multiple_of(row * _LANES, _LANES)
        pltpu.sync_copy(ovec, out_hbm.at[pl.ds(obase, _LANES)])

    return pl.kernel(
        body,
        mesh=mesh,
        compiler_params=pltpu.CompilerParams(needs_layout_passes=False),
        out_type=jax.ShapeDtypeStruct((b * _LANES,), jnp.float32),
        scratch_types=[
            pltpu.VMEM((rows_per_chunk, 512), jnp.int16),
            pltpu.VMEM((rows_per_chunk, 512), jnp.int16),
            pltpu.VMEM((_NB,), jnp.int32),
            pltpu.VMEM((_NB,), jnp.int32),
            pltpu.VMEM((_LANES,), jnp.float32),
            pltpu.SemaphoreType.DMA,
            pltpu.SemaphoreType.DMA,
        ],
    )


def kernel(pred, target):
    b, c, h, w = pred.shape
    n = c * h * w
    k = max(int(_HARD_RATIO * h * w), 100)
    rows, cols = (b * n) // 512, 512
    bins = _make_bce(rows, cols, 2048)(
        pred.reshape(rows, cols), target.reshape(rows, cols))
    stats = _make_select(b, n, k)(bins).reshape(b, _LANES)
    total_sum = stats[:, 0].sum()
    hard_sum = stats[:, 1].sum()
    return total_sum / (b * n) + hard_sum / (b * k)

# --- scband reference (transcript-rebuilt; emitter-appended) ---
"""Pipeline reference for scband-hard-sample-mining-loss-16329465659461 (READ-ONLY COPY).

The authoritative reference and input builder live on the scoring server;
editing this copy changes nothing except your own understanding.
"""

import jax, jax.numpy as jnp
import numpy as np

HARD_RATIO = 0.3

def setup_inputs(seed: int = 0) -> dict:
    key = jax.random.key(seed)
    k1, k2 = jax.random.split(key)
    pred = jax.random.uniform(k1, (32, 1, 512, 512), dtype=jnp.float32)
    target = jax.random.uniform(k2, (32, 1, 512, 512), dtype=jnp.float32)
    return {"pred": pred, "target": target}

def reference(pred, target):
    # binary_cross_entropy(reduction='none'), computed in float32 like the autocast-disabled region
    p = jnp.clip(pred.astype(jnp.float32), 1e-7, 1.0 - 1e-7)
    t = target.astype(jnp.float32)
    pixel_loss = -(t * jnp.log(p) + (1.0 - t) * jnp.log1p(-p))
    B, C, H, W = pixel_loss.shape
    k = max(int(HARD_RATIO * H * W), 100)
    pixel_loss_flat = pixel_loss.reshape(B, -1)
    hard_loss, _ = jax.lax.top_k(pixel_loss_flat, k)
    return pixel_loss.mean() + hard_loss.mean()

if __name__ == "__main__":
    import jax
    _d = setup_inputs()
    print(jax.jit(kernel)(*tuple(_d.values())))

</pallas_src>

<mosaic_0001>
#map = affine_map<(d0, d1) -> (0, 0)>
#map1 = affine_map<(d0, d1) -> (0)>
module attributes {stable_mosaic.version = 14 : i64} {
  func.func @body(%arg0: i32, %arg1: i32, %arg2: memref<16384x512xi16, #tpu.memory_space<hbm>>, %arg3: memref<512xf32, #tpu.memory_space<hbm>>, %arg4: memref<128x512xi16, #tpu.memory_space<vmem>>, %arg5: memref<128x512xi16, #tpu.memory_space<vmem>>, %arg6: memref<4096xi32, #tpu.memory_space<vmem>>, %arg7: memref<4096xi32, #tpu.memory_space<vmem>>, %arg8: memref<16xf32, #tpu.memory_space<vmem>>, %arg9: memref<!tpu.dma_semaphore, #tpu.memory_space<semaphore_mem>>, %arg10: memref<!tpu.dma_semaphore, #tpu.memory_space<semaphore_mem>>) attributes {dimension_semantics = [#tpu.dimension_semantics<core_parallel>, #tpu.dimension_semantics<subcore_parallel>], iteration_bounds = array<i64: 2, 16>, scalar_prefetch = 0 : i64, scratch_operands = 7 : i64, tpu.core_type = #tpu.core_type<sc_vector_subcore>, window_params = [{transform_indices = #map}, {transform_indices = #map1}]} {
    %mul3A = arith.constant 2 : i32
    %mul3A_0 = arith.muli %arg1, %mul3A : i32
    %add3A = arith.addi %mul3A_0, %arg0 : i32
    %broadcast_in_dim3A = arith.constant 0 : i32
    %broadcast_in_dim3A_1 = vector.broadcast %broadcast_in_dim3A : i32 to vector<16xi32>
    %parallel_loop3A = arith.constant 0 : i32
    %parallel_loop3A_2 = arith.constant 4096 : i32
    %parallel_loop3A_3 = arith.constant 16 : i32
    scf.for %parallel_loop3A_88 = %parallel_loop3A to %parallel_loop3A_2 step %parallel_loop3A_3  : i32 {
      %parallel_loop3A_89 = tpu.assume_multiple %parallel_loop3A_88, 16 : i32
      %parallel_loop3A_90 = arith.index_cast %parallel_loop3A_89 : i32 to index
      %parallel_loop3A_91 = tpu.vector_load %arg6[%parallel_loop3A_90] {strides = array<i32>} : memref<4096xi32, #tpu.memory_space<vmem>>, vector<16xi32>,
      tpu.vector_store %arg6[%parallel_loop3A_90], %broadcast_in_dim3A_1 {strides = array<i32>} : memref<4096xi32, #tpu.memory_space<vmem>>, vector<16xi32>,
      %parallel_loop3A_92 = arith.index_cast %parallel_loop3A_89 : i32 to index
      %parallel_loop3A_93 = tpu.vector_load %arg7[%parallel_loop3A_92] {strides = array<i32>} : memref<4096xi32, #tpu.memory_space<vmem>>, vector<16xi32>,
      tpu.vector_store %arg7[%parallel_loop3A_92], %broadcast_in_dim3A_1 {strides = array<i32>} : memref<4096xi32, #tpu.memory_space<vmem>>, vector<16xi32>,
    } {sc.loop_unroll_factor = 4 : i64, sc.parallel_access}
    %mul3A_4 = arith.constant 512 : i32
    %mul3A_5 = arith.muli %add3A, %mul3A_4 : i32
    %add3A_6 = arith.constant 0 : i32
    %add3A_7 = arith.addi %mul3A_5, %add3A_6 : i32
    %multiple_of3A = tpu.assume_multiple %add3A_7, 128 : i32
    %dma_start3A = arith.constant 0 : i32
    %dma_start3A_8 = tpu.memref_slice %arg2[%multiple_of3A, %dma_start3A] : memref<16384x512xi16, #tpu.memory_space<hbm>> -> memref<128x512xi16, #tpu.memory_space<hbm>>
    %dma_start3A_9 = arith.constant 0 : i32
    %dma_start3A_10 = tpu.memref_slice %arg2[%multiple_of3A, %dma_start3A_9] : memref<16384x512xi16, #tpu.memory_space<hbm>> -> memref<128x512xi16, #tpu.memory_space<hbm>>
    tpu.enqueue_dma source(%dma_start3A_10 : memref<128x512xi16, #tpu.memory_space<hbm>>) target(%arg4 : memref<128x512xi16, #tpu.memory_space<vmem>>) target_semaphore(%arg9 : memref<!tpu.dma_semaphore, #tpu.memory_space<semaphore_mem>>)
    %broadcast_in_dim3A_11 = arith.constant 1 : i32
    %broadcast_in_dim3A_12 = vector.broadcast %broadcast_in_dim3A_11 : i32 to vector<16xi32>
    %dma_wait3A = arith.constant 0 : i32
    %dma_wait3A_13 = tpu.memref_slice %arg2[%multiple_of3A, %dma_wait3A] : memref<16384x512xi16, #tpu.memory_space<hbm>> -> memref<128x512xi16, #tpu.memory_space<hbm>>
    %dma_wait3A_14 = arith.constant 0 : i32
    %dma_wait3A_15 = tpu.memref_slice %arg2[%multiple_of3A, %dma_wait3A_14] : memref<16384x512xi16, #tpu.memory_space<hbm>> -> memref<128x512xi16, #tpu.memory_space<hbm>>
    tpu.wait_dma2 semaphore(%arg9 : memref<!tpu.dma_semaphore, #tpu.memory_space<semaphore_mem>>) src(%dma_wait3A_15 : memref<128x512xi16, #tpu.memory_space<hbm>>) dst(%arg4 : memref<128x512xi16, #tpu.memory_space<vmem>>)
    %mul3A_16 = arith.constant 512 : i32
    %mul3A_17 = arith.muli %add3A, %mul3A_16 : i32
    %add3A_18 = arith.constant 128 : i32
    %add3A_19 = arith.addi %mul3A_17, %add3A_18 : i32
    %multiple_of3A_20 = tpu.assume_multiple %add3A_19, 128 : i32
    %dma_start3A_21 = arith.constant 0 : i32
    %dma_start3A_22 = tpu.memref_slice %arg2[%multiple_of3A_20, %dma_start3A_21] : memref<16384x512xi16, #tpu.memory_space<hbm>> -> memref<128x512xi16, #tpu.memory_space<hbm>>
    %dma_start3A_23 = arith.constant 0 : i32
    %dma_start3A_24 = tpu.memref_slice %arg2[%multiple_of3A_20, %dma_start3A_23] : memref<16384x512xi16, #tpu.memory_space<hbm>> -> memref<128x512xi16, #tpu.memory_space<hbm>>
    tpu.enqueue_dma source(%dma_start3A_24 : memref<128x512xi16, #tpu.memory_space<hbm>>) target(%arg5 : memref<128x512xi16, #tpu.memory_space<vmem>>) target_semaphore(%arg10 : memref<!tpu.dma_semaphore, #tpu.memory_space<semaphore_mem>>)
    %parallel_loop3A_25 = arith.constant 0 : i32
    %parallel_loop3A_26 = arith.constant 128 : i32
    %parallel_loop3A_27 = arith.constant 1 : i32
    scf.for %parallel_loop3A_88 = %parallel_loop3A_25 to %parallel_loop3A_26 step %parallel_loop3A_27  : i32 {
      %parallel_loop3A_89 = arith.index_cast %parallel_loop3A_88 : i32 to index
      %parallel_loop3A_90 = arith.constant 0 : index
      %parallel_loop3A_91 = tpu.vector_load %arg4[%parallel_loop3A_89, %parallel_loop3A_90] {strides = array<i32>} : memref<128x512xi16, #tpu.memory_space<vmem>>, vector<32xi16>,
      %parallel_loop3A_92 = tpu.unpack_subelements %parallel_loop3A_91, 0 {pack_format = #tpu.pack_format<interleaved>} : vector<32xi16> -> vector<16xi32>
      %parallel_loop3A_93 = tpu.unpack_subelements %parallel_loop3A_91, 1 {pack_format = #tpu.pack_format<interleaved>} : vector<32xi16> -> vector<16xi32>
      tpu.vector_store_idx %arg6[%parallel_loop3A_92], %broadcast_in_dim3A_12 {add = true} : memref<4096xi32, #tpu.memory_space<vmem>>[vector<16xi32>], vector<16xi32>,
      tpu.vector_store_idx %arg7[%parallel_loop3A_93], %broadcast_in_dim3A_12 {add = true} : memref<4096xi32, #tpu.memory_space<vmem>>[vector<16xi32>], vector<16xi32>,
      %parallel_loop3A_94 = arith.index_cast %parallel_loop3A_88 : i32 to index
      %parallel_loop3A_95 = arith.constant 32 : index
      %parallel_loop3A_96 = tpu.vector_load %arg4[%parallel_loop3A_94, %parallel_loop3A_95] {strides = array<i32>} : memref<128x512xi16, #tpu.memory_space<vmem>>, vector<32xi16>,
      %parallel_loop3A_97 = tpu.unpack_subelements %parallel_loop3A_96, 0 {pack_format = #tpu.pack_format<interleaved>} : vector<32xi16> -> vector<16xi32>
      %parallel_loop3A_98 = tpu.unpack_subelements %parallel_loop3A_96, 1 {pack_format = #tpu.pack_format<interleaved>} : vector<32xi16> -> vector<16xi32>
      tpu.vector_store_idx %arg6[%parallel_loop3A_97], %broadcast_in_dim3A_12 {add = true} : memref<4096xi32, #tpu.memory_space<vmem>>[vector<16xi32>], vector<16xi32>,
      tpu.vector_store_idx %arg7[%parallel_loop3A_98], %broadcast_in_dim3A_12 {add = true} : memref<4096xi32, #tpu.memory_space<vmem>>[vector<16xi32>], vector<16xi32>,
      %parallel_loop3A_99 = arith.index_cast %parallel_loop3A_88 : i32 to index
      %parallel_loop3A_100 = arith.constant 64 : index
      %parallel_loop3A_101 = tpu.vector_load %arg4[%parallel_loop3A_99, %parallel_loop3A_100] {strides = array<i32>} : memref<128x512xi16, #tpu.memory_space<vmem>>, vector<32xi16>,
      %parallel_loop3A_102 = tpu.unpack_subelements %parallel_loop3A_101, 0 {pack_format = #tpu.pack_format<interleaved>} : vector<32xi16> -> vector<16xi32>
      %parallel_loop3A_103 = tpu.unpack_subelements %parallel_loop3A_101, 1 {pack_format = #tpu.pack_format<interleaved>} : vector<32xi16> -> vector<16xi32>
      tpu.vector_store_idx %arg6[%parallel_loop3A_102], %broadcast_in_dim3A_12 {add = true} : memref<4096xi32, #tpu.memory_space<vmem>>[vector<16xi32>], vector<16xi32>,
      tpu.vector_store_idx %arg7[%parallel_loop3A_103], %broadcast_in_dim3A_12 {add = true} : memref<4096xi32, #tpu.memory_space<vmem>>[vector<16xi32>], vector<16xi32>,
      %parallel_loop3A_104 = arith.index_cast %parallel_loop3A_88 : i32 to index
      %parallel_loop3A_105 = arith.constant 96 : index
      %parallel_loop3A_106 = tpu.vector_load %arg4[%parallel_loop3A_104, %parallel_loop3A_105] {strides = array<i32>} : memref<128x512xi16, #tpu.memory_space<vmem>>, vector<32xi16>,
      %parallel_loop3A_107 = tpu.unpack_subelements %parallel_loop3A_106, 0 {pack_format = #tpu.pack_format<interleaved>} : vector<32xi16> -> vector<16xi32>
      %parallel_loop3A_108 = tpu.unpack_subelements %parallel_loop3A_106, 1 {pack_format = #tpu.pack_format<interleaved>} : vector<32xi16> -> vector<16xi32>
      tpu.vector_store_idx %arg6[%parallel_loop3A_107], %broadcast_in_dim3A_12 {add = true} : memref<4096xi32, #tpu.memory_space<vmem>>[vector<16xi32>], vector<16xi32>,
      tpu.vector_store_idx %arg7[%parallel_loop3A_108], %broadcast_in_dim3A_12 {add = true} : memref<4096xi32, #tpu.memory_space<vmem>>[vector<16xi32>], vector<16xi32>,
      %parallel_loop3A_109 = arith.index_cast %parallel_loop3A_88 : i32 to index
      %parallel_loop3A_110 = arith.constant 128 : index
      %parallel_loop3A_111 = tpu.vector_load %arg4[%parallel_loop3A_109, %parallel_loop3A_110] {strides = array<i32>} : memref<128x512xi16, #tpu.memory_space<vmem>>, vector<32xi16>,
      %parallel_loop3A_112 = tpu.unpack_subelements %parallel_loop3A_111, 0 {pack_format = #tpu.pack_format<interleaved>} : vector<32xi16> -> vector<16xi32>
      %parallel_loop3A_113 = tpu.unpack_subelements %parallel_loop3A_111, 1 {pack_format = #tpu.pack_format<interleaved>} : vector<32xi16> -> vector<16xi32>
      tpu.vector_store_idx %arg6[%parallel_loop3A_112], %broadcast_in_dim3A_12 {add = true} : memref<4096xi32, #tpu.memory_space<vmem>>[vector<16xi32>], vector<16xi32>,
      tpu.vector_store_idx %arg7[%parallel_loop3A_113], %broadcast_in_dim3A_12 {add = true} : memref<4096xi32, #tpu.memory_space<vmem>>[vector<16xi32>], vector<16xi32>,
      %parallel_loop3A_114 = arith.index_cast %parallel_loop3A_88 : i32 to index
      %parallel_loop3A_115 = arith.constant 160 : index
      %parallel_loop3A_116 = tpu.vector_load %arg4[%parallel_loop3A_114, %parallel_loop3A_115] {strides = array<i32>} : memref<128x512xi16, #tpu.memory_space<vmem>>, vector<32xi16>,
      %parallel_loop3A_117 = tpu.unpack_subelements %parallel_loop3A_116, 0 {pack_format = #tpu.pack_format<interleaved>} : vector<32xi16> -> vector<16xi32>
      %parallel_loop3A_118 = tpu.unpack_subelements %parallel_loop3A_116, 1 {pack_format = #tpu.pack_format<interleaved>} : vector<32xi16> -> vector<16xi32>
      tpu.vector_store_idx %arg6[%parallel_loop3A_117], %broadcast_in_dim3A_12 {add = true} : memref<4096xi32, #tpu.memory_space<vmem>>[vector<16xi32>], vector<16xi32>,
      tpu.vector_store_idx %arg7[%parallel_loop3A_118], %broadcast_in_dim3A_12 {add = true} : memref<4096xi32, #tpu.memory_space<vmem>>[vector<16xi32>], vector<16xi32>,
      %parallel_loop3A_119 = arith.index_cast %parallel_loop3A_88 : i32 to index
      %parallel_loop3A_120 = arith.constant 192 : index
      %parallel_loop3A_121 = tpu.vector_load %arg4[%parallel_loop3A_119, %parallel_loop3A_120] {strides = array<i32>} : memref<128x512xi16, #tpu.memory_space<vmem>>, vector<32xi16>,
      %parallel_loop3A_122 = tpu.unpack_subelements %parallel_loop3A_121, 0 {pack_format = #tpu.pack_format<interleaved>} : vector<32xi16> -> vector<16xi32>
      %parallel_loop3A_123 = tpu.unpack_subelements %parallel_loop3A_121, 1 {pack_format = #tpu.pack_format<interleaved>} : vector<32xi16> -> vector<16xi32>
      tpu.vector_store_idx %arg6[%parallel_loop3A_122], %broadcast_in_dim3A_12 {add = true} : memref<4096xi32, #tpu.memory_space<vmem>>[vector<16xi32>], vector<16xi32>,
      tpu.vector_store_idx %arg7[%parallel_loop3A_123], %broadcast_in_dim3A_12 {add = true} : memref<4096xi32, #tpu.memory_space<vmem>>[vector<16xi32>], vector<16xi32>,
      %parallel_loop3A_124 = arith.index_cast %parallel_loop3A_88 : i32 to index
      %parallel_loop3A_125 = arith.constant 224 : index
      %parallel_loop3A_126 = tpu.vector_load %arg4[%parallel_loop3A_124, %parallel_loop3A_125] {strides = array<i32>} : memref<128x512xi16, #tpu.memory_space<vmem>>, vector<32xi16>,
      %parallel_loop3A_127 = tpu.unpack_subelements %parallel_loop3A_126, 0 {pack_format = #tpu.pack_format<interleaved>} : vector<32xi16> -> vector<16xi32>
      %parallel_loop3A_128 = tpu.unpack_subelements %parallel_loop3A_126, 1 {pack_format = #tpu.pack_format<interleaved>} : vector<32xi16> -> vector<16xi32>
      tpu.vector_store_idx %arg6[%parallel_loop3A_127], %broadcast_in_dim3A_12 {add = true} : memref<4096xi32, #tpu.memory_space<vmem>>[vector<16xi32>], vector<16xi32>,
      tpu.vector_store_idx %arg7[%parallel_loop3A_128], %broadcast_in_dim3A_12 {add = true} : memref<4096xi32, #tpu.memory_space<vmem>>[vector<16xi32>], vector<16xi32>,
      %parallel_loop3A_129 = arith.index_cast %parallel_loop3A_88 : i32 to index
      %parallel_loop3A_130 = arith.constant 256 : index
      %parallel_loop3A_131 = tpu.vector_load %arg4[%parallel_loop3A_129, %parallel_loop3A_130] {strides = array<i32>} : memref<128x512xi16, #tpu.memory_space<vmem>>, vector<32xi16>,
      %parallel_loop3A_132 = tpu.unpack_subelements %parallel_loop3A_131, 0 {pack_format = #tpu.pack_format<interleaved>} : vector<32xi16> -> vector<16xi32>
      %parallel_loop3A_133 = tpu.unpack_subelements %parallel_loop3A_131, 1 {pack_format = #tpu.pack_format<interleaved>} : vector<32xi16> -> vector<16xi32>
      tpu.vector_store_idx %arg6[%parallel_loop3A_132], %broadcast_in_dim3A_12 {add = true} : memref<4096xi32, #tpu.memory_space<vmem>>[vector<16xi32>], vector<16xi32>,
      tpu.vector_store_idx %arg7[%parallel_loop3A_133], %broadcast_in_dim3A_12 {add = true} : memref<4096xi32, #tpu.memory_space<vmem>>[vector<16xi32>], vector<16xi32>,
      %parallel_loop3A_134 = arith.index_cast %parallel_loop3A_88 : i32 to index
      %parallel_loop3A_135 = arith.constant 288 : index
      %parallel_loop3A_136 = tpu.vector_load %arg4[%parallel_loop3A_134, %parallel_loop3A_135] {strides = array<i32>} : memref<128x512xi16, #tpu.memory_space<vmem>>, vector<32xi16>,
      %parallel_loop3A_137 = tpu.unpack_subelements %parallel_loop3A_136, 0 {pack_format = #tpu.pack_format<interleaved>} : vector<32xi16> -> vector<16xi32>
      %parallel_loop3A_138 = tpu.unpack_subelements %parallel_loop3A_136, 1 {pack_format = #tpu.pack_format<interleaved>} : vector<32xi16> -> vector<16xi32>
      tpu.vector_store_idx %arg6[%parallel_loop3A_137], %broadcast_in_dim3A_12 {add = true} : memref<4096xi32, #tpu.memory_space<vmem>>[vector<16xi32>], vector<16xi32>,
      tpu.vector_store_idx %arg7[%parallel_loop3A_138], %broadcast_in_dim3A_12 {add = true} : memref<4096xi32, #tpu.memory_space<vmem>>[vector<16xi32>], vector<16xi32>,
      %parallel_loop3A_139 = arith.index_cast %parallel_loop3A_88 : i32 to index
      %parallel_loop3A_140 = arith.constant 320 : index
      %parallel_loop3A_141 = tpu.vector_load %arg4[%parallel_loop3A_139, %parallel_loop3A_140] {strides = array<i32>} : memref<128x512xi16, #tpu.memory_space<vmem>>, vector<32xi16>,
      %parallel_loop3A_142 = tpu.unpack_subelements %parallel_loop3A_141, 0 {pack_format = #tpu.pack_format<interleaved>} : vector<32xi16> -> vector<16xi32>
      %parallel_loop3A_143 = tpu.unpack_subelements %parallel_loop3A_141, 1 {pack_format = #tpu.pack_format<interleaved>} : vector<32xi16> -> vector<16xi32>
      tpu.vector_store_idx %arg6[%parallel_loop3A_142], %broadcast_in_dim3A_12 {add = true} : memref<4096xi32, #tpu.memory_space<vmem>>[vector<16xi32>], vector<16xi32>,
      tpu.vector_store_idx %arg7[%parallel_loop3A_143], %broadcast_in_dim3A_12 {add = true} : memref<4096xi32, #tpu.memory_space<vmem>>[vector<16xi32>], vector<16xi32>,
      %parallel_loop3A_144 = arith.index_cast %parallel_loop3A_88 : i32 to index
      %parallel_loop3A_145 = arith.constant 352 : index
      %parallel_loop3A_146 = tpu.vector_load %arg4[%parallel_loop3A_144, %parallel_loop3A_145] {strides = array<i32>} : memref<128x512xi16, #tpu.memory_space<vmem>>, vector<32xi16>,
      %parallel_loop3A_147 = tpu.unpack_subelements %parallel_loop3A_146, 0 {pack_format = #tpu.pack_format<interleaved>} : vector<32xi16> -> vector<16xi32>
      %parallel_loop3A_148 = tpu.unpack_subelements %parallel_loop3A_146, 1 {pack_format = #tpu.pack_format<interleaved>} : vector<32xi16> -> vector<16xi32>
      tpu.vector_store_idx %arg6[%parallel_loop3A_147], %broadcast_in_dim3A_12 {add = true} : memref<4096xi32, #tpu.memory_space<vmem>>[vector<16xi32>], vector<16xi32>,
      tpu.vector_store_idx %arg7[%parallel_loop3A_148], %broadcast_in_dim3A_12 {add = true} : memref<4096xi32, #tpu.memory_space<vmem>>[vector<16xi32>], vector<16xi32>,
      %parallel_loop3A_149 = arith.index_cast %parallel_loop3A_88 : i32 to index
      %parallel_loop3A_150 = arith.constant 384 : index
      %parallel_loop3A_151 = tpu.vector_load %arg4[%parallel_loop3A_149, %parallel_loop3A_150] {strides = array<i32>} : memref<128x512xi16, #tpu.memory_space<vmem>>, vector<32xi16>,
      %parallel_loop3A_152 = tpu.unpack_subelements %parallel_loop3A_151, 0 {pack_format = #tpu.pack_format<interleaved>} : vector<32xi16> -> vector<16xi32>
      %parallel_loop3A_153 = tpu.unpack_subelements %parallel_loop3A_151, 1 {pack_format = #tpu.pack_format<interleaved>} : vector<32xi16> -> vector<16xi32>
      tpu.vector_store_idx %arg6[%parallel_loop3A_152], %broadcast_in_dim3A_12 {add = true} : memref<4096xi32, #tpu.memory_space<vmem>>[vector<16xi32>], vector<16xi32>,
      tpu.vector_store_idx %arg7[%parallel_loop3A_153], %broadcast_in_dim3A_12 {add = true} : memref<4096xi32, #tpu.memory_space<vmem>>[vector<16xi32>], vector<16xi32>,
      %parallel_loop3A_154 = arith.index_cast %parallel_loop3A_88 : i32 to index
      %parallel_loop3A_155 = arith.constant 416 : index
      %parallel_loop3A_156 = tpu.vector_load %arg4[%parallel_loop3A_154, %parallel_loop3A_155] {strides = array<i32>} : memref<128x512xi16, #tpu.memory_space<vmem>>, vector<32xi16>,
      %parallel_loop3A_157 = tpu.unpack_subelements %parallel_loop3A_156, 0 {pack_format = #tpu.pack_format<interleaved>} : vector<32xi16> -> vector<16xi32>
      %parallel_loop3A_158 = tpu.unpack_subelements %parallel_loop3A_156, 1 {pack_format = #tpu.pack_format<interleaved>} : vector<32xi16> -> vector<16xi32>
      tpu.vector_store_idx %arg6[%parallel_loop3A_157], %broadcast_in_dim3A_12 {add = true} : memref<4096xi32, #tpu.memory_space<vmem>>[vector<16xi32>], vector<16xi32>,
      tpu.vector_store_idx %arg7[%parallel_loop3A_158], %broadcast_in_dim3A_12 {add = true} : memref<4096xi32, #tpu.memory_space<vmem>>[vector<16xi32>], vector<16xi32>,
      %parallel_loop3A_159 = arith.index_cast %parallel_loop3A_88 : i32 to index
      %parallel_loop3A_160 = arith.constant 448 : index
      %parallel_loop3A_161 = tpu.vector_load %arg4[%parallel_loop3A_159, %parallel_loop3A_160] {strides = array<i32>} : memref<128x512xi16, #tpu.memory_space<vmem>>, vector<32xi16>,
      %parallel_loop3A_162 = tpu.unpack_subelements %parallel_loop3A_161, 0 {pack_format = #tpu.pack_format<interleaved>} : vector<32xi16> -> vector<16xi32>
      %parallel_loop3A_163 = tpu.unpack_subelements %parallel_loop3A_161, 1 {pack_format = #tpu.pack_format<interleaved>} : vector<32xi16> -> vector<16xi32>
      tpu.vector_store_idx %arg6[%parallel_loop3A_162], %broadcast_in_dim3A_12 {add = true} : memref<4096xi32, #tpu.memory_space<vmem>>[vector<16xi32>], vector<16xi32>,
      tpu.vector_store_idx %arg7[%parallel_loop3A_163], %broadcast_in_dim3A_12 {add = true} : memref<4096xi32, #tpu.memory_space<vmem>>[vector<16xi32>], vector<16xi32>,
      %parallel_loop3A_164 = arith.index_cast %parallel_loop3A_88 : i32 to index
      %parallel_loop3A_165 = arith.constant 480 : index
      %parallel_loop3A_166 = tpu.vector_load %arg4[%parallel_loop3A_164, %parallel_loop3A_165] {strides = array<i32>} : memref<128x512xi16, #tpu.memory_space<vmem>>, vector<32xi16>,
      %parallel_loop3A_167 = tpu.unpack_subelements %parallel_loop3A_166, 0 {pack_format = #tpu.pack_format<interleaved>} : vector<32xi16> -> vector<16xi32>
      %parallel_loop3A_168 = tpu.unpack_subelements %parallel_loop3A_166, 1 {pack_format = #tpu.pack_format<interleaved>} : vector<32xi16> -> vector<16xi32>
      tpu.vector_store_idx %arg6[%parallel_loop3A_167], %broadcast_in_dim3A_12 {add = true} : memref<4096xi32, #tpu.memory_space<vmem>>[vector<16xi32>], vector<16xi32>,
      tpu.vector_store_idx %arg7[%parallel_loop3A_168], %broadcast_in_dim3A_12 {add = true} : memref<4096xi32, #tpu.memory_space<vmem>>[vector<16xi32>], vector<16xi32>,
    } {sc.loop_unroll_factor = 1 : i64, sc.parallel_access}
    %dma_wait3A_28 = arith.constant 0 : i32
    %dma_wait3A_29 = tpu.memref_slice %arg2[%multiple_of3A_20, %dma_wait3A_28] : memref<16384x512xi16, #tpu.memory_space<hbm>> -> memref<128x512xi16, #tpu.memory_space<hbm>>
    %dma_wait3A_30 = arith.constant 0 : i32
    %dma_wait3A_31 = tpu.memref_slice %arg2[%multiple_of3A_20, %dma_wait3A_30] : memref<16384x512xi16, #tpu.memory_space<hbm>> -> memref<128x512xi16, #tpu.memory_space<hbm>>
    tpu.wait_dma2 semaphore(%arg10 : memref<!tpu.dma_semaphore, #tpu.memory_space<semaphore_mem>>) src(%dma_wait3A_31 : memref<128x512xi16, #tpu.memory_space<hbm>>) dst(%arg5 : memref<128x512xi16, #tpu.memory_space<vmem>>)
    %mul3A_32 = arith.constant 512 : i32
    %mul3A_33 = arith.muli %add3A, %mul3A_32 : i32
    %add3A_34 = arith.constant 256 : i32
    %add3A_35 = arith.addi %mul3A_33, %add3A_34 : i32
    %multiple_of3A_36 = tpu.assume_multiple %add3A_35, 128 : i32
    %dma_start3A_37 = arith.constant 0 : i32
    %dma_start3A_38 = tpu.memref_slice %arg2[%multiple_of3A_36, %dma_start3A_37] : memref<16384x512xi16, #tpu.memory_space<hbm>> -> memref<128x512xi16, #tpu.memory_space<hbm>>
    %dma_start3A_39 = arith.constant 0 : i32
    %dma_start3A_40 = tpu.memref_slice %arg2[%multiple_of3A_36, %dma_start3A_39] : memref<16384x512xi16, #tpu.memory_space<hbm>> -> memref<128x512xi16, #tpu.memory_space<hbm>>
    tpu.enqueue_dma source(%dma_start3A_40 : memref<128x512xi16, #tpu.memory_space<hbm>>) target(%arg4 : memref<128x512xi16, #tpu.memory_space<vmem>>) target_semaphore(%arg9 : memref<!tpu.dma_semaphore, #tpu.memory_space<semaphore_mem>>)
    %parallel_loop3A_41 = arith.constant 0 : i32
    %parallel_loop3A_42 = arith.constant 128 : i32
    %parallel_loop3A_43 = arith.constant 1 : i32
    scf.for %parallel_loop3A_88 = %parallel_loop3A_41 to %parallel_loop3A_42 step %parallel_loop3A_43  : i32 {
      %parallel_loop3A_89 = arith.index_cast %parallel_loop3A_88 : i32 to index
      %parallel_loop3A_90 = arith.constant 0 : index
      %parallel_loop3A_91 = tpu.vector_load %arg5[%parallel_loop3A_89, %parallel_loop3A_90] {strides = array<i32>} : memref<128x512xi16, #tpu.memory_space<vmem>>, vector<32xi16>,
      %parallel_loop3A_92 = tpu.unpack_subelements %parallel_loop3A_91, 0 {pack_format = #tpu.pack_format<interleaved>} : vector<32xi16> -> vector<16xi32>
      %parallel_loop3A_93 = tpu.unpack_subelements %parallel_loop3A_91, 1 {pack_format = #tpu.pack_format<interleaved>} : vector<32xi16> -> vector<16xi32>
      tpu.vector_store_idx %arg6[%parallel_loop3A_92], %broadcast_in_dim3A_12 {add = true} : memref<4096xi32, #tpu.memory_space<vmem>>[vector<16xi32>], vector<16xi32>,
      tpu.vector_store_idx %arg7[%parallel_loop3A_93], %broadcast_in_dim3A_12 {add = true} : memref<4096xi32, #tpu.memory_space<vmem>>[vector<16xi32>], vector<16xi32>,
      %parallel_loop3A_94 = arith.index_cast %parallel_loop3A_88 : i32 to index
      %parallel_loop3A_95 = arith.constant 32 : index
      %parallel_loop3A_96 = tpu.vector_load %arg5[%parallel_loop3A_94, %parallel_loop3A_95] {strides = array<i32>} : memref<128x512xi16, #tpu.memory_space<vmem>>, vector<32xi16>,
      %parallel_loop3A_97 = tpu.unpack_subelements %parallel_loop3A_96, 0 {pack_format = #tpu.pack_format<interleaved>} : vector<32xi16> -> vector<16xi32>
      %parallel_loop3A_98 = tpu.unpack_subelements %parallel_loop3A_96, 1 {pack_format = #tpu.pack_format<interleaved>} : vector<32xi16> -> vector<16xi32>
      tpu.vector_store_idx %arg6[%parallel_loop3A_97], %broadcast_in_dim3A_12 {add = true} : memref<4096xi32, #tpu.memory_space<vmem>>[vector<16xi32>], vector<16xi32>,
      tpu.vector_store_idx %arg7[%parallel_loop3A_98], %broadcast_in_dim3A_12 {add = true} : memref<4096xi32, #tpu.memory_space<vmem>>[vector<16xi32>], vector<16xi32>,
      %parallel_loop3A_99 = arith.index_cast %parallel_loop3A_88 : i32 to index
      %parallel_loop3A_100 = arith.constant 64 : index
      %parallel_loop3A_101 = tpu.vector_load %arg5[%parallel_loop3A_99, %parallel_loop3A_100] {strides = array<i32>} : memref<128x512xi16, #tpu.memory_space<vmem>>, vector<32xi16>,
      %parallel_loop3A_102 = tpu.unpack_subelements %parallel_loop3A_101, 0 {pack_format = #tpu.pack_format<interleaved>} : vector<32xi16> -> vector<16xi32>
      %parallel_loop3A_103 = tpu.unpack_subelements %parallel_loop3A_101, 1 {pack_format = #tpu.pack_format<interleaved>} : vector<32xi16> -> vector<16xi32>
      tpu.vector_store_idx %arg6[%parallel_loop3A_102], %broadcast_in_dim3A_12 {add = true} : memref<4096xi32, #tpu.memory_space<vmem>>[vector<16xi32>], vector<16xi32>,
      tpu.vector_store_idx %arg7[%parallel_loop3A_103], %broadcast_in_dim3A_12 {add = true} : memref<4096xi32, #tpu.memory_space<vmem>>[vector<16xi32>], vector<16xi32>,
      %parallel_loop3A_104 = arith.index_cast %parallel_loop3A_88 : i32 to index
      %parallel_loop3A_105 = arith.constant 96 : index
      %parallel_loop3A_106 = tpu.vector_load %arg5[%parallel_loop3A_104, %parallel_loop3A_105] {strides = array<i32>} : memref<128x512xi16, #tpu.memory_space<vmem>>, vector<32xi16>,
      %parallel_loop3A_107 = tpu.unpack_subelements %parallel_loop3A_106, 0 {pack_format = #tpu.pack_format<interleaved>} : vector<32xi16> -> vector<16xi32>
      %parallel_loop3A_108 = tpu.unpack_subelements %parallel_loop3A_106, 1 {pack_format = #tpu.pack_format<interleaved>} : vector<32xi16> -> vector<16xi32>
      tpu.vector_store_idx %arg6[%parallel_loop3A_107], %broadcast_in_dim3A_12 {add = true} : memref<4096xi32, #tpu.memory_space<vmem>>[vector<16xi32>], vector<16xi32>,
      tpu.vector_store_idx %arg7[%parallel_loop3A_108], %broadcast_in_dim3A_12 {add = true} : memref<4096xi32, #tpu.memory_space<vmem>>[vector<16xi32>], vector<16xi32>,
      %parallel_loop3A_109 = arith.index_cast %parallel_loop3A_88 : i32 to index
      %parallel_loop3A_110 = arith.constant 128 : index
      %parallel_loop3A_111 = tpu.vector_load %arg5[%parallel_loop3A_109, %parallel_loop3A_110] {strides = array<i32>} : memref<128x512xi16, #tpu.memory_space<vmem>>, vector<32xi16>,
      %parallel_loop3A_112 = tpu.unpack_subelements %parallel_loop3A_111, 0 {pack_format = #tpu.pack_format<interleaved>} : vector<32xi16> -> vector<16xi32>
      %parallel_loop3A_113 = tpu.unpack_subelements %parallel_loop3A_111, 1 {pack_format = #tpu.pack_format<interleaved>} : vector<32xi16> -> vector<16xi32>
      tpu.vector_store_idx %arg6[%parallel_loop3A_112], %broadcast_in_dim3A_12 {add = true} : memref<4096xi32, #tpu.memory_space<vmem>>[vector<16xi32>], vector<16xi32>,
      tpu.vector_store_idx %arg7[%parallel_loop3A_113], %broadcast_in_dim3A_12 {add = true} : memref<4096xi32, #tpu.memory_space<vmem>>[vector<16xi32>], vector<16xi32>,
      %parallel_loop3A_114 = arith.index_cast %parallel_loop3A_88 : i32 to index
      %parallel_loop3A_115 = arith.constant 160 : index
      %parallel_loop3A_116 = tpu.vector_load %arg5[%parallel_loop3A_114, %parallel_loop3A_115] {strides = array<i32>} : memref<128x512xi16, #tpu.memory_space<vmem>>, vector<32xi16>,
      %parallel_loop3A_117 = tpu.unpack_subelements %parallel_loop3A_116, 0 {pack_format = #tpu.pack_format<interleaved>} : vector<32xi16> -> vector<16xi32>
      %parallel_loop3A_118 = tpu.unpack_subelements %parallel_loop3A_116, 1 {pack_format = #tpu.pack_format<interleaved>} : vector<32xi16> -> vector<16xi32>
      tpu.vector_store_idx %arg6[%parallel_loop3A_117], %broadcast_in_dim3A_12 {add = true} : memref<4096xi32, #tpu.memory_space<vmem>>[vector<16xi32>], vector<16xi32>,
      tpu.vector_store_idx %arg7[%parallel_loop3A_118], %broadcast_in_dim3A_12 {add = true} : memref<4096xi32, #tpu.memory_space<vmem>>[vector<16xi32>], vector<16xi32>,
      %parallel_loop3A_119 = arith.index_cast %parallel_loop3A_88 : i32 to index
      %parallel_loop3A_120 = arith.constant 192 : index
      %parallel_loop3A_121 = tpu.vector_load %arg5[%parallel_loop3A_119, %parallel_loop3A_120] {strides = array<i32>} : memref<128x512xi16, #tpu.memory_space<vmem>>, vector<32xi16>,
      %parallel_loop3A_122 = tpu.unpack_subelements %parallel_loop3A_121, 0 {pack_format = #tpu.pack_format<interleaved>} : vector<32xi16> -> vector<16xi32>
      %parallel_loop3A_123 = tpu.unpack_subelements %parallel_loop3A_121, 1 {pack_format = #tpu.pack_format<interleaved>} : vector<32xi16> -> vector<16xi32>
      tpu.vector_store_idx %arg6[%parallel_loop3A_122], %broadcast_in_dim3A_12 {add = true} : memref<4096xi32, #tpu.memory_space<vmem>>[vector<16xi32>], vector<16xi32>,
      tpu.vector_store_idx %arg7[%parallel_loop3A_123], %broadcast_in_dim3A_12 {add = true} : memref<4096xi32, #tpu.memory_space<vmem>>[vector<16xi32>], vector<16xi32>,
      %parallel_loop3A_124 = arith.index_cast %parallel_loop3A_88 : i32 to index
      %parallel_loop3A_125 = arith.constant 224 : index
      %parallel_loop3A_126 = tpu.vector_load %arg5[%parallel_loop3A_124, %parallel_loop3A_125] {strides = array<i32>} : memref<128x512xi16, #tpu.memory_space<vmem>>, vector<32xi16>,
      %parallel_loop3A_127 = tpu.unpack_subelements %parallel_loop3A_126, 0 {pack_format = #tpu.pack_format<interleaved>} : vector<32xi16> -> vector<16xi32>
      %parallel_loop3A_128 = tpu.unpack_subelements %parallel_loop3A_126, 1 {pack_format = #tpu.pack_format<interleaved>} : vector<32xi16> -> vector<16xi32>
      tpu.vector_store_idx %arg6[%parallel_loop3A_127], %broadcast_in_dim3A_12 {add = true} : memref<4096xi32, #tpu.memory_space<vmem>>[vector<16xi32>], vector<16xi32>,
      tpu.vector_store_idx %arg7[%parallel_loop3A_128], %broadcast_in_dim3A_12 {add = true} : memref<4096xi32, #tpu.memory_space<vmem>>[vector<16xi32>], vector<16xi32>,
      %parallel_loop3A_129 = arith.index_cast %parallel_loop3A_88 : i32 to index
      %parallel_loop3A_130 = arith.constant 256 : index
      %parallel_loop3A_131 = tpu.vector_load %arg5[%parallel_loop3A_129, %parallel_loop3A_130] {strides = array<i32>} : memref<128x512xi16, #tpu.memory_space<vmem>>, vector<32xi16>,
      %parallel_loop3A_132 = tpu.unpack_subelements %parallel_loop3A_131, 0 {pack_format = #tpu.pack_format<interleaved>} : vector<32xi16> -> vector<16xi32>
      %parallel_loop3A_133 = tpu.unpack_subelements %parallel_loop3A_131, 1 {pack_format = #tpu.pack_format<interleaved>} : vector<32xi16> -> vector<16xi32>
      tpu.vector_store_idx %arg6[%parallel_loop3A_132], %broadcast_in_dim3A_12 {add = true} : memref<4096xi32, #tpu.memory_space<vmem>>[vector<16xi32>], vector<16xi32>,
      tpu.vector_store_idx %arg7[%parallel_loop3A_133], %broadcast_in_dim3A_12 {add = true} : memref<4096xi32, #tpu.memory_space<vmem>>[vector<16xi32>], vector<16xi32>,
      %parallel_loop3A_134 = arith.index_cast %parallel_loop3A_88 : i32 to index
      %parallel_loop3A_135 = arith.constant 288 : index
      %parallel_loop3A_136 = tpu.vector_load %arg5[%parallel_loop3A_134, %parallel_loop3A_135] {strides = array<i32>} : memref<128x512xi16, #tpu.memory_space<vmem>>, vector<32xi16>,
      %parallel_loop3A_137 = tpu.unpack_subelements %parallel_loop3A_136, 0 {pack_format = #tpu.pack_format<interleaved>} : vector<32xi16> -> vector<16xi32>
      %parallel_loop3A_138 = tpu.unpack_subelements %parallel_loop3A_136, 1 {pack_format = #tpu.pack_format<interleaved>} : vector<32xi16> -> vector<16xi32>
      tpu.vector_store_idx %arg6[%parallel_loop3A_137], %broadcast_in_dim3A_12 {add = true} : memref<4096xi32, #tpu.memory_space<vmem>>[vector<16xi32>], vector<16xi32>,
      tpu.vector_store_idx %arg7[%parallel_loop3A_138], %broadcast_in_dim3A_12 {add = true} : memref<4096xi32, #tpu.memory_space<vmem>>[vector<16xi32>], vector<16xi32>,
      %parallel_loop3A_139 = arith.index_cast %parallel_loop3A_88 : i32 to index
      %parallel_loop3A_140 = arith.constant 320 : index
      %parallel_loop3A_141 = tpu.vector_load %arg5[%parallel_loop3A_139, %parallel_loop3A_140] {strides = array<i32>} : memref<128x512xi16, #tpu.memory_space<vmem>>, vector<32xi16>,
      %parallel_loop3A_142 = tpu.unpack_subelements %parallel_loop3A_141, 0 {pack_format = #tpu.pack_format<interleaved>} : vector<32xi16> -> vector<16xi32>
      %parallel_loop3A_143 = tpu.unpack_subelements %parallel_loop3A_141, 1 {pack_format = #tpu.pack_format<interleaved>} : vector<32xi16> -> vector<16xi32>
      tpu.vector_store_idx %arg6[%parallel_loop3A_142], %broadcast_in_dim3A_12 {add = true} : memref<4096xi32, #tpu.memory_space<vmem>>[vector<16xi32>], vector<16xi32>,
      tpu.vector_store_idx %arg7[%parallel_loop3A_143], %broadcast_in_dim3A_12 {add = true} : memref<4096xi32, #tpu.memory_space<vmem>>[vector<16xi32>], vector<16xi32>,
      %parallel_loop3A_144 = arith.index_cast %parallel_loop3A_88 : i32 to index
      %parallel_loop3A_145 = arith.constant 352 : index
      %parallel_loop3A_146 = tpu.vector_load %arg5[%parallel_loop3A_144, %parallel_loop3A_145] {strides = array<i32>} : memref<128x512xi16, #tpu.memory_space<vmem>>, vector<32xi16>,
      %parallel_loop3A_147 = tpu.unpack_subelements %parallel_loop3A_146, 0 {pack_format = #tpu.pack_format<interleaved>} : vector<32xi16> -> vector<16xi32>
      %parallel_loop3A_148 = tpu.unpack_subelements %parallel_loop3A_146, 1 {pack_format = #tpu.pack_format<interleaved>} : vector<32xi16> -> vector<16xi32>
      tpu.vector_store_idx %arg6[%parallel_loop3A_147], %broadcast_in_dim3A_12 {add = true} : memref<4096xi32, #tpu.memory_space<vmem>>[vector<16xi32>], vector<16xi32>,
      tpu.vector_store_idx %arg7[%parallel_loop3A_148], %broadcast_in_dim3A_12 {add = true} : memref<4096xi32, #tpu.memory_space<vmem>>[vector<16xi32>], vector<16xi32>,
      %parallel_loop3A_149 = arith.index_cast %parallel_loop3A_88 : i32 to index
      %parallel_loop3A_150 = arith.constant 384 : index
      %parallel_loop3A_151 = tpu.vector_load %arg5[%parallel_loop3A_149, %parallel_loop3A_150] {strides = array<i32>} : memref<128x512xi16, #tpu.memory_space<vmem>>, vector<32xi16>,
      %parallel_loop3A_152 = tpu.unpack_subelements %parallel_loop3A_151, 0 {pack_format = #tpu.pack_format<interleaved>} : vector<32xi16> -> vector<16xi32>
      %parallel_loop3A_153 = tpu.unpack_subelements %parallel_loop3A_151, 1 {pack_format = #tpu.pack_format<interleaved>} : vector<32xi16> -> vector<16xi32>
      tpu.vector_store_idx %arg6[%parallel_loop3A_152], %broadcast_in_dim3A_12 {add = true} : memref<4096xi32, #tpu.memory_space<vmem>>[vector<16xi32>], vector<16xi32>,
      tpu.vector_store_idx %arg7[%parallel_loop3A_153], %broadcast_in_dim3A_12 {add = true} : memref<4096xi32, #tpu.memory_space<vmem>>[vector<16xi32>], vector<16xi32>,
      %parallel_loop3A_154 = arith.index_cast %parallel_loop3A_88 : i32 to index
      %parallel_loop3A_155 = arith.constant 416 : index
      %parallel_loop3A_156 = tpu.vector_load %arg5[%parallel_loop3A_154, %parallel_loop3A_155] {strides = array<i32>} : memref<128x512xi16, #tpu.memory_space<vmem>>, vector<32xi16>,
      %parallel_loop3A_157 = tpu.unpack_subelements %parallel_loop3A_156, 0 {pack_format = #tpu.pack_format<interleaved>} : vector<32xi16> -> vector<16xi32>
      %parallel_loop3A_158 = tpu.unpack_subelements %parallel_loop3A_156, 1 {pack_format = #tpu.pack_format<interleaved>} : vector<32xi16> -> vector<16xi32>
      tpu.vector_store_idx %arg6[%parallel_loop3A_157], %broadcast_in_dim3A_12 {add = true} : memref<4096xi32, #tpu.memory_space<vmem>>[vector<16xi32>], vector<16xi32>,
      tpu.vector_store_idx %arg7[%parallel_loop3A_158], %broadcast_in_dim3A_12 {add = true} : memref<4096xi32, #tpu.memory_space<vmem>>[vector<16xi32>], vector<16xi32>,
      %parallel_loop3A_159 = arith.index_cast %parallel_loop3A_88 : i32 to index
      %parallel_loop3A_160 = arith.constant 448 : index
      %parallel_loop3A_161 = tpu.vector_load %arg5[%parallel_loop3A_159, %parallel_loop3A_160] {strides = array<i32>} : memref<128x512xi16, #tpu.memory_space<vmem>>, vector<32xi16>,
      %parallel_loop3A_162 = tpu.unpack_subelements %parallel_loop3A_161, 0 {pack_format = #tpu.pack_format<interleaved>} : vector<32xi16> -> vector<16xi32>
      %parallel_loop3A_163 = tpu.unpack_subelements %parallel_loop3A_161, 1 {pack_format = #tpu.pack_format<interleaved>} : vector<32xi16> -> vector<16xi32>
      tpu.vector_store_idx %arg6[%parallel_loop3A_162], %broadcast_in_dim3A_12 {add = true} : memref<4096xi32, #tpu.memory_space<vmem>>[vector<16xi32>], vector<16xi32>,
      tpu.vector_store_idx %arg7[%parallel_loop3A_163], %broadcast_in_dim3A_12 {add = true} : memref<4096xi32, #tpu.memory_space<vmem>>[vector<16xi32>], vector<16xi32>,
      %parallel_loop3A_164 = arith.index_cast %parallel_loop3A_88 : i32 to index
      %parallel_loop3A_165 = arith.constant 480 : index
      %parallel_loop3A_166 = tpu.vector_load %arg5[%parallel_loop3A_164, %parallel_loop3A_165] {strides = array<i32>} : memref<128x512xi16, #tpu.memory_space<vmem>>, vector<32xi16>,
      %parallel_loop3A_167 = tpu.unpack_subelements %parallel_loop3A_166, 0 {pack_format = #tpu.pack_format<interleaved>} : vector<32xi16> -> vector<16xi32>
      %parallel_loop3A_168 = tpu.unpack_subelements %parallel_loop3A_166, 1 {pack_format = #tpu.pack_format<interleaved>} : vector<32xi16> -> vector<16xi32>
      tpu.vector_store_idx %arg6[%parallel_loop3A_167], %broadcast_in_dim3A_12 {add = true} : memref<4096xi32, #tpu.memory_space<vmem>>[vector<16xi32>], vector<16xi32>,
      tpu.vector_store_idx %arg7[%parallel_loop3A_168], %broadcast_in_dim3A_12 {add = true} : memref<4096xi32, #tpu.memory_space<vmem>>[vector<16xi32>], vector<16xi32>,
    } {sc.loop_unroll_factor = 1 : i64, sc.parallel_access}
    %dma_wait3A_44 = arith.constant 0 : i32
    %dma_wait3A_45 = tpu.memref_slice %arg2[%multiple_of3A_36, %dma_wait3A_44] : memref<16384x512xi16, #tpu.memory_space<hbm>> -> memref<128x512xi16, #tpu.memory_space<hbm>>
    %dma_wait3A_46 = arith.constant 0 : i32
    %dma_wait3A_47 = tpu.memref_slice %arg2[%multiple_of3A_36, %dma_wait3A_46] : memref<16384x512xi16, #tpu.memory_space<hbm>> -> memref<128x512xi16, #tpu.memory_space<hbm>>
    tpu.wait_dma2 semaphore(%arg9 : memref<!tpu.dma_semaphore, #tpu.memory_space<semaphore_mem>>) src(%dma_wait3A_47 : memref<128x512xi16, #tpu.memory_space<hbm>>) dst(%arg4 : memref<128x512xi16, #tpu.memory_space<vmem>>)
    %mul3A_48 = arith.constant 512 : i32
    %mul3A_49 = arith.muli %add3A, %mul3A_48 : i32
    %add3A_50 = arith.constant 384 : i32
    %add3A_51 = arith.addi %mul3A_49, %add3A_50 : i32
    %multiple_of3A_52 = tpu.assume_multiple %add3A_51, 128 : i32
    %dma_start3A_53 = arith.constant 0 : i32
    %dma_start3A_54 = tpu.memref_slice %arg2[%multiple_of3A_52, %dma_start3A_53] : memref<16384x512xi16, #tpu.memory_space<hbm>> -> memref<128x512xi16, #tpu.memory_space<hbm>>
    %dma_start3A_55 = arith.constant 0 : i32
    %dma_start3A_56 = tpu.memref_slice %arg2[%multiple_of3A_52, %dma_start3A_55] : memref<16384x512xi16, #tpu.memory_space<hbm>> -> memref<128x512xi16, #tpu.memory_space<hbm>>
    tpu.enqueue_dma source(%dma_start3A_56 : memref<128x512xi16, #tpu.memory_space<hbm>>) target(%arg5 : memref<128x512xi16, #tpu.memory_space<vmem>>) target_semaphore(%arg10 : memref<!tpu.dma_semaphore, #tpu.memory_space<semaphore_mem>>)
    %parallel_loop3A_57 = arith.constant 0 : i32
    %parallel_loop3A_58 = arith.constant 128 : i32
    %parallel_loop3A_59 = arith.constant 1 : i32
    scf.for %parallel_loop3A_88 = %parallel_loop3A_57 to %parallel_loop3A_58 step %parallel_loop3A_59  : i32 {
      %parallel_loop3A_89 = arith.index_cast %parallel_loop3A_88 : i32 to index
      %parallel_loop3A_90 = arith.constant 0 : index
      %parallel_loop3A_91 = tpu.vector_load %arg4[%parallel_loop3A_89, %parallel_loop3A_90] {strides = array<i32>} : memref<128x512xi16, #tpu.memory_space<vmem>>, vector<32xi16>,
      %parallel_loop3A_92 = tpu.unpack_subelements %parallel_loop3A_91, 0 {pack_format = #tpu.pack_format<interleaved>} : vector<32xi16> -> vector<16xi32>
      %parallel_loop3A_93 = tpu.unpack_subelements %parallel_loop3A_91, 1 {pack_format = #tpu.pack_format<interleaved>} : vector<32xi16> -> vector<16xi32>
      tpu.vector_store_idx %arg6[%parallel_loop3A_92], %broadcast_in_dim3A_12 {add = true} : memref<4096xi32, #tpu.memory_space<vmem>>[vector<16xi32>], vector<16xi32>,
      tpu.vector_store_idx %arg7[%parallel_loop3A_93], %broadcast_in_dim3A_12 {add = true} : memref<4096xi32, #tpu.memory_space<vmem>>[vector<16xi32>], vector<16xi32>,
      %parallel_loop3A_94 = arith.index_cast %parallel_loop3A_88 : i32 to index
      %parallel_loop3A_95 = arith.constant 32 : index
      %parallel_loop3A_96 = tpu.vector_load %arg4[%parallel_loop3A_94, %parallel_loop3A_95] {strides = array<i32>} : memref<128x512xi16, #tpu.memory_space<vmem>>, vector<32xi16>,
      %parallel_loop3A_97 = tpu.unpack_subelements %parallel_loop3A_96, 0 {pack_format = #tpu.pack_format<interleaved>} : vector<32xi16> -> vector<16xi32>
      %parallel_loop3A_98 = tpu.unpack_subelements %parallel_loop3A_96, 1 {pack_format = #tpu.pack_format<interleaved>} : vector<32xi16> -> vector<16xi32>
      tpu.vector_store_idx %arg6[%parallel_loop3A_97], %broadcast_in_dim3A_12 {add = true} : memref<4096xi32, #tpu.memory_space<vmem>>[vector<16xi32>], vector<16xi32>,
      tpu.vector_store_idx %arg7[%parallel_loop3A_98], %broadcast_in_dim3A_12 {add = true} : memref<4096xi32, #tpu.memory_space<vmem>>[vector<16xi32>], vector<16xi32>,
      %parallel_loop3A_99 = arith.index_cast %parallel_loop3A_88 : i32 to index
      %parallel_loop3A_100 = arith.constant 64 : index
      %parallel_loop3A_101 = tpu.vector_load %arg4[%parallel_loop3A_99, %parallel_loop3A_100] {strides = array<i32>} : memref<128x512xi16, #tpu.memory_space<vmem>>, vector<32xi16>,
      %parallel_loop3A_102 = tpu.unpack_subelements %parallel_loop3A_101, 0 {pack_format = #tpu.pack_format<interleaved>} : vector<32xi16> -> vector<16xi32>
      %parallel_loop3A_103 = tpu.unpack_subelements %parallel_loop3A_101, 1 {pack_format = #tpu.pack_format<interleaved>} : vector<32xi16> -> vector<16xi32>
      tpu.vector_store_idx %arg6[%parallel_loop3A_102], %broadcast_in_dim3A_12 {add = true} : memref<4096xi32, #tpu.memory_space<vmem>>[vector<16xi32>], vector<16xi32>,
      tpu.vector_store_idx %arg7[%parallel_loop3A_103], %broadcast_in_dim3A_12 {add = true} : memref<4096xi32, #tpu.memory_space<vmem>>[vector<16xi32>], vector<16xi32>,
      %parallel_loop3A_104 = arith.index_cast %parallel_loop3A_88 : i32 to index
      %parallel_loop3A_105 = arith.constant 96 : index
      %parallel_loop3A_106 = tpu.vector_load %arg4[%parallel_loop3A_104, %parallel_loop3A_105] {strides = array<i32>} : memref<128x512xi16, #tpu.memory_space<vmem>>, vector<32xi16>,
      %parallel_loop3A_107 = tpu.unpack_subelements %parallel_loop3A_106, 0 {pack_format = #tpu.pack_format<interleaved>} : vector<32xi16> -> vector<16xi32>
      %parallel_loop3A_108 = tpu.unpack_subelements %parallel_loop3A_106, 1 {pack_format = #tpu.pack_format<interleaved>} : vector<32xi16> -> vector<16xi32>
      tpu.vector_store_idx %arg6[%parallel_loop3A_107], %broadcast_in_dim3A_12 {add = true} : memref<4096xi32, #tpu.memory_space<vmem>>[vector<16xi32>], vector<16xi32>,
      tpu.vector_store_idx %arg7[%parallel_loop3A_108], %broadcast_in_dim3A_12 {add = true} : memref<4096xi32, #tpu.memory_space<vmem>>[vector<16xi32>], vector<16xi32>,
      %parallel_loop3A_109 = arith.index_cast %parallel_loop3A_88 : i32 to index
      %parallel_loop3A_110 = arith.constant 128 : index
      %parallel_loop3A_111 = tpu.vector_load %arg4[%parallel_loop3A_109, %parallel_loop3A_110] {strides = array<i32>} : memref<128x512xi16, #tpu.memory_space<vmem>>, vector<32xi16>,
      %parallel_loop3A_112 = tpu.unpack_subelements %parallel_loop3A_111, 0 {pack_format = #tpu.pack_format<interleaved>} : vector<32xi16> -> vector<16xi32>
      %parallel_loop3A_113 = tpu.unpack_subelements %parallel_loop3A_111, 1 {pack_format = #tpu.pack_format<interleaved>} : vector<32xi16> -> vector<16xi32>
      tpu.vector_store_idx %arg6[%parallel_loop3A_112], %broadcast_in_dim3A_12 {add = true} : memref<4096xi32, #tpu.memory_space<vmem>>[vector<16xi32>], vector<16xi32>,
      tpu.vector_store_idx %arg7[%parallel_loop3A_113], %broadcast_in_dim3A_12 {add = true} : memref<4096xi32, #tpu.memory_space<vmem>>[vector<16xi32>], vector<16xi32>,
      %parallel_loop3A_114 = arith.index_cast %parallel_loop3A_88 : i32 to index
      %parallel_loop3A_115 = arith.constant 160 : index
      %parallel_loop3A_116 = tpu.vector_load %arg4[%parallel_loop3A_114, %parallel_loop3A_115] {strides = array<i32>} : memref<128x512xi16, #tpu.memory_space<vmem>>, vector<32xi16>,
      %parallel_loop3A_117 = tpu.unpack_subelements %parallel_loop3A_116, 0 {pack_format = #tpu.pack_format<interleaved>} : vector<32xi16> -> vector<16xi32>
      %parallel_loop3A_118 = tpu.unpack_subelements %parallel_loop3A_116, 1 {pack_format = #tpu.pack_format<interleaved>} : vector<32xi16> -> vector<16xi32>
      tpu.vector_store_idx %arg6[%parallel_loop3A_117], %broadcast_in_dim3A_12 {add = true} : memref<4096xi32, #tpu.memory_space<vmem>>[vector<16xi32>], vector<16xi32>,
      tpu.vector_store_idx %arg7[%parallel_loop3A_118], %broadcast_in_dim3A_12 {add = true} : memref<4096xi32, #tpu.memory_space<vmem>>[vector<16xi32>], vector<16xi32>,
      %parallel_loop3A_119 = arith.index_cast %parallel_loop3A_88 : i32 to index
      %parallel_loop3A_120 = arith.constant 192 : index
      %parallel_loop3A_121 = tpu.vector_load %arg4[%parallel_loop3A_119, %parallel_loop3A_120] {strides = array<i32>} : memref<128x512xi16, #tpu.memory_space<vmem>>, vector<32xi16>,
      %parallel_loop3A_122 = tpu.unpack_subelements %parallel_loop3A_121, 0 {pack_format = #tpu.pack_format<interleaved>} : vector<32xi16> -> vector<16xi32>
      %parallel_loop3A_123 = tpu.unpack_subelements %parallel_loop3A_121, 1 {pack_format = #tpu.pack_format<interleaved>} : vector<32xi16> -> vector<16xi32>
      tpu.vector_store_idx %arg6[%parallel_loop3A_122], %broadcast_in_dim3A_12 {add = true} : memref<4096xi32, #tpu.memory_space<vmem>>[vector<16xi32>], vector<16xi32>,
      tpu.vector_store_idx %arg7[%parallel_loop3A_123], %broadcast_in_dim3A_12 {add = true} : memref<4096xi32, #tpu.memory_space<vmem>>[vector<16xi32>], vector<16xi32>,
      %parallel_loop3A_124 = arith.index_cast %parallel_loop3A_88 : i32 to index
      %parallel_loop3A_125 = arith.constant 224 : index
      %parallel_loop3A_126 = tpu.vector_load %arg4[%parallel_loop3A_124, %parallel_loop3A_125] {strides = array<i32>} : memref<128x512xi16, #tpu.memory_space<vmem>>, vector<32xi16>,
      %parallel_loop3A_127 = tpu.unpack_subelements %parallel_loop3A_126, 0 {pack_format = #tpu.pack_format<interleaved>} : vector<32xi16> -> vector<16xi32>
      %parallel_loop3A_128 = tpu.unpack_subelements %parallel_loop3A_126, 1 {pack_format = #tpu.pack_format<interleaved>} : vector<32xi16> -> vector<16xi32>
      tpu.vector_store_idx %arg6[%parallel_loop3A_127], %broadcast_in_dim3A_12 {add = true} : memref<4096xi32, #tpu.memory_space<vmem>>[vector<16xi32>], vector<16xi32>,
      tpu.vector_store_idx %arg7[%parallel_loop3A_128], %broadcast_in_dim3A_12 {add = true} : memref<4096xi32, #tpu.memory_space<vmem>>[vector<16xi32>], vector<16xi32>,
      %parallel_loop3A_129 = arith.index_cast %parallel_loop3A_88 : i32 to index
      %parallel_loop3A_130 = arith.constant 256 : index
      %parallel_loop3A_131 = tpu.vector_load %arg4[%parallel_loop3A_129, %parallel_loop3A_130] {strides = array<i32>} : memref<128x512xi16, #tpu.memory_space<vmem>>, vector<32xi16>,
      %parallel_loop3A_132 = tpu.unpack_subelements %parallel_loop3A_131, 0 {pack_format = #tpu.pack_format<interleaved>} : vector<32xi16> -> vector<16xi32>
      %parallel_loop3A_133 = tpu.unpack_subelements %parallel_loop3A_131, 1 {pack_format = #tpu.pack_format<interleaved>} : vector<32xi16> -> vector<16xi32>
      tpu.vector_store_idx %arg6[%parallel_loop3A_132], %broadcast_in_dim3A_12 {add = true} : memref<4096xi32, #tpu.memory_space<vmem>>[vector<16xi32>], vector<16xi32>,
      tpu.vector_store_idx %arg7[%parallel_loop3A_133], %broadcast_in_dim3A_12 {add = true} : memref<4096xi32, #tpu.memory_space<vmem>>[vector<16xi32>], vector<16xi32>,
      %parallel_loop3A_134 = arith.index_cast %parallel_loop3A_88 : i32 to index
      %parallel_loop3A_135 = arith.constant 288 : index
      %parallel_loop3A_136 = tpu.vector_load %arg4[%parallel_loop3A_134, %parallel_loop3A_135] {strides = array<i32>} : memref<128x512xi16, #tpu.memory_space<vmem>>, vector<32xi16>,
      %parallel_loop3A_137 = tpu.unpack_subelements %parallel_loop3A_136, 0 {pack_format = #tpu.pack_format<interleaved>} : vector<32xi16> -> vector<16xi32>
      %parallel_loop3A_138 = tpu.unpack_subelements %parallel_loop3A_136, 1 {pack_format = #tpu.pack_format<interleaved>} : vector<32xi16> -> vector<16xi32>
      tpu.vector_store_idx %arg6[%parallel_loop3A_137], %broadcast_in_dim3A_12 {add = true} : memref<4096xi32, #tpu.memory_space<vmem>>[vector<16xi32>], vector<16xi32>,
      tpu.vector_store_idx %arg7[%parallel_loop3A_138], %broadcast_in_dim3A_12 {add = true} : memref<4096xi32, #tpu.memory_space<vmem>>[vector<16xi32>], vector<16xi32>,
      %parallel_loop3A_139 = arith.index_cast %parallel_loop3A_88 : i32 to index
      %parallel_loop3A_140 = arith.constant 320 : index
      %parallel_loop3A_141 = tpu.vector_load %arg4[%parallel_loop3A_139, %parallel_loop3A_140] {strides = array<i32>} : memref<128x512xi16, #tpu.memory_space<vmem>>, vector<32xi16>,
      %parallel_loop3A_142 = tpu.unpack_subelements %parallel_loop3A_141, 0 {pack_format = #tpu.pack_format<interleaved>} : vector<32xi16> -> vector<16xi32>
      %parallel_loop3A_143 = tpu.unpack_subelements %parallel_loop3A_141, 1 {pack_format = #tpu.pack_format<interleaved>} : vector<32xi16> -> vector<16xi32>
      tpu.vector_store_idx %arg6[%parallel_loop3A_142], %broadcast_in_dim3A_12 {add = true} : memref<4096xi32, #tpu.memory_space<vmem>>[vector<16xi32>], vector<16xi32>,
      tpu.vector_store_idx %arg7[%parallel_loop3A_143], %broadcast_in_dim3A_12 {add = true} : memref<4096xi32, #tpu.memory_space<vmem>>[vector<16xi32>], vector<16xi32>,
      %parallel_loop3A_144 = arith.index_cast %parallel_loop3A_88 : i32 to index
      %parallel_loop3A_145 = arith.constant 352 : index
      %parallel_loop3A_146 = tpu.vector_load %arg4[%parallel_loop3A_144, %parallel_loop3A_145] {strides = array<i32>} : memref<128x512xi16, #tpu.memory_space<vmem>>, vector<32xi16>,
      %parallel_loop3A_147 = tpu.unpack_subelements %parallel_loop3A_146, 0 {pack_format = #tpu.pack_format<interleaved>} : vector<32xi16> -> vector<16xi32>
      %parallel_loop3A_148 = tpu.unpack_subelements %parallel_loop3A_146, 1 {pack_format = #tpu.pack_format<interleaved>} : vector<32xi16> -> vector<16xi32>
      tpu.vector_store_idx %arg6[%parallel_loop3A_147], %broadcast_in_dim3A_12 {add = true} : memref<4096xi32, #tpu.memory_space<vmem>>[vector<16xi32>], vector<16xi32>,
      tpu.vector_store_idx %arg7[%parallel_loop3A_148], %broadcast_in_dim3A_12 {add = true} : memref<4096xi32, #tpu.memory_space<vmem>>[vector<16xi32>], vector<16xi32>,
      %parallel_loop3A_149 = arith.index_cast %parallel_loop3A_88 : i32 to index
      %parallel_loop3A_150 = arith.constant 384 : index
      %parallel_loop3A_151 = tpu.vector_load %arg4[%parallel_loop3A_149, %parallel_loop3A_150] {strides = array<i32>} : memref<128x512xi16, #tpu.memory_space<vmem>>, vector<32xi16>,
      %parallel_loop3A_152 = tpu.unpack_subelements %parallel_loop3A_151, 0 {pack_format = #tpu.pack_format<interleaved>} : vector<32xi16> -> vector<16xi32>
      %parallel_loop3A_153 = tpu.unpack_subelements %parallel_loop3A_151, 1 {pack_format = #tpu.pack_format<interleaved>} : vector<32xi16> -> vector<16xi32>
      tpu.vector_store_idx %arg6[%parallel_loop3A_152], %broadcast_in_dim3A_12 {add = true} : memref<4096xi32, #tpu.memory_space<vmem>>[vector<16xi32>], vector<16xi32>,
      tpu.vector_store_idx %arg7[%parallel_loop3A_153], %broadcast_in_dim3A_12 {add = true} : memref<4096xi32, #tpu.memory_space<vmem>>[vector<16xi32>], vector<16xi32>,
      %parallel_loop3A_154 = arith.index_cast %parallel_loop3A_88 : i32 to index
      %parallel_loop3A_155 = arith.constant 416 : index
      %parallel_loop3A_156 = tpu.vector_load %arg4[%parallel_loop3A_154, %parallel_loop3A_155] {strides = array<i32>} : memref<128x512xi16, #tpu.memory_space<vmem>>, vector<32xi16>,
      %parallel_loop3A_157 = tpu.unpack_subelements %parallel_loop3A_156, 0 {pack_format = #tpu.pack_format<interleaved>} : vector<32xi16> -> vector<16xi32>
      %parallel_loop3A_158 = tpu.unpack_subelements %parallel_loop3A_156, 1 {pack_format = #tpu.pack_format<interleaved>} : vector<32xi16> -> vector<16xi32>
      tpu.vector_store_idx %arg6[%parallel_loop3A_157], %broadcast_in_dim3A_12 {add = true} : memref<4096xi32, #tpu.memory_space<vmem>>[vector<16xi32>], vector<16xi32>,
      tpu.vector_store_idx %arg7[%parallel_loop3A_158], %broadcast_in_dim3A_12 {add = true} : memref<4096xi32, #tpu.memory_space<vmem>>[vector<16xi32>], vector<16xi32>,
      %parallel_loop3A_159 = arith.index_cast %parallel_loop3A_88 : i32 to index
      %parallel_loop3A_160 = arith.constant 448 : index
      %parallel_loop3A_161 = tpu.vector_load %arg4[%parallel_loop3A_159, %parallel_loop3A_160] {strides = array<i32>} : memref<128x512xi16, #tpu.memory_space<vmem>>, vector<32xi16>,
      %parallel_loop3A_162 = tpu.unpack_subelements %parallel_loop3A_161, 0 {pack_format = #tpu.pack_format<interleaved>} : vector<32xi16> -> vector<16xi32>
      %parallel_loop3A_163 = tpu.unpack_subelements %parallel_loop3A_161, 1 {pack_format = #tpu.pack_format<interleaved>} : vector<32xi16> -> vector<16xi32>
      tpu.vector_store_idx %arg6[%parallel_loop3A_162], %broadcast_in_dim3A_12 {add = true} : memref<4096xi32, #tpu.memory_space<vmem>>[vector<16xi32>], vector<16xi32>,
      tpu.vector_store_idx %arg7[%parallel_loop3A_163], %broadcast_in_dim3A_12 {add = true} : memref<4096xi32, #tpu.memory_space<vmem>>[vector<16xi32>], vector<16xi32>,
      %parallel_loop3A_164 = arith.index_cast %parallel_loop3A_88 : i32 to index
      %parallel_loop3A_165 = arith.constant 480 : index
      %parallel_loop3A_166 = tpu.vector_load %arg4[%parallel_loop3A_164, %parallel_loop3A_165] {strides = array<i32>} : memref<128x512xi16, #tpu.memory_space<vmem>>, vector<32xi16>,
      %parallel_loop3A_167 = tpu.unpack_subelements %parallel_loop3A_166, 0 {pack_format = #tpu.pack_format<interleaved>} : vector<32xi16> -> vector<16xi32>
      %parallel_loop3A_168 = tpu.unpack_subelements %parallel_loop3A_166, 1 {pack_format = #tpu.pack_format<interleaved>} : vector<32xi16> -> vector<16xi32>
      tpu.vector_store_idx %arg6[%parallel_loop3A_167], %broadcast_in_dim3A_12 {add = true} : memref<4096xi32, #tpu.memory_space<vmem>>[vector<16xi32>], vector<16xi32>,
      tpu.vector_store_idx %arg7[%parallel_loop3A_168], %broadcast_in_dim3A_12 {add = true} : memref<4096xi32, #tpu.memory_space<vmem>>[vector<16xi32>], vector<16xi32>,
    } {sc.loop_unroll_factor = 1 : i64, sc.parallel_access}
    %dma_wait3A_60 = arith.constant 0 : i32
    %dma_wait3A_61 = tpu.memref_slice %arg2[%multiple_of3A_52, %dma_wait3A_60] : memref<16384x512xi16, #tpu.memory_space<hbm>> -> memref<128x512xi16, #tpu.memory_space<hbm>>
    %dma_wait3A_62 = arith.constant 0 : i32
    %dma_wait3A_63 = tpu.memref_slice %arg2[%multiple_of3A_52, %dma_wait3A_62] : memref<16384x512xi16, #tpu.memory_space<hbm>> -> memref<128x512xi16, #tpu.memory_space<hbm>>
    tpu.wait_dma2 semaphore(%arg10 : memref<!tpu.dma_semaphore, #tpu.memory_space<semaphore_mem>>) src(%dma_wait3A_63 : memref<128x512xi16, #tpu.memory_space<hbm>>) dst(%arg5 : memref<128x512xi16, #tpu.memory_space<vmem>>)
    %parallel_loop3A_64 = arith.constant 0 : i32
    %parallel_loop3A_65 = arith.constant 128 : i32
    %parallel_loop3A_66 = arith.constant 1 : i32
    scf.for %parallel_loop3A_88 = %parallel_loop3A_64 to %parallel_loop3A_65 step %parallel_loop3A_66  : i32 {
      %parallel_loop3A_89 = arith.index_cast %parallel_loop3A_88 : i32 to index
      %parallel_loop3A_90 = arith.constant 0 : index
      %parallel_loop3A_91 = tpu.vector_load %arg5[%parallel_loop3A_89, %parallel_loop3A_90] {strides = array<i32>} : memref<128x512xi16, #tpu.memory_space<vmem>>, vector<32xi16>,
      %parallel_loop3A_92 = tpu.unpack_subelements %parallel_loop3A_91, 0 {pack_format = #tpu.pack_format<interleaved>} : vector<32xi16> -> vector<16xi32>
      %parallel_loop3A_93 = tpu.unpack_subelements %parallel_loop3A_91, 1 {pack_format = #tpu.pack_format<interleaved>} : vector<32xi16> -> vector<16xi32>
      tpu.vector_store_idx %arg6[%parallel_loop3A_92], %broadcast_in_dim3A_12 {add = true} : memref<4096xi32, #tpu.memory_space<vmem>>[vector<16xi32>], vector<16xi32>,
      tpu.vector_store_idx %arg7[%parallel_loop3A_93], %broadcast_in_dim3A_12 {add = true} : memref<4096xi32, #tpu.memory_space<vmem>>[vector<16xi32>], vector<16xi32>,
      %parallel_loop3A_94 = arith.index_cast %parallel_loop3A_88 : i32 to index
      %parallel_loop3A_95 = arith.constant 32 : index
      %parallel_loop3A_96 = tpu.vector_load %arg5[%parallel_loop3A_94, %parallel_loop3A_95] {strides = array<i32>} : memref<128x512xi16, #tpu.memory_space<vmem>>, vector<32xi16>,
      %parallel_loop3A_97 = tpu.unpack_subelements %parallel_loop3A_96, 0 {pack_format = #tpu.pack_format<interleaved>} : vector<32xi16> -> vector<16xi32>
      %parallel_loop3A_98 = tpu.unpack_subelements %parallel_loop3A_96, 1 {pack_format = #tpu.pack_format<interleaved>} : vector<32xi16> -> vector<16xi32>
      tpu.vector_store_idx %arg6[%parallel_loop3A_97], %broadcast_in_dim3A_12 {add = true} : memref<4096xi32, #tpu.memory_space<vmem>>[vector<16xi32>], vector<16xi32>,
      tpu.vector_store_idx %arg7[%parallel_loop3A_98], %broadcast_in_dim3A_12 {add = true} : memref<4096xi32, #tpu.memory_space<vmem>>[vector<16xi32>], vector<16xi32>,
      %parallel_loop3A_99 = arith.index_cast %parallel_loop3A_88 : i32 to index
      %parallel_loop3A_100 = arith.constant 64 : index
      %parallel_loop3A_101 = tpu.vector_load %arg5[%parallel_loop3A_99, %parallel_loop3A_100] {strides = array<i32>} : memref<128x512xi16, #tpu.memory_space<vmem>>, vector<32xi16>,
      %parallel_loop3A_102 = tpu.unpack_subelements %parallel_loop3A_101, 0 {pack_format = #tpu.pack_format<interleaved>} : vector<32xi16> -> vector<16xi32>
      %parallel_loop3A_103 = tpu.unpack_subelements %parallel_loop3A_101, 1 {pack_format = #tpu.pack_format<interleaved>} : vector<32xi16> -> vector<16xi32>
      tpu.vector_store_idx %arg6[%parallel_loop3A_102], %broadcast_in_dim3A_12 {add = true} : memref<4096xi32, #tpu.memory_space<vmem>>[vector<16xi32>], vector<16xi32>,
      tpu.vector_store_idx %arg7[%parallel_loop3A_103], %broadcast_in_dim3A_12 {add = true} : memref<4096xi32, #tpu.memory_space<vmem>>[vector<16xi32>], vector<16xi32>,
      %parallel_loop3A_104 = arith.index_cast %parallel_loop3A_88 : i32 to index
      %parallel_loop3A_105 = arith.constant 96 : index
      %parallel_loop3A_106 = tpu.vector_load %arg5[%parallel_loop3A_104, %parallel_loop3A_105] {strides = array<i32>} : memref<128x512xi16, #tpu.memory_space<vmem>>, vector<32xi16>,
      %parallel_loop3A_107 = tpu.unpack_subelements %parallel_loop3A_106, 0 {pack_format = #tpu.pack_format<interleaved>} : vector<32xi16> -> vector<16xi32>
      %parallel_loop3A_108 = tpu.unpack_subelements %parallel_loop3A_106, 1 {pack_format = #tpu.pack_format<interleaved>} : vector<32xi16> -> vector<16xi32>
      tpu.vector_store_idx %arg6[%parallel_loop3A_107], %broadcast_in_dim3A_12 {add = true} : memref<4096xi32, #tpu.memory_space<vmem>>[vector<16xi32>], vector<16xi32>,
      tpu.vector_store_idx %arg7[%parallel_loop3A_108], %broadcast_in_dim3A_12 {add = true} : memref<4096xi32, #tpu.memory_space<vmem>>[vector<16xi32>], vector<16xi32>,
      %parallel_loop3A_109 = arith.index_cast %parallel_loop3A_88 : i32 to index
      %parallel_loop3A_110 = arith.constant 128 : index
      %parallel_loop3A_111 = tpu.vector_load %arg5[%parallel_loop3A_109, %parallel_loop3A_110] {strides = array<i32>} : memref<128x512xi16, #tpu.memory_space<vmem>>, vector<32xi16>,
      %parallel_loop3A_112 = tpu.unpack_subelements %parallel_loop3A_111, 0 {pack_format = #tpu.pack_format<interleaved>} : vector<32xi16> -> vector<16xi32>
      %parallel_loop3A_113 = tpu.unpack_subelements %parallel_loop3A_111, 1 {pack_format = #tpu.pack_format<interleaved>} : vector<32xi16> -> vector<16xi32>
      tpu.vector_store_idx %arg6[%parallel_loop3A_112], %broadcast_in_dim3A_12 {add = true} : memref<4096xi32, #tpu.memory_space<vmem>>[vector<16xi32>], vector<16xi32>,
      tpu.vector_store_idx %arg7[%parallel_loop3A_113], %broadcast_in_dim3A_12 {add = true} : memref<4096xi32, #tpu.memory_space<vmem>>[vector<16xi32>], vector<16xi32>,
      %parallel_loop3A_114 = arith.index_cast %parallel_loop3A_88 : i32 to index
      %parallel_loop3A_115 = arith.constant 160 : index
      %parallel_loop3A_116 = tpu.vector_load %arg5[%parallel_loop3A_114, %parallel_loop3A_115] {strides = array<i32>} : memref<128x512xi16, #tpu.memory_space<vmem>>, vector<32xi16>,
      %parallel_loop3A_117 = tpu.unpack_subelements %parallel_loop3A_116, 0 {pack_format = #tpu.pack_format<interleaved>} : vector<32xi16> -> vector<16xi32>
      %parallel_loop3A_118 = tpu.unpack_subelements %parallel_loop3A_116, 1 {pack_format = #tpu.pack_format<interleaved>} : vector<32xi16> -> vector<16xi32>
      tpu.vector_store_idx %arg6[%parallel_loop3A_117], %broadcast_in_dim3A_12 {add = true} : memref<4096xi32, #tpu.memory_space<vmem>>[vector<16xi32>], vector<16xi32>,
      tpu.vector_store_idx %arg7[%parallel_loop3A_118], %broadcast_in_dim3A_12 {add = true} : memref<4096xi32, #tpu.memory_space<vmem>>[vector<16xi32>], vector<16xi32>,
      %parallel_loop3A_119 = arith.index_cast %parallel_loop3A_88 : i32 to index
      %parallel_loop3A_120 = arith.constant 192 : index
      %parallel_loop3A_121 = tpu.vector_load %arg5[%parallel_loop3A_119, %parallel_loop3A_120] {strides = array<i32>} : memref<128x512xi16, #tpu.memory_space<vmem>>, vector<32xi16>,
      %parallel_loop3A_122 = tpu.unpack_subelements %parallel_loop3A_121, 0 {pack_format = #tpu.pack_format<interleaved>} : vector<32xi16> -> vector<16xi32>
      %parallel_loop3A_123 = tpu.unpack_subelements %parallel_loop3A_121, 1 {pack_format = #tpu.pack_format<interleaved>} : vector<32xi16> -> vector<16xi32>
      tpu.vector_store_idx %arg6[%parallel_loop3A_122], %broadcast_in_dim3A_12 {add = true} : memref<4096xi32, #tpu.memory_space<vmem>>[vector<16xi32>], vector<16xi32>,
      tpu.vector_store_idx %arg7[%parallel_loop3A_123], %broadcast_in_dim3A_12 {add = true} : memref<4096xi32, #tpu.memory_space<vmem>>[vector<16xi32>], vector<16xi32>,
      %parallel_loop3A_124 = arith.index_cast %parallel_loop3A_88 : i32 to index
      %parallel_loop3A_125 = arith.constant 224 : index
      %parallel_loop3A_126 = tpu.vector_load %arg5[%parallel_loop3A_124, %parallel_loop3A_125] {strides = array<i32>} : memref<128x512xi16, #tpu.memory_space<vmem>>, vector<32xi16>,
      %parallel_loop3A_127 = tpu.unpack_subelements %parallel_loop3A_126, 0 {pack_format = #tpu.pack_format<interleaved>} : vector<32xi16> -> vector<16xi32>
      %parallel_loop3A_128 = tpu.unpack_subelements %parallel_loop3A_126, 1 {pack_format = #tpu.pack_format<interleaved>} : vector<32xi16> -> vector<16xi32>
      tpu.vector_store_idx %arg6[%parallel_loop3A_127], %broadcast_in_dim3A_12 {add = true} : memref<4096xi32, #tpu.memory_space<vmem>>[vector<16xi32>], vector<16xi32>,
      tpu.vector_store_idx %arg7[%parallel_loop3A_128], %broadcast_in_dim3A_12 {add = true} : memref<4096xi32, #tpu.memory_space<vmem>>[vector<16xi32>], vector<16xi32>,
      %parallel_loop3A_129 = arith.index_cast %parallel_loop3A_88 : i32 to index
      %parallel_loop3A_130 = arith.constant 256 : index
      %parallel_loop3A_131 = tpu.vector_load %arg5[%parallel_loop3A_129, %parallel_loop3A_130] {strides = array<i32>} : memref<128x512xi16, #tpu.memory_space<vmem>>, vector<32xi16>,
      %parallel_loop3A_132 = tpu.unpack_subelements %parallel_loop3A_131, 0 {pack_format = #tpu.pack_format<interleaved>} : vector<32xi16> -> vector<16xi32>
      %parallel_loop3A_133 = tpu.unpack_subelements %parallel_loop3A_131, 1 {pack_format = #tpu.pack_format<interleaved>} : vector<32xi16> -> vector<16xi32>
      tpu.vector_store_idx %arg6[%parallel_loop3A_132], %broadcast_in_dim3A_12 {add = true} : memref<4096xi32, #tpu.memory_space<vmem>>[vector<16xi32>], vector<16xi32>,
      tpu.vector_store_idx %arg7[%parallel_loop3A_133], %broadcast_in_dim3A_12 {add = true} : memref<4096xi32, #tpu.memory_space<vmem>>[vector<16xi32>], vector<16xi32>,
      %parallel_loop3A_134 = arith.index_cast %parallel_loop3A_88 : i32 to index
      %parallel_loop3A_135 = arith.constant 288 : index
      %parallel_loop3A_136 = tpu.vector_load %arg5[%parallel_loop3A_134, %parallel_loop3A_135] {strides = array<i32>} : memref<128x512xi16, #tpu.memory_space<vmem>>, vector<32xi16>,
      %parallel_loop3A_137 = tpu.unpack_subelements %parallel_loop3A_136, 0 {pack_format = #tpu.pack_format<interleaved>} : vector<32xi16> -> vector<16xi32>
      %parallel_loop3A_138 = tpu.unpack_subelements %parallel_loop3A_136, 1 {pack_format = #tpu.pack_format<interleaved>} : vector<32xi16> -> vector<16xi32>
      tpu.vector_store_idx %arg6[%parallel_loop3A_137], %broadcast_in_dim3A_12 {add = true} : memref<4096xi32, #tpu.memory_space<vmem>>[vector<16xi32>], vector<16xi32>,
      tpu.vector_store_idx %arg7[%parallel_loop3A_138], %broadcast_in_dim3A_12 {add = true} : memref<4096xi32, #tpu.memory_space<vmem>>[vector<16xi32>], vector<16xi32>,
      %parallel_loop3A_139 = arith.index_cast %parallel_loop3A_88 : i32 to index
      %parallel_loop3A_140 = arith.constant 320 : index
      %parallel_loop3A_141 = tpu.vector_load %arg5[%parallel_loop3A_139, %parallel_loop3A_140] {strides = array<i32>} : memref<128x512xi16, #tpu.memory_space<vmem>>, vector<32xi16>,
      %parallel_loop3A_142 = tpu.unpack_subelements %parallel_loop3A_141, 0 {pack_format = #tpu.pack_format<interleaved>} : vector<32xi16> -> vector<16xi32>
      %parallel_loop3A_143 = tpu.unpack_subelements %parallel_loop3A_141, 1 {pack_format = #tpu.pack_format<interleaved>} : vector<32xi16> -> vector<16xi32>
      tpu.vector_store_idx %arg6[%parallel_loop3A_142], %broadcast_in_dim3A_12 {add = true} : memref<4096xi32, #tpu.memory_space<vmem>>[vector<16xi32>], vector<16xi32>,
      tpu.vector_store_idx %arg7[%parallel_loop3A_143], %broadcast_in_dim3A_12 {add = true} : memref<4096xi32, #tpu.memory_space<vmem>>[vector<16xi32>], vector<16xi32>,
      %parallel_loop3A_144 = arith.index_cast %parallel_loop3A_88 : i32 to index
      %parallel_loop3A_145 = arith.constant 352 : index
      %parallel_loop3A_146 = tpu.vector_load %arg5[%parallel_loop3A_144, %parallel_loop3A_145] {strides = array<i32>} : memref<128x512xi16, #tpu.memory_space<vmem>>, vector<32xi16>,
      %parallel_loop3A_147 = tpu.unpack_subelements %parallel_loop3A_146, 0 {pack_format = #tpu.pack_format<interleaved>} : vector<32xi16> -> vector<16xi32>
      %parallel_loop3A_148 = tpu.unpack_subelements %parallel_loop3A_146, 1 {pack_format = #tpu.pack_format<interleaved>} : vector<32xi16> -> vector<16xi32>
      tpu.vector_store_idx %arg6[%parallel_loop3A_147], %broadcast_in_dim3A_12 {add = true} : memref<4096xi32, #tpu.memory_space<vmem>>[vector<16xi32>], vector<16xi32>,
      tpu.vector_store_idx %arg7[%parallel_loop3A_148], %broadcast_in_dim3A_12 {add = true} : memref<4096xi32, #tpu.memory_space<vmem>>[vector<16xi32>], vector<16xi32>,
      %parallel_loop3A_149 = arith.index_cast %parallel_loop3A_88 : i32 to index
      %parallel_loop3A_150 = arith.constant 384 : index
      %parallel_loop3A_151 = tpu.vector_load %arg5[%parallel_loop3A_149, %parallel_loop3A_150] {strides = array<i32>} : memref<128x512xi16, #tpu.memory_space<vmem>>, vector<32xi16>,
      %parallel_loop3A_152 = tpu.unpack_subelements %parallel_loop3A_151, 0 {pack_format = #tpu.pack_format<interleaved>} : vector<32xi16> -> vector<16xi32>
      %parallel_loop3A_153 = tpu.unpack_subelements %parallel_loop3A_151, 1 {pack_format = #tpu.pack_format<interleaved>} : vector<32xi16> -> vector<16xi32>
      tpu.vector_store_idx %arg6[%parallel_loop3A_152], %broadcast_in_dim3A_12 {add = true} : memref<4096xi32, #tpu.memory_space<vmem>>[vector<16xi32>], vector<16xi32>,
      tpu.vector_store_idx %arg7[%parallel_loop3A_153], %broadcast_in_dim3A_12 {add = true} : memref<4096xi32, #tpu.memory_space<vmem>>[vector<16xi32>], vector<16xi32>,
      %parallel_loop3A_154 = arith.index_cast %parallel_loop3A_88 : i32 to index
      %parallel_loop3A_155 = arith.constant 416 : index
      %parallel_loop3A_156 = tpu.vector_load %arg5[%parallel_loop3A_154, %parallel_loop3A_155] {strides = array<i32>} : memref<128x512xi16, #tpu.memory_space<vmem>>, vector<32xi16>,
      %parallel_loop3A_157 = tpu.unpack_subelements %parallel_loop3A_156, 0 {pack_format = #tpu.pack_format<interleaved>} : vector<32xi16> -> vector<16xi32>
      %parallel_loop3A_158 = tpu.unpack_subelements %parallel_loop3A_156, 1 {pack_format = #tpu.pack_format<interleaved>} : vector<32xi16> -> vector<16xi32>
      tpu.vector_store_idx %arg6[%parallel_loop3A_157], %broadcast_in_dim3A_12 {add = true} : memref<4096xi32, #tpu.memory_space<vmem>>[vector<16xi32>], vector<16xi32>,
      tpu.vector_store_idx %arg7[%parallel_loop3A_158], %broadcast_in_dim3A_12 {add = true} : memref<4096xi32, #tpu.memory_space<vmem>>[vector<16xi32>], vector<16xi32>,
      %parallel_loop3A_159 = arith.index_cast %parallel_loop3A_88 : i32 to index
      %parallel_loop3A_160 = arith.constant 448 : index
      %parallel_loop3A_161 = tpu.vector_load %arg5[%parallel_loop3A_159, %parallel_loop3A_160] {strides = array<i32>} : memref<128x512xi16, #tpu.memory_space<vmem>>, vector<32xi16>,
      %parallel_loop3A_162 = tpu.unpack_subelements %parallel_loop3A_161, 0 {pack_format = #tpu.pack_format<interleaved>} : vector<32xi16> -> vector<16xi32>
      %parallel_loop3A_163 = tpu.unpack_subelements %parallel_loop3A_161, 1 {pack_format = #tpu.pack_format<interleaved>} : vector<32xi16> -> vector<16xi32>
      tpu.vector_store_idx %arg6[%parallel_loop3A_162], %broadcast_in_dim3A_12 {add = true} : memref<4096xi32, #tpu.memory_space<vmem>>[vector<16xi32>], vector<16xi32>,
      tpu.vector_store_idx %arg7[%parallel_loop3A_163], %broadcast_in_dim3A_12 {add = true} : memref<4096xi32, #tpu.memory_space<vmem>>[vector<16xi32>], vector<16xi32>,
      %parallel_loop3A_164 = arith.index_cast %parallel_loop3A_88 : i32 to index
      %parallel_loop3A_165 = arith.constant 480 : index
      %parallel_loop3A_166 = tpu.vector_load %arg5[%parallel_loop3A_164, %parallel_loop3A_165] {strides = array<i32>} : memref<128x512xi16, #tpu.memory_space<vmem>>, vector<32xi16>,
      %parallel_loop3A_167 = tpu.unpack_subelements %parallel_loop3A_166, 0 {pack_format = #tpu.pack_format<interleaved>} : vector<32xi16> -> vector<16xi32>
      %parallel_loop3A_168 = tpu.unpack_subelements %parallel_loop3A_166, 1 {pack_format = #tpu.pack_format<interleaved>} : vector<32xi16> -> vector<16xi32>
      tpu.vector_store_idx %arg6[%parallel_loop3A_167], %broadcast_in_dim3A_12 {add = true} : memref<4096xi32, #tpu.memory_space<vmem>>[vector<16xi32>], vector<16xi32>,
      tpu.vector_store_idx %arg7[%parallel_loop3A_168], %broadcast_in_dim3A_12 {add = true} : memref<4096xi32, #tpu.memory_space<vmem>>[vector<16xi32>], vector<16xi32>,
    } {sc.loop_unroll_factor = 1 : i64, sc.parallel_access}
    %iota3A = tpu.iota {dimensions = array<i32: 0>} : vector<16xi32>
    %scan3A = arith.constant 0 : i32
    %scan3A_67 = arith.constant 0.000000e+00 : f32
    %scan3A_68 = arith.constant 0.000000e+00 : f32
    %scan3A_69 = arith.constant 0 : i32
    %scan3A_70 = arith.constant 256 : i32
    %scan3A_71 = arith.addi %scan3A_69, %scan3A_70 : i32
    %scan3A_72 = arith.constant 1 : i32
    %scan3A_73:3 = scf.for %scan3A_88 = %scan3A_69 to %scan3A_71 step %scan3A_72 iter_args(%scan3A_89 = %scan3A, %scan3A_90 = %scan3A_67, %scan3A_91 = %scan3A_68) -> (i32, f32, f32)  : i32 {
      %sub3A = arith.constant 255 : i32
      %sub3A_92 = arith.subi %sub3A, %scan3A_88 : i32
      %mul3A_93 = arith.constant 16 : i32
      %mul3A_94 = arith.muli %sub3A_92, %mul3A_93 : i32
      %multiple_of3A_95 = tpu.assume_multiple %mul3A_94, 16 : i32
      %get3A = arith.index_cast %multiple_of3A_95 : i32 to index
      %get3A_96 = tpu.vector_load %arg6[%get3A] {strides = array<i32>} : memref<4096xi32, #tpu.memory_space<vmem>>, vector<16xi32>,
      %get3A_97 = arith.index_cast %multiple_of3A_95 : i32 to index
      %get3A_98 = tpu.vector_load %arg7[%get3A_97] {strides = array<i32>} : memref<4096xi32, #tpu.memory_space<vmem>>, vector<16xi32>,
      %add3A_99 = arith.addi %get3A_96, %get3A_98 : vector<16xi32>
      %rev3A = arith.constant 15 : i32
      %rev3A_100 = vector.broadcast %rev3A : i32 to vector<16xi32>
      %rev3A_101 = tpu.iota {dimensions = array<i32: 0>} : vector<16xi32>
      %rev3A_102 = arith.subi %rev3A_100, %rev3A_101 : vector<16xi32>
      %rev3A_103 = tpu.dynamic_gather %add3A_99[%rev3A_102] in [0] : vector<16xi32>, vector<16xi32> -> vector<16xi32>
      %mul3A_104 = arith.constant 16 : i32
      %mul3A_105 = arith.muli %sub3A_92, %mul3A_104 : i32
      %add3A_106 = arith.constant 15 : i32
      %add3A_107 = arith.addi %mul3A_105, %add3A_106 : i32
      %sub3A_108 = vector.broadcast %add3A_107 : i32 to vector<16xi32>
      %sub3A_109 = arith.subi %sub3A_108, %iota3A : vector<16xi32>
      %convert_element_type3A = arith.sitofp %sub3A_109 : vector<16xi32> to vector<16xf32>
      %add3A_110 = arith.constant 5.000000e-01 : f32
      %add3A_111 = vector.broadcast %add3A_110 : f32 to vector<16xf32>
      %add3A_112 = arith.addf %convert_element_type3A, %add3A_111 : vector<16xf32>
      %mul3A_113 = arith.constant 0.00396728516 : f32
      %mul3A_114 = vector.broadcast %mul3A_113 : f32 to vector<16xf32>
      %mul3A_115 = arith.mulf %add3A_112, %mul3A_114 : vector<16xf32>
      %convert_element_type3A_116 = arith.sitofp %rev3A_103 : vector<16xi32> to vector<16xf32>
      %mul3A_117 = arith.mulf %convert_element_type3A_116, %mul3A_115 : vector<16xf32>
      %reduce_sum3A = arith.constant true
      %reduce_sum3A_118 = vector.broadcast %reduce_sum3A : i1 to vector<16xi1>
      %reduce_sum3A_119 = tpu.scan <sum>, %mul3A_117 masked %reduce_sum3A_118 : vector<16xf32>, vector<16xi1> -> vector<16xf32>
      %reduce_sum3A_120 = vector.extract %reduce_sum3A_119[15] : f32 from vector<16xf32>
      %add3A_121 = arith.addf %scan3A_91, %reduce_sum3A_120 : f32
      %cumsum3A = arith.constant true
      %cumsum3A_122 = vector.broadcast %cumsum3A : i1 to vector<16xi1>
      %cumsum3A_123 = tpu.scan <sum>, %rev3A_103 masked %cumsum3A_122 : vector<16xi32>, vector<16xi1> -> vector<16xi32>
      %add3A_124 = vector.broadcast %scan3A_89 : i32 to vector<16xi32>
      %add3A_125 = arith.addi %cumsum3A_123, %add3A_124 : vector<16xi32>
      %le3A = arith.constant 78643 : i32
      %le3A_126 = vector.broadcast %le3A : i32 to vector<16xi32>
      %le3A_127 = arith.cmpi sle, %add3A_125, %le3A_126 : vector<16xi32>
      %jit3A_128 = arith.constant 0.000000e+00 : f32
      %broadcast_in_dim3A_129 = vector.broadcast %jit3A_128 : f32 to vector<16xf32>
      %select_n3A_130 = arith.select %le3A_127, %mul3A_117, %broadcast_in_dim3A_129 : vector<16xi1>, vector<16xf32>
      %reduce_sum3A_131 = arith.constant true
      %reduce_sum3A_132 = vector.broadcast %reduce_sum3A_131 : i1 to vector<16xi1>
      %reduce_sum3A_133 = tpu.scan <sum>, %select_n3A_130 masked %reduce_sum3A_132 : vector<16xf32>, vector<16xi1> -> vector<16xf32>
      %reduce_sum3A_134 = vector.extract %reduce_sum3A_133[15] : f32 from vector<16xf32>
      %add3A_135 = arith.addf %scan3A_90, %reduce_sum3A_134 : f32
      %sub3A_136 = arith.subi %add3A_125, %rev3A_103 : vector<16xi32>
      %gt3A = arith.constant 78643 : i32
      %gt3A_137 = vector.broadcast %gt3A : i32 to vector<16xi32>
      %gt3A_138 = arith.cmpi sgt, %add3A_125, %gt3A_137 : vector<16xi32>
      %le3A_139 = arith.constant 78643 : i32
      %le3A_140 = vector.broadcast %le3A_139 : i32 to vector<16xi32>
      %le3A_141 = arith.cmpi sle, %sub3A_136, %le3A_140 : vector<16xi32>
      %and3A = arith.andi %gt3A_138, %le3A_141 : vector<16xi1>
      %sub3A_142 = arith.constant 78643 : i32
      %sub3A_143 = vector.broadcast %sub3A_142 : i32 to vector<16xi32>
      %sub3A_144 = arith.subi %sub3A_143, %sub3A_136 : vector<16xi32>
      %convert_element_type3A_145 = arith.sitofp %sub3A_144 : vector<16xi32> to vector<16xf32>
      %mul3A_146 = arith.mulf %convert_element_type3A_145, %mul3A_115 : vector<16xf32>
      %jit3A_147 = arith.constant 0.000000e+00 : f32
      %broadcast_in_dim3A_148 = vector.broadcast %jit3A_147 : f32 to vector<16xf32>
      %select_n3A_149 = arith.select %and3A, %mul3A_146, %broadcast_in_dim3A_148 : vector<16xi1>, vector<16xf32>
      %reduce_sum3A_150 = arith.constant true
      %reduce_sum3A_151 = vector.broadcast %reduce_sum3A_150 : i1 to vector<16xi1>
      %reduce_sum3A_152 = tpu.scan <sum>, %select_n3A_149 masked %reduce_sum3A_151 : vector<16xf32>, vector<16xi1> -> vector<16xf32>
      %reduce_sum3A_153 = vector.extract %reduce_sum3A_152[15] : f32 from vector<16xf32>
      %add3A_154 = arith.addf %add3A_135, %reduce_sum3A_153 : f32
      %reduce_sum3A_155 = arith.constant true
      %reduce_sum3A_156 = vector.broadcast %reduce_sum3A_155 : i1 to vector<16xi1>
      %reduce_sum3A_157 = tpu.scan <sum>, %add3A_99 masked %reduce_sum3A_156 : vector<16xi32>, vector<16xi1> -> vector<16xi32>
      %reduce_sum3A_158 = vector.extract %reduce_sum3A_157[15] : i32 from vector<16xi32>
      %add3A_159 = arith.addi %scan3A_89, %reduce_sum3A_158 : i32
      scf.yield %add3A_159, %add3A_154, %add3A_121 : i32, f32, f32
    }
    %scan3A_74 = arith.constant 256 : i32
    %eq3A = arith.constant 0 : i32
    %eq3A_75 = vector.broadcast %eq3A : i32 to vector<16xi32>
    %eq3A_76 = arith.cmpi eq, %iota3A, %eq3A_75 : vector<16xi32>
    %eq3A_77 = arith.constant 1 : i32
    %eq3A_78 = vector.broadcast %eq3A_77 : i32 to vector<16xi32>
    %eq3A_79 = arith.cmpi eq, %iota3A, %eq3A_78 : vector<16xi32>
    %jit3A = arith.constant 0.000000e+00 : f32
    %broadcast_in_dim3A_80 = vector.broadcast %scan3A_73#1 : f32 to vector<16xf32>
    %broadcast_in_dim3A_81 = vector.broadcast %jit3A : f32 to vector<16xf32>
    %select_n3A = arith.select %eq3A_79, %broadcast_in_dim3A_80, %broadcast_in_dim3A_81 : vector<16xi1>, vector<16xf32>
    %broadcast_in_dim3A_82 = vector.broadcast %scan3A_73#2 : f32 to vector<16xf32>
    %select_n3A_83 = arith.select %eq3A_76, %broadcast_in_dim3A_82, %select_n3A : vector<16xi1>, vector<16xf32>
    %swap3A = arith.constant 0 : index
    %swap3A_84 = tpu.vector_load %arg8[%swap3A] {strides = array<i32>} : memref<16xf32, #tpu.memory_space<vmem>>, vector<16xf32>,
    tpu.vector_store %arg8[%swap3A], %select_n3A_83 {strides = array<i32>} : memref<16xf32, #tpu.memory_space<vmem>>, vector<16xf32>,
    %mul3A_85 = arith.constant 16 : i32
    %mul3A_86 = arith.muli %add3A, %mul3A_85 : i32
    %multiple_of3A_87 = tpu.assume_multiple %mul3A_86, 16 : i32
    "tpu.region"() ({
      %run_scoped3A = tpu.sem_alloc : memref<!tpu.dma_semaphore, #tpu.memory_space<semaphore_mem>>
      %dma_start3A_88 = tpu.memref_slice %arg3[%multiple_of3A_87] : memref<512xf32, #tpu.memory_space<hbm>> -> memref<16xf32, #tpu.memory_space<hbm>>
      %dma_start3A_89 = tpu.memref_slice %arg3[%multiple_of3A_87] : memref<512xf32, #tpu.memory_space<hbm>> -> memref<16xf32, #tpu.memory_space<hbm>>
      tpu.enqueue_dma source(%arg8 : memref<16xf32, #tpu.memory_space<vmem>>) target(%dma_start3A_89 : memref<16xf32, #tpu.memory_space<hbm>>) target_semaphore(%run_scoped3A : memref<!tpu.dma_semaphore, #tpu.memory_space<semaphore_mem>>)
      %dma_wait3A_90 = tpu.memref_slice %arg3[%multiple_of3A_87] : memref<512xf32, #tpu.memory_space<hbm>> -> memref<16xf32, #tpu.memory_space<hbm>>
      %dma_wait3A_91 = tpu.memref_slice %arg3[%multiple_of3A_87] : memref<512xf32, #tpu.memory_space<hbm>> -> memref<16xf32, #tpu.memory_space<hbm>>
      tpu.wait_dma2 semaphore(%run_scoped3A : memref<!tpu.dma_semaphore, #tpu.memory_space<semaphore_mem>>) src(%arg8 : memref<16xf32, #tpu.memory_space<vmem>>) dst(%dma_wait3A_91 : memref<16xf32, #tpu.memory_space<hbm>>)
      tpu.yield
    }) : () -> ()
    return
  }
}

module attributes {stable_mosaic.version = 14 : i64} {
  func.func @_bce_body(%arg0: i32, %arg1: memref<2048x512xf32, #tpu.memory_space<vmem>>, %arg2: memref<2048x512xf32, #tpu.memory_space<vmem>>, %arg3: memref<2048x512xi16, #tpu.memory_space<vmem>>) attributes {dimension_semantics = [#tpu.dimension_semantics<arbitrary>], iteration_bounds = array<i64: 8>, scalar_prefetch = 0 : i64, scratch_operands = 0 : i64, tpu.core_type = #tpu.core_type<tc>, window_params = [{transform_indices = @transform_0, window_bounds = array<i64: 2048, 512>}, {transform_indices = @transform_1, window_bounds = array<i64: 2048, 512>}, {transform_indices = @transform_2, window_bounds = array<i64: 2048, 512>}]} {
    %get3A = arith.constant 0 : index
    %get3A_0 = arith.constant 0 : index
    %get3A_1 = vector.load %arg1[%get3A, %get3A_0] : memref<2048x512xf32, #tpu.memory_space<vmem>>, vector<2048x512xf32>
    %jit3A = arith.constant 1.000000e-07 : f32
    %jit3A_2 = arith.constant 0.99999988 : f32
    %max3A = vector.broadcast %jit3A : f32 to vector<2048x512xf32>
    %max3A_3 = arith.maximumf %max3A, %get3A_1 : vector<2048x512xf32>
    %min3A = vector.broadcast %jit3A_2 : f32 to vector<2048x512xf32>
    %min3A_4 = arith.minimumf %min3A, %max3A_3 : vector<2048x512xf32>
    %get3A_5 = arith.constant 0 : index
    %get3A_6 = arith.constant 0 : index
    %get3A_7 = vector.load %arg2[%get3A_5, %get3A_6] : memref<2048x512xf32, #tpu.memory_space<vmem>>, vector<2048x512xf32>
    %log3A = math.log %min3A_4 : vector<2048x512xf32>
    %mul3A = arith.mulf %get3A_7, %log3A : vector<2048x512xf32>
    %sub3A = arith.constant 1.000000e+00 : f32
    %sub3A_8 = vector.broadcast %sub3A : f32 to vector<2048x512xf32>
    %sub3A_9 = arith.subf %sub3A_8, %get3A_7 : vector<2048x512xf32>
    %neg3A = arith.constant 0.000000e+00 : f32
    %neg3A_10 = vector.broadcast %neg3A : f32 to vector<2048x512xf32>
    %neg3A_11 = arith.subf %neg3A_10, %min3A_4 : vector<2048x512xf32>
    %log1p3A = math.log1p %neg3A_11 : vector<2048x512xf32>
    %mul3A_12 = arith.mulf %sub3A_9, %log1p3A : vector<2048x512xf32>
    %add3A = arith.addf %mul3A, %mul3A_12 : vector<2048x512xf32>
    %neg3A_13 = arith.constant 0.000000e+00 : f32
    %neg3A_14 = vector.broadcast %neg3A_13 : f32 to vector<2048x512xf32>
    %neg3A_15 = arith.subf %neg3A_14, %add3A : vector<2048x512xf32>
    %mul3A_16 = arith.constant 252.061539 : f32
    %mul3A_17 = vector.broadcast %mul3A_16 : f32 to vector<2048x512xf32>
    %mul3A_18 = arith.mulf %neg3A_15, %mul3A_17 : vector<2048x512xf32>
    %convert_element_type3A = arith.fptosi %mul3A_18 : vector<2048x512xf32> to vector<2048x512xi32>
    %jit3A_19 = arith.constant 0 : i32
    %jit3A_20 = arith.constant 4095 : i32
    %max3A_21 = vector.broadcast %jit3A_19 : i32 to vector<2048x512xi32>
    %max3A_22 = arith.maxsi %max3A_21, %convert_element_type3A : vector<2048x512xi32>
    %min3A_23 = vector.broadcast %jit3A_20 : i32 to vector<2048x512xi32>
    %min3A_24 = arith.minsi %min3A_23, %max3A_22 : vector<2048x512xi32>
    %convert_element_type3A_25 = arith.trunci %min3A_24 : vector<2048x512xi32> to vector<2048x512xi16>
    %swap3A = arith.constant 0 : index
    %swap3A_26 = arith.constant 0 : index
    %swap3A_27 = vector.load %arg3[%swap3A, %swap3A_26] : memref<2048x512xi16, #tpu.memory_space<vmem>>, vector<2048x512xi16>
    tpu.vector_store %arg3[%swap3A, %swap3A_26], %convert_element_type3A_25 {strides = array<i32>} : memref<2048x512xi16, #tpu.memory_space<vmem>>, vector<2048x512xi16>,
    return
  }
  func.func @transform_0(%arg0: i32) -> (i32, i32) {
    %c0_i32 = arith.constant 0 : i32
    %c0_i32_0 = arith.constant 0 : i32
    return %arg0, %c0_i32 : i32, i32
  }
  func.func @transform_1(%arg0: i32) -> (i32, i32) {
    %c0_i32 = arith.constant 0 : i32
    %c0_i32_0 = arith.constant 0 : i32
    return %arg0, %c0_i32 : i32, i32
  }
  func.func @transform_2(%arg0: i32) -> (i32, i32) {
    %c0_i32 = arith.constant 0 : i32
    %c0_i32_0 = arith.constant 0 : i32
    return %arg0, %c0_i32 : i32, i32
  }
}

</mosaic_0001>

<sc_bundles>
// kernel: kernel.4.cloned.1.call-start
scs
__scs_entry_jumppad:
0x0: {  	(pc) =	sbr.rel $0x88, $3  }
0x1: {  	(tag) =	ssettag $0x0;
	lr =	simm.s32 $0x1  }
0x2: {  	[smem:$0x3F9F] =	sst lr;
	_ =	strace $0xD0000000  }
0x3: {  	_ = 	snop  }
0x4: {  	_ = 	snop  }
0x5: {  	_ = 	snop  }
0x6: {  	_ = 	snop  }
0x7: {  	_ = 	snop  }
__scs_overlays_trampoline_lowered:
0x8: {  	[smem:$0x3FAE] =	sst s0  }
0x9: {  	[smem:$0x3FAF] =	sst s1  }
0xa: {  	[smem:$0x3FB0] =	sst s2  }
0xb: {  	[smem:$0x3FB1] =	sst s3  }
0xc: {  	[smem:$0x3FB2] =	sst s4  }
0xd: {  	[smem:$0x3FB3] =	sst s5  }
0xe: {  	[smem:$0x3FB4] =	sst s6  }
0xf: {  	[smem:$0x3FB5] =	sst s7  }
0x10: {  	[smem:$0x3FB6] =	sst s8  }
0x11: {  	[smem:$0x3FB7] =	sst s9;
	s0 =	simm.s32 @!p0 $0x0  }
0x12: {  	s1 =	sld [smem:$0x3F9D];
	s0 =	simm.s32 @p0 $0x1  }
0x13: {  	[smem:$0x3FB8] =	sst s0;
	s0 =	simm.s32 @!p1 $0x0  }
0x14: {  	s2 =	sld [smem:$0x3F9C];
	s0 =	simm.s32 @p1 $0x1  }
0x15: {  	[smem:$0x3FB9] =	sst s0;
	s0 =	simm.s32 @!p2 $0x0  }
0x16: {  	s3 =	sld [smem:$0x3FDB];
	s0 =	simm.s32 @p2 $0x1  }
0x17: {  	s4 =	simm.s32 $0x1BF5;
	[smem:$0x3FBB] =	sst s0  }
0x18: {  	s0 =	sld [smem:$0x3F9E];
	_ =	swait.ge [sflag:s4], $0x0  }
0x19: {  	s7 =	sld [smem:$0x3F9F]  }
0x1a: {  	s8 =	sadd.s32 $0xFFFFE003, lr  }
0x1b: {  	s9 =	sadd.s32 $0xFFFFFEF7, lr;
	s5 =	simm.s32 $0xFFFFFFFF;
	p2 =	slt.u32 s8, $0xFFFFF086  }
0x1c: {  	p1 =	slt.u32 s9, $0xF7A;
	s5 =	simm.s32 @!p2 $0x0  }
0x1d: {  	s5 =	simm.s32 @p1 $0x1;
	p0 =	seq.s32 s7, s2  }
0x1e: {  	s7 =	smul.u32 @!p0 $0xF7A, s2;
	p2 =	seq.s32 @!p0 s5, $0x0  }
0x1f: {  	s9 =	smul.u32 $0xF7A, s1;
	s8 =	simm.s32 @!p0 $0x1BF5;
	p2 =	por !p2, p0  }
0x20: {  	[sflag:s8] =	ssyncset.s32 @!p0 $0xFFFFF086;
	s6 =	sadd.s32 @!p0 s3, s7;
	s7 =	simm.s32 @!p0 $0x108  }
0x21: {  	s3 =	sadd.s32 s3, s9;
	s6 =	sadd.s32 @!p0 $0x88, s6;
	s7 =	simm.s32 @p2 $0x1082  }
0x22: {  	[simem:s7], [sflag:s8] =	dma.local @!p0 [hbm:s6], $0xF7A  }
0x23: {  	s9 =	sor.u32 $0xD0000000, s2;
	s6 =	simm.s32 $0x108;
	_ =	swait.ge @!p0 [sflag:s8], $0x0  }
0x24: {  	s3 =	sadd.s32 $0x88, s3;
	s6 =	simm.s32 @!p1 $0x1082;
	[sflag:s4] =	ssyncset.s32 $0xFFFFF086  }
0x25: {  	[simem:s6], [sflag:s4] =	dma.local [hbm:s3], $0xF7A  }
0x26: {  	[smem:$0x3F9F] =	sst s1;
	(tag) =	ssettag s2;
	_ =	strace s9  }
0x27: {  	s1 =	sld [smem:$0x3FAF]  }
0x28: {  	s2 =	sld [smem:$0x3FB0]  }
0x29: {  	s4 =	sld [smem:$0x3FB2]  }
0x2a: {  	p0 =	seq.s32 s5, $0x0;
	s5 =	sld [smem:$0x3FB3]  }
0x2b: {  	s6 =	sld [smem:$0x3FB4]  }
0x2c: {  	s7 =	sld [smem:$0x3FB5]  }
0x2d: {  	s3 =	simm.s32 $0x108;
	s8 =	sld [smem:$0x3FB6]  }
0x2e: {  	s3 =	simm.s32 @!p0 $0x1082;
	s9 =	sld [smem:$0x3FB7]  }
0x2f: {  	lr =	sadd.s32 s0, s3;
	s0 =	sld [smem:$0x3FAE]  }
0x30: {  	s3 =	sld [smem:$0x3FB1]  }
0x31: {  	[smem:$0x3FBA] =	sst s10  }
0x32: {  	s10 =	sld [smem:$0x3FB8];
	_ =	sdelay $0x3  }
0x33: {  	p0 =	seq.s32 s10, $0x1;
	s10 =	sld [smem:$0x3FBA];
	_ =	sdelay $0x3  }
0x34: {  	[smem:$0x3FBA] =	sst s10  }
0x35: {  	s10 =	sld [smem:$0x3FB9];
	_ =	sdelay $0x3  }
0x36: {  	p1 =	seq.s32 s10, $0x1;
	s10 =	sld [smem:$0x3FBA];
	_ =	sdelay $0x3  }
0x37: {  	[smem:$0x3FBA] =	sst s10  }
0x38: {  	s10 =	sld [smem:$0x3FBB]  }
0x39: {  	_ = 	snop;
	(pc) =	sbr.ind lr, $3  }
0x3a: {  	_ = 	snop  }
0x3b: {  	_ = 	snop  }
0x3c: {  	p2 =	seq.s32 s10, $0x1;
	s10 =	sld [smem:$0x3FBA]  }
0x3d: {  	_ =	shalt  }
0x3e: {  	_ =	shalt  }
0x3f: {  	_ =	shalt  }
0x40: {  	_ =	shalt  }
0x41: {  	_ =	shalt  }
0x42: {  	_ =	shalt  }
0x43: {  	_ =	shalt  }
0x44: {  	_ =	shalt  }
0x45: {  	_ =	shalt  }
0x46: {  	_ =	shalt  }
0x47: {  	_ =	shalt  }
0x48: {  	_ =	shalt  }
0x49: {  	_ =	shalt  }
0x4a: {  	_ =	shalt  }
0x4b: {  	_ =	shalt  }
0x4c: {  	_ =	shalt  }
0x4d: {  	_ =	shalt  }
0x4e: {  	_ =	shalt  }
0x4f: {  	_ =	shalt  }
0x50: {  	_ =	shalt  }
0x51: {  	_ =	shalt  }
0x52: {  	_ =	shalt  }
0x53: {  	_ =	shalt  }
0x54: {  	_ =	shalt  }
0x55: {  	_ =	shalt  }
0x56: {  	_ =	shalt  }
0x57: {  	_ =	shalt  }
0x58: {  	_ =	shalt  }
0x59: {  	_ =	shalt  }
0x5a: {  	_ =	shalt  }
0x5b: {  	_ =	shalt  }
0x5c: {  	_ =	shalt  }
0x5d: {  	_ =	shalt  }
0x5e: {  	_ =	shalt  }
0x5f: {  	_ =	shalt  }
0x60: {  	_ =	shalt  }
0x61: {  	_ =	shalt  }
0x62: {  	_ =	shalt  }
0x63: {  	_ =	shalt  }
0x64: {  	_ =	shalt  }
0x65: {  	_ =	shalt  }
0x66: {  	_ =	shalt  }
0x67: {  	_ =	shalt  }
0x68: {  	_ =	shalt  }
0x69: {  	_ =	shalt  }
0x6a: {  	_ =	shalt  }
0x6b: {  	_ =	shalt  }
0x6c: {  	_ =	shalt  }
0x6d: {  	_ =	shalt  }
0x6e: {  	_ =	shalt  }
0x6f: {  	_ =	shalt  }
0x70: {  	_ =	shalt  }
0x71: {  	_ =	shalt  }
0x72: {  	_ =	shalt  }
0x73: {  	_ =	shalt  }
0x74: {  	_ =	shalt  }
0x75: {  	_ =	shalt  }
0x76: {  	_ =	shalt  }
0x77: {  	_ =	shalt  }
0x78: {  	_ =	shalt  }
0x79: {  	_ =	shalt  }
0x7a: {  	_ =	shalt  }
0x7b: {  	_ =	shalt  }
0x7c: {  	_ =	shalt  }
0x7d: {  	_ =	shalt  }
0x7e: {  	_ =	shalt  }
0x7f: {  	_ =	shalt  }
0x80: {  	_ =	shalt  }
0x81: {  	_ =	shalt  }
0x82: {  	_ =	shalt  }
0x83: {  	_ =	shalt  }
0x84: {  	_ =	shalt  }
0x85: {  	_ =	shalt  }
0x86: {  	_ =	shalt  }
0x87: {  	_ =	shalt  }
.Lfunc_end0:
.L_simem_size_0:
called_computation_lowered:
.L_overlay_start_0:
0x88: {  	s2 =	sld [smem:$0x3FD9]  }
0x89: {  	s3 =	sld [smem:$0x3FFE];
	_ =	sdelay $0x1  }
0x8a: {  	s1 =	srdreg.scid  }
0x8b: {  	s0 =	sand.u32 $0x1, s1  }
0x8c: {  	s16 =	sshll.u32 s0, $0xA;
	s2 =	sadd.s32 s3, s2  }
0x8d: {  	s2 =	sadd.s32 s2, s16  }
0x8e: {  	[smem:$0x3FC6] =	sst s2  }
0x8f: {  	_ = 	snop  }
0x90: {  	(tm) =	ssettm $0x1  }
0x91: {  	s17 =	sld [smem:$0x3FFB];
	_ =	sdelay $0x3  }
0x92: {  	_ =	strace s17  }
0x93: {  	s2 =	sld [smem:$0x3FFC];
	_ =	sdelay $0x3  }
0x94: {  	_ =	strace s2  }
0x95: {  	s2 =	sld [smem:$0x3FFD];
	_ =	sdelay $0x3  }
0x96: {  	_ =	strace s2  }
0x97: {  	_ =	strace $0x8FFFFFFF  }
0x98: {  	s18 =	sld [smem:$0x3FDB];
	_ =	sdelay $0x1  }
0x99: {  	s19 =	simm.s32 $_scs_section_size  }
0x9a: {  	s4 =	simm.s32 $_size__tile_overlayer_lowered;
	s5 =	simm.s32 $_tile_overlayer_lowered  }
0x9b: {  	s22 =	simm.s32 $0x1BFF;
	s21 =	sshll.u32 s5, $0x1;
	s2 =	sadd.s32 s19, s18  }
0x9c: {  	s6 =	simm.s32 $0x0;
	s20 =	sshll.u32 s4, $0x1;
	s4 =	sadd.s32 s21, s2  }
0x9d: {  	[timem:s6], [sflag:s22] =	dma.local [hbm:s4], s20  }
0x9e: {  	_ =	swait.ge [sflag:s22], s20  }
0x9f: {  	s3 =	ssub.s32 $0x0, s20;
	[sflag:s22] =	ssyncset.done $0x0  }
0xa0: {  	[sflag:s22] =	ssyncadd.s32 s3;
	_ =	sdelay $0x1  }
0xa1: {  	s23 =	simm.s32 $0x1B8B  }
0xa2: {  	_ =	swait.ge [sflag:s23], $0x1  }
0xa3: {  	[sflag:s23] =	ssyncset.done $0x0  }
0xa4: {  	s25 =	simm.s32 $0x1B8E;
	s24 =	sld [smem:$0x3FFE];
	[sflag:s23] =	ssyncadd.s32 $0xFFFFFFFF  }
0xa5: {  	s26 =	simm.s32 $execute0_lowered;
	[smem:$0x3FD2] =	sst s25  }
0xa6: {  	s4 =	sshll.u32 s26, $0x1;
	_ =	strace $0x80000046;
	[dreg:$0x1] =	wrdreg $0xFFFFFFFF  }
0xa7: {  	s28 =	simm.s32 $_size_execute0_lowered;
	s2 =	sadd.s32 s2, s4;
	[dreg:$0x0] =	wrdreg $0x0  }
0xa8: {  	s4 =	sshll.u32 s28, $0x1;
	[dreg:$0x2] =	wrdreg s2  }
0xa9: {  	[dreg:$0x3] =	wrdreg s4  }
0xaa: {  	[dreg:$0x4] =	wrdreg $0xC0  }
0xab: {  	_ =	task [dreg:s6], $0x5FFFF  }
0xac: {  	[dreg:$0x1] =	wrdreg $0xFFFFFFFF  }
0xad: {  	[dreg:$0x0] =	wrdreg $0x60  }
0xae: {  	[dreg:$0x2] =	wrdreg s24  }
0xaf: {  	[dreg:$0x3] =	wrdreg $0x9  }
0xb0: {  	_ =	task.clear_ibuf [dreg:s6], $0x4FFFF;
	_ =	strace $0x90000046  }
0xb1: {  	s29 =	simm.s32 $0x9;
	_ =	strace $0x80000048  }
0xb2: {  	_ =	swait.ge [sflag:s29], $0x1  }
0xb3: {  	[sflag:s29] =	ssyncadd.s32 $0xFFFFFFFF  }
0xb4: {  	_ =	strace $0x90000048  }
0xb5: {  	_ =	sfence  }
0xb6: {  	s30 =	sld [smem:$0x0];
	_ =	sdelay $0x2  }
0xb7: {  	s31 =	sshll.u32 s1, $0xD;
	s1 =	sshrl.u32 s1, $0x2  }
0xb8: {  	s3 =	sand.u32 $0x4000, s31;
	s1 =	sadd.s32 s1, s30  }
0xb9: {  	s0 =	sor.u32 s3, s0;
	s1 =	sshll.u32 s1, $0x11  }
0xba: {  	s0 =	sor.u32 s1, s0  }
0xbb: {  	s0 =	sadd.s32 $0x8F2B, s0  }
0xbc: {  	[sflag:s0] =	ssyncadd.remote.s32 $0x1  }
0xbd: {  	_ =	sfence.sel $0xFFFF  }
0xbe: {  	[dreg:$0x0] =	wrdreg $0xFFFFFFFF;
	(pc) =	sbr.abs _section_cstart, $3  }
0xbf: {  	[dreg:$0x1] =	wrdreg $0xFFFFFFFF  }
0xc0: {  	_ =	task.clear_ibuf [dreg:s6], $0x2FFFF;
	_ =	strace $0x9FFFFFFF  }
0xc1: {  	(tm) =	ssettm $0x7FFFFFFF  }
tec
execute0_lowered:
.L_overlay_start_1:
0x0: {  	(tag) =	ssettag $0x1  }
0x1: {  	s1 =	srdreg.scid;
	s2 =	stileid.u32  }
0x2: {  	s1 =	sand.u32 $0x1, s1;
	s2 =	sshll.u32 s2, $0x1  }
0x3: {  	s0 =	rddreg [dreg:$0x0];
	s3 =	simm.s32 $0x0;
	s2 =	sor.u32 s1, s2  }
0x4: {  	[smem:$0x7FF] =	sst s3;
	s1 =	ssub.s32 $0x2, s1;
	s17 =	sshll.u32 s2, $0x1  }
0x5: {  	_ =	strace $0x80000047;
	s4 =	sshrl.u32 s1, $0x1;
	s7 =	sadd.s32 s17, s0  }
0x6: {  	s2 =	sshll.u32 s2, $0xE;
	s18 =	ssub.s32 s1, s4;
	s19 =	sadd.s32 $0x80000, s7  }
0x7: {  	s3 =	sadd.s32 s0, s2;
	s0 =	smax.u32 s18, $0x1;
	[dreg:$0x2] =	wrdreg s19  }
0x8: {  	s20 =	sadd.s32 $0x40, s3;
	[dreg:$0x3] =	wrdreg s0  }
0x9: {  	s21 =	sadd.s32 $0x80, s3;
	[dreg:$0x4] =	wrdreg s20  }
0xa: {  	s22 =	sadd.s32 $0xC0, s3;
	[dreg:$0x5] =	wrdreg s21  }
0xb: {  	s23 =	sadd.s32 $0x200, s3;
	[dreg:$0x6] =	wrdreg s22  }
0xc: {  	s24 =	sadd.s32 $0x240, s3;
	[dreg:$0x7] =	wrdreg s23  }
0xd: {  	s25 =	sadd.s32 $0x280, s3;
	[dreg:$0x8] =	wrdreg s24  }
0xe: {  	s26 =	sadd.s32 $0x2C0, s3;
	[dreg:$0x9] =	wrdreg s25  }
0xf: {  	s31 =	sadd.s32 $0x400, s3;
	[dreg:$0xa] =	wrdreg s26  }
0x10: {  	s1 =	sadd.s32 $0x440, s3;
	[dreg:$0xb] =	wrdreg s31  }
0x11: {  	s2 =	sadd.s32 $0x480, s3;
	[dreg:$0xc] =	wrdreg s1  }
0x12: {  	s7 =	sadd.s32 $0x4C0, s3;
	[dreg:$0xd] =	wrdreg s2  }
0x13: {  	s8 =	sadd.s32 $0x600, s3;
	[dreg:$0xe] =	wrdreg s7  }
0x14: {  	s9 =	sadd.s32 $0x640, s3;
	[dreg:$0xf] =	wrdreg s8  }
0x15: {  	s10 =	sadd.s32 $0x680, s3;
	[dreg:$0x10] =	wrdreg s9  }
0x16: {  	s11 =	sadd.s32 $0x6C0, s3;
	[dreg:$0x11] =	wrdreg s10  }
0x17: {  	s12 =	sadd.s32 $0x800, s3;
	[dreg:$0x12] =	wrdreg s11  }
0x18: {  	s13 =	sadd.s32 $0x840, s3;
	[dreg:$0x13] =	wrdreg s12  }
0x19: {  	s14 =	sadd.s32 $0x880, s3;
	[dreg:$0x14] =	wrdreg s13  }
0x1a: {  	s28 =	simm.s32 $0x10000;
	s15 =	sadd.s32 $0x8C0, s3;
	[dreg:$0x15] =	wrdreg s14  }
0x1b: {  	s29 =	simm.s32 $0x2;
	s16 =	sadd.s32 $0xA00, s3;
	[dreg:$0x16] =	wrdreg s15  }
0x1c: {  	s30 =	simm.s32 $0x0;
	s17 =	sadd.s32 $0xA40, s3;
	[dreg:$0x17] =	wrdreg s16  }
0x1d: {  	s4 =	sadd.s32 $0x1000, s3;
	s18 =	sadd.s32 $0xA80, s3;
	[dreg:$0x18] =	wrdreg s17  }
0x1e: {  	s5 =	sadd.s32 $0x2000, s3;
	s6 =	sadd.s32 $0x3000, s3;
	[dreg:$0x19] =	wrdreg s18  }
0x1f: {  	s19 =	sadd.s32 $0xAC0, s3;
	s20 =	sadd.s32 $0xC00, s3;
	s21 =	sadd.s32 $0xC40, s3  }
0x20: {  	s22 =	sadd.s32 $0xC80, s3;
	s23 =	sadd.s32 $0xCC0, s3;
	[dreg:$0x1a] =	wrdreg s19  }
0x21: {  	s24 =	sadd.s32 $0xE00, s3;
	s25 =	sadd.s32 $0xE40, s3;
	[dreg:$0x1b] =	wrdreg s20  }
0x22: {  	s26 =	sadd.s32 $0xE80, s3;
	s31 =	sadd.s32 $0xEC0, s3;
	[dreg:$0x1c] =	wrdreg s21  }
0x23: {  	s13 =	simm.s32 $0x200;
	s14 =	simm.s32 $0x800;
	[dreg:$0x1d] =	wrdreg s22  }
0x24: {  	s9 =	simm.s32 $0x400;
	s17 =	simm.s32 $0xC00;
	[dreg:$0x1e] =	wrdreg s23  }
0x25: {  	s15 =	simm.s32 $0x1;
	s10 =	simm.s32 $0xEC00;
	[dreg:$0x1f] =	wrdreg s24  }
0x26: {  	s11 =	simm.s32 $0xF400;
	s16 =	simm.s32 $0xF800;
	[smem:$0x7FB] =	sst s25  }
0x27: {  	s12 =	simm.s32 $0xFC00;
	s18 =	simm.s32 $0x3;
	[smem:$0x7FC] =	sst s26  }
0x28: {  	v0 =	vimm.s32 $0x0;
	v1 =	vimm.s32 $0x1;
	v2 =	vlaneseq.u32;
	[smem:$0x7FD] =	sst s31;
	s20 =	simm.s32 $0x1000;
	s24 =	simm.s32 $0x1400  }
0x29: {  	vm0 =	vcmask $0x300;
	vm1 =	vcmask $0x704;
	v2 =	vmul.u32 $0xFFFFFFFF, v2;
	s25 =	simm.s32 $0x1800;
	s26 =	simm.s32 $0xF000;
	s21 =	simm.s32 $0x11000  }
.LBB2_1:
0x2a: {  	s1 =	simm.s32 $0x10020  }
0x2b: {  	[tilespmem:s1+$0xFFFFFFF0] =	vst v0  }
0x2c: {  	[tilespmem:s1+$0x0] =	vst v0  }
0x2d: {  	[tilespmem:s1+$0x10] =	vst v0  }
0x2e: {  	s0 =	simm.s32 $0x11020;
	[tilespmem:s1+$0xFFFFFFE0] =	vst v0  }
0x2f: {  	[tilespmem:s0+$0xFFFFFFF0] =	vst v0  }
0x30: {  	[tilespmem:s0+$0x0] =	vst v0  }
0x31: {  	[tilespmem:s0+$0x10] =	vst v0  }
0x32: {  	s2 =	simm.s32 $0x10060;
	s1 =	simm.s32 $0x0;
	[tilespmem:s0+$0xFFFFFFE0] =	vst v0  }
.LBB2_2:
0x33: {  	[tilespmem:s2+$0xFFFFFFF0] =	vst v0;
	s0 =	sadd.s32 $0x40, s0  }
0x34: {  	s1 =	sadd.s32 $0x40, s1;
	[tilespmem:s0+$0xFFFFFFF0] =	vst v0  }
0x35: {  	p0 =	slt.u32 s1, $0xFC0;
	[tilespmem:s2+$0x0] =	vst v0  }
.Ltmp0:
0x36: {  	[tilespmem:s0+$0x0] =	vst v0;
	(pc) =	sbr.rel @p0 .LBB2_2-.Ltmp0, $4  }
0x37: {  	[tilespmem:s2+$0x10] =	vst v0  }
0x38: {  	[tilespmem:s0+$0x10] =	vst v0  }
0x39: {  	[tilespmem:s2+$0xFFFFFFE0] =	vst v0  }
0x3a: {  	s2 =	sadd.s32 $0x40, s2;
	[tilespmem:s0+$0xFFFFFFE0] =	vst v0  }
0x3b: {  	s0 =	simm.s32 $0x0;
	s1 =	rddreg [dreg:$0x4]  }
0x3c: {  	[tilespmem:s0], [sflag:$0x1] =	stream.strided.gather [hbm4b:s3+s13], $0x400, s14, s13, $0x38;
	[tilespmem:$0x12080] =	vst v63  }
0x3d: {  	s2 =	rddreg [dreg:$0x5]  }
0x3e: {  	[tilespmem:s9], [sflag:$0x1] =	stream.strided.gather [hbm4b:s1+s13], $0x400, s14, s13, $0x38;
	[tilespmem:$0x12080] =	vst v63  }
0x3f: {  	s7 =	rddreg [dreg:$0x6]  }
0x40: {  	[tilespmem:s14], [sflag:$0x1] =	stream.strided.gather [hbm4b:s2+s13], $0x400, s14, s13, $0x38;
	[tilespmem:$0x12080] =	vst v63  }
0x41: {  	s8 =	rddreg [dreg:$0x7]  }
0x42: {  	[tilespmem:s17], [sflag:$0x1] =	stream.strided.gather [hbm4b:s7+s13], $0x400, s14, s13, $0x38;
	[tilespmem:$0x12080] =	vst v63  }
0x43: {  	s19 =	rddreg [dreg:$0x8]  }
0x44: {  	[tilespmem:s20], [sflag:$0x1] =	stream.strided.gather [hbm4b:s8+s13], $0x400, s14, s13, $0x38;
	[tilespmem:$0x12080] =	vst v63  }
0x45: {  	s22 =	rddreg [dreg:$0x9]  }
0x46: {  	[tilespmem:s24], [sflag:$0x1] =	stream.strided.gather [hbm4b:s19+s13], $0x400, s14, s13, $0x38;
	[tilespmem:$0x12080] =	vst v63  }
0x47: {  	s23 =	rddreg [dreg:$0xa]  }
0x48: {  	[tilespmem:s25], [sflag:$0x1] =	stream.strided.gather [hbm4b:s22+s13], $0x400, s14, s13, $0x38;
	[tilespmem:$0x12080] =	vst v63  }
0x49: {  	s2 =	simm.s32 $0x1C00;
	s8 =	rddreg [dreg:$0xc]  }
0x4a: {  	[tilespmem:s2], [sflag:$0x1] =	stream.strided.gather [hbm4b:s23+s13], $0x400, s14, s13, $0x38;
	[tilespmem:$0x12080] =	vst v63  }
0x4b: {  	s7 =	simm.s32 $0x2000;
	s2 =	rddreg [dreg:$0xb]  }
0x4c: {  	[tilespmem:s7], [sflag:$0x1] =	stream.strided.gather [hbm4b:s2+s13], $0x400, s14, s13, $0x38;
	[tilespmem:$0x12080] =	vst v63  }
0x4d: {  	s19 =	simm.s32 $0x2400;
	s22 =	rddreg [dreg:$0xd]  }
0x4e: {  	[tilespmem:s19], [sflag:$0x1] =	stream.strided.gather [hbm4b:s8+s13], $0x400, s14, s13, $0x38;
	[tilespmem:$0x12080] =	vst v63  }
0x4f: {  	s23 =	simm.s32 $0x2800;
	s2 =	rddreg [dreg:$0xe]  }
0x50: {  	[tilespmem:s23], [sflag:$0x1] =	stream.strided.gather [hbm4b:s22+s13], $0x400, s14, s13, $0x38;
	[tilespmem:$0x12080] =	vst v63  }
0x51: {  	s7 =	simm.s32 $0x2C00;
	s8 =	rddreg [dreg:$0xf]  }
0x52: {  	[tilespmem:s7], [sflag:$0x1] =	stream.strided.gather [hbm4b:s2+s13], $0x400, s14, s13, $0x38;
	[tilespmem:$0x12080] =	vst v63  }
0x53: {  	s19 =	simm.s32 $0x3000;
	s22 =	rddreg [dreg:$0x10]  }
0x54: {  	[tilespmem:s19], [sflag:$0x1] =	stream.strided.gather [hbm4b:s8+s13], $0x400, s14, s13, $0x38;
	[tilespmem:$0x12080] =	vst v63  }
0x55: {  	s23 =	simm.s32 $0x3400;
	s2 =	rddreg [dreg:$0x11]  }
0x56: {  	[tilespmem:s23], [sflag:$0x1] =	stream.strided.gather [hbm4b:s22+s13], $0x400, s14, s13, $0x38;
	[tilespmem:$0x12080] =	vst v63  }
0x57: {  	s7 =	simm.s32 $0x3800;
	s8 =	rddreg [dreg:$0x12]  }
0x58: {  	[tilespmem:s7], [sflag:$0x1] =	stream.strided.gather [hbm4b:s2+s13], $0x400, s14, s13, $0x38;
	[tilespmem:$0x12080] =	vst v63  }
0x59: {  	s19 =	simm.s32 $0x3C00;
	s22 =	rddreg [dreg:$0x13]  }
0x5a: {  	[tilespmem:s19], [sflag:$0x1] =	stream.strided.gather [hbm4b:s8+s13], $0x400, s14, s13, $0x38;
	[tilespmem:$0x12080] =	vst v63  }
0x5b: {  	s23 =	simm.s32 $0x4000;
	s2 =	rddreg [dreg:$0x14]  }
0x5c: {  	[tilespmem:s23], [sflag:$0x1] =	stream.strided.gather [hbm4b:s22+s13], $0x400, s14, s13, $0x38;
	[tilespmem:$0x12080] =	vst v63  }
0x5d: {  	s7 =	simm.s32 $0x4400;
	s8 =	rddreg [dreg:$0x15]  }
0x5e: {  	[tilespmem:s7], [sflag:$0x1] =	stream.strided.gather [hbm4b:s2+s13], $0x400, s14, s13, $0x38;
	[tilespmem:$0x12080] =	vst v63  }
0x5f: {  	s19 =	simm.s32 $0x4800;
	s22 =	rddreg [dreg:$0x16]  }
0x60: {  	[tilespmem:s19], [sflag:$0x1] =	stream.strided.gather [hbm4b:s8+s13], $0x400, s14, s13, $0x38;
	[tilespmem:$0x12080] =	vst v63  }
0x61: {  	s23 =	simm.s32 $0x4C00;
	s2 =	rddreg [dreg:$0x17]  }
0x62: {  	[tilespmem:s23], [sflag:$0x1] =	stream.strided.gather [hbm4b:s22+s13], $0x400, s14, s13, $0x38;
	[tilespmem:$0x12080] =	vst v63  }
0x63: {  	s7 =	simm.s32 $0x5000;
	s8 =	rddreg [dreg:$0x18]  }
0x64: {  	[tilespmem:s7], [sflag:$0x1] =	stream.strided.gather [hbm4b:s2+s13], $0x400, s14, s13, $0x38;
	[tilespmem:$0x12080] =	vst v63  }
0x65: {  	s19 =	simm.s32 $0x5400;
	s22 =	rddreg [dreg:$0x19]  }
0x66: {  	[tilespmem:s19], [sflag:$0x1] =	stream.strided.gather [hbm4b:s8+s13], $0x400, s14, s13, $0x38;
	[tilespmem:$0x12080] =	vst v63  }
0x67: {  	s23 =	simm.s32 $0x5800;
	s2 =	rddreg [dreg:$0x1a]  }
0x68: {  	[tilespmem:s23], [sflag:$0x1] =	stream.strided.gather [hbm4b:s22+s13], $0x400, s14, s13, $0x38;
	[tilespmem:$0x12080] =	vst v63  }
0x69: {  	s7 =	simm.s32 $0x5C00;
	s8 =	rddreg [dreg:$0x1b]  }
0x6a: {  	[tilespmem:s7], [sflag:$0x1] =	stream.strided.gather [hbm4b:s2+s13], $0x400, s14, s13, $0x38;
	[tilespmem:$0x12080] =	vst v63  }
0x6b: {  	s19 =	simm.s32 $0x6000;
	s22 =	rddreg [dreg:$0x1c]  }
0x6c: {  	[tilespmem:s19], [sflag:$0x1] =	stream.strided.gather [hbm4b:s8+s13], $0x400, s14, s13, $0x38;
	[tilespmem:$0x12080] =	vst v63  }
0x6d: {  	s23 =	simm.s32 $0x6400;
	s2 =	rddreg [dreg:$0x1d]  }
0x6e: {  	[tilespmem:s23], [sflag:$0x1] =	stream.strided.gather [hbm4b:s22+s13], $0x400, s14, s13, $0x38;
	[tilespmem:$0x12080] =	vst v63  }
0x6f: {  	s7 =	simm.s32 $0x6800;
	s8 =	rddreg [dreg:$0x1e]  }
0x70: {  	[tilespmem:s7], [sflag:$0x1] =	stream.strided.gather [hbm4b:s2+s13], $0x400, s14, s13, $0x38;
	[tilespmem:$0x12080] =	vst v63  }
0x71: {  	s19 =	simm.s32 $0x6C00;
	s22 =	rddreg [dreg:$0x1f]  }
0x72: {  	[tilespmem:s19], [sflag:$0x1] =	stream.strided.gather [hbm4b:s8+s13], $0x400, s14, s13, $0x38;
	[tilespmem:$0x12080] =	vst v63  }
0x73: {  	s23 =	simm.s32 $0x7000;
	s2 =	sld [smem:$0x7FB]  }
0x74: {  	[tilespmem:s23], [sflag:$0x1] =	stream.strided.gather [hbm4b:s22+s13], $0x400, s14, s13, $0x38;
	[tilespmem:$0x12080] =	vst v63  }
0x75: {  	s7 =	simm.s32 $0x7400;
	s8 =	sld [smem:$0x7FC]  }
0x76: {  	[tilespmem:s7], [sflag:$0x1] =	stream.strided.gather [hbm4b:s2+s13], $0x400, s14, s13, $0x38;
	[tilespmem:$0x12080] =	vst v63  }
0x77: {  	s19 =	simm.s32 $0x7800;
	s22 =	sld [smem:$0x7FD]  }
0x78: {  	[tilespmem:s19], [sflag:$0x1] =	stream.strided.gather [hbm4b:s8+s13], $0x400, s14, s13, $0x38;
	[tilespmem:$0x12080] =	vst v63  }
0x79: {  	s23 =	simm.s32 $0x7C00  }
0x7a: {  	[tilespmem:s23], [sflag:$0x1] =	stream.strided.gather [hbm4b:s22+s13], $0x400, s14, s13, $0x38;
	[tilespmem:$0x12080] =	vst v63  }
0x7b: {  	_ =	swait.ge [sflag:s15], $0x8000  }
0x7c: {  	[sflag:s15] =	ssyncset.done $0x0  }
0x7d: {  	s7 =	simm.s32 $0x8000;
	[sflag:s15] =	ssyncadd.s32 $0xFFFF8000  }
0x7e: {  	[tilespmem:s7], [sflag:$0x2] =	stream.strided.gather [hbm4b:s4+s13], $0x400, s14, s13, $0x38;
	[tilespmem:$0x12080] =	vst v63  }
0x7f: {  	s8 =	sadd.s32 $0x40, s4;
	s19 =	simm.s32 $0x8400  }
0x80: {  	[tilespmem:s19], [sflag:$0x2] =	stream.strided.gather [hbm4b:s8+s13], $0x400, s14, s13, $0x38;
	[tilespmem:$0x12080] =	vst v63  }
0x81: {  	s22 =	sadd.s32 $0x80, s4;
	s23 =	simm.s32 $0x8800  }
0x82: {  	[tilespmem:s23], [sflag:$0x2] =	stream.strided.gather [hbm4b:s22+s13], $0x400, s14, s13, $0x38;
	[tilespmem:$0x12080] =	vst v63  }
0x83: {  	s2 =	sadd.s32 $0xC0, s4;
	s7 =	simm.s32 $0x8C00  }
0x84: {  	[tilespmem:s7], [sflag:$0x2] =	stream.strided.gather [hbm4b:s2+s13], $0x400, s14, s13, $0x38;
	[tilespmem:$0x12080] =	vst v63  }
0x85: {  	s8 =	sadd.s32 $0x200, s4;
	s19 =	simm.s32 $0x9000  }
0x86: {  	[tilespmem:s19], [sflag:$0x2] =	stream.strided.gather [hbm4b:s8+s13], $0x400, s14, s13, $0x38;
	[tilespmem:$0x12080] =	vst v63  }
0x87: {  	s22 =	sadd.s32 $0x240, s4;
	s23 =	simm.s32 $0x9400  }
0x88: {  	[tilespmem:s23], [sflag:$0x2] =	stream.strided.gather [hbm4b:s22+s13], $0x400, s14, s13, $0x38;
	[tilespmem:$0x12080] =	vst v63  }
0x89: {  	s2 =	sadd.s32 $0x280, s4;
	s7 =	simm.s32 $0x9800  }
0x8a: {  	[tilespmem:s7], [sflag:$0x2] =	stream.strided.gather [hbm4b:s2+s13], $0x400, s14, s13, $0x38;
	[tilespmem:$0x12080] =	vst v63  }
0x8b: {  	s8 =	sadd.s32 $0x2C0, s4;
	s19 =	simm.s32 $0x9C00  }
0x8c: {  	[tilespmem:s19], [sflag:$0x2] =	stream.strided.gather [hbm4b:s8+s13], $0x400, s14, s13, $0x38;
	[tilespmem:$0x12080] =	vst v63  }
0x8d: {  	s22 =	sadd.s32 $0x400, s4;
	s23 =	simm.s32 $0xA000  }
0x8e: {  	[tilespmem:s23], [sflag:$0x2] =	stream.strided.gather [hbm4b:s22+s13], $0x400, s14, s13, $0x38;
	[tilespmem:$0x12080] =	vst v63  }
0x8f: {  	s2 =	sadd.s32 $0x440, s4;
	s7 =	simm.s32 $0xA400  }
0x90: {  	[tilespmem:s7], [sflag:$0x2] =	stream.strided.gather [hbm4b:s2+s13], $0x400, s14, s13, $0x38;
	[tilespmem:$0x12080] =	vst v63  }
0x91: {  	s8 =	sadd.s32 $0x480, s4;
	s19 =	simm.s32 $0xA800  }
0x92: {  	[tilespmem:s19], [sflag:$0x2] =	stream.strided.gather [hbm4b:s8+s13], $0x400, s14, s13, $0x38;
	[tilespmem:$0x12080] =	vst v63  }
0x93: {  	s22 =	sadd.s32 $0x4C0, s4;
	s23 =	simm.s32 $0xAC00  }
0x94: {  	[tilespmem:s23], [sflag:$0x2] =	stream.strided.gather [hbm4b:s22+s13], $0x400, s14, s13, $0x38;
	[tilespmem:$0x12080] =	vst v63  }
0x95: {  	s2 =	sadd.s32 $0x600, s4;
	s7 =	simm.s32 $0xB000  }
0x96: {  	[tilespmem:s7], [sflag:$0x2] =	stream.strided.gather [hbm4b:s2+s13], $0x400, s14, s13, $0x38;
	[tilespmem:$0x12080] =	vst v63  }
0x97: {  	s8 =	sadd.s32 $0x640, s4;
	s19 =	simm.s32 $0xB400  }
0x98: {  	[tilespmem:s19], [sflag:$0x2] =	stream.strided.gather [hbm4b:s8+s13], $0x400, s14, s13, $0x38;
	[tilespmem:$0x12080] =	vst v63  }
0x99: {  	s22 =	sadd.s32 $0x680, s4;
	s23 =	simm.s32 $0xB800  }
0x9a: {  	[tilespmem:s23], [sflag:$0x2] =	stream.strided.gather [hbm4b:s22+s13], $0x400, s14, s13, $0x38;
	[tilespmem:$0x12080] =	vst v63  }
0x9b: {  	s2 =	sadd.s32 $0x6C0, s4;
	s7 =	simm.s32 $0xBC00  }
0x9c: {  	[tilespmem:s7], [sflag:$0x2] =	stream.strided.gather [hbm4b:s2+s13], $0x400, s14, s13, $0x38;
	[tilespmem:$0x12080] =	vst v63  }
0x9d: {  	s8 =	sadd.s32 $0x800, s4;
	s19 =	simm.s32 $0xC000  }
0x9e: {  	[tilespmem:s19], [sflag:$0x2] =	stream.strided.gather [hbm4b:s8+s13], $0x400, s14, s13, $0x38;
	[tilespmem:$0x12080] =	vst v63  }
0x9f: {  	s22 =	sadd.s32 $0x840, s4;
	s23 =	simm.s32 $0xC400  }
0xa0: {  	[tilespmem:s23], [sflag:$0x2] =	stream.strided.gather [hbm4b:s22+s13], $0x400, s14, s13, $0x38;
	[tilespmem:$0x12080] =	vst v63  }
0xa1: {  	s2 =	sadd.s32 $0x880, s4;
	s7 =	simm.s32 $0xC800  }
0xa2: {  	[tilespmem:s7], [sflag:$0x2] =	stream.strided.gather [hbm4b:s2+s13], $0x400, s14, s13, $0x38;
	[tilespmem:$0x12080] =	vst v63  }
0xa3: {  	s8 =	sadd.s32 $0x8C0, s4;
	s19 =	simm.s32 $0xCC00  }
0xa4: {  	[tilespmem:s19], [sflag:$0x2] =	stream.strided.gather [hbm4b:s8+s13], $0x400, s14, s13, $0x38;
	[tilespmem:$0x12080] =	vst v63  }
0xa5: {  	s22 =	sadd.s32 $0xA00, s4;
	s23 =	simm.s32 $0xD000  }
0xa6: {  	[tilespmem:s23], [sflag:$0x2] =	stream.strided.gather [hbm4b:s22+s13], $0x400, s14, s13, $0x38;
	[tilespmem:$0x12080] =	vst v63  }
0xa7: {  	s2 =	sadd.s32 $0xA40, s4;
	s7 =	simm.s32 $0xD400  }
0xa8: {  	[tilespmem:s7], [sflag:$0x2] =	stream.strided.gather [hbm4b:s2+s13], $0x400, s14, s13, $0x38;
	[tilespmem:$0x12080] =	vst v63  }
0xa9: {  	s8 =	sadd.s32 $0xA80, s4;
	s19 =	simm.s32 $0xD800  }
0xaa: {  	[tilespmem:s19], [sflag:$0x2] =	stream.strided.gather [hbm4b:s8+s13], $0x400, s14, s13, $0x38;
	[tilespmem:$0x12080] =	vst v63  }
0xab: {  	s22 =	sadd.s32 $0xAC0, s4;
	s23 =	simm.s32 $0xDC00  }
0xac: {  	[tilespmem:s23], [sflag:$0x2] =	stream.strided.gather [hbm4b:s22+s13], $0x400, s14, s13, $0x38;
	[tilespmem:$0x12080] =	vst v63  }
0xad: {  	s2 =	sadd.s32 $0xC00, s4;
	s7 =	simm.s32 $0xE000  }
0xae: {  	[tilespmem:s7], [sflag:$0x2] =	stream.strided.gather [hbm4b:s2+s13], $0x400, s14, s13, $0x38;
	[tilespmem:$0x12080] =	vst v63  }
0xaf: {  	s8 =	sadd.s32 $0xC40, s4;
	s19 =	simm.s32 $0xE400  }
0xb0: {  	[tilespmem:s19], [sflag:$0x2] =	stream.strided.gather [hbm4b:s8+s13], $0x400, s14, s13, $0x38;
	[tilespmem:$0x12080] =	vst v63  }
0xb1: {  	s22 =	sadd.s32 $0xC80, s4;
	s23 =	simm.s32 $0xE800  }
0xb2: {  	[tilespmem:s23], [sflag:$0x2] =	stream.strided.gather [hbm4b:s22+s13], $0x400, s14, s13, $0x38;
	[tilespmem:$0x12080] =	vst v63  }
0xb3: {  	s2 =	sadd.s32 $0xCC0, s4  }
0xb4: {  	[tilespmem:s10], [sflag:$0x2] =	stream.strided.gather [hbm4b:s2+s13], $0x400, s14, s13, $0x38;
	[tilespmem:$0x12080] =	vst v63  }
0xb5: {  	s7 =	sadd.s32 $0xE00, s4  }
0xb6: {  	[tilespmem:s26], [sflag:$0x2] =	stream.strided.gather [hbm4b:s7+s13], $0x400, s14, s13, $0x38;
	[tilespmem:$0x12080] =	vst v63  }
0xb7: {  	s8 =	sadd.s32 $0xE40, s4  }
0xb8: {  	[tilespmem:s11], [sflag:$0x2] =	stream.strided.gather [hbm4b:s8+s13], $0x400, s14, s13, $0x38;
	[tilespmem:$0x12080] =	vst v63  }
0xb9: {  	s19 =	sadd.s32 $0xE80, s4;
	s23 =	sand.u32 $0xE000, s0;
	s0 =	sand.u32 $0x700, s0  }
0xba: {  	[tilespmem:s16], [sflag:$0x2] =	stream.strided.gather [hbm4b:s19+s13], $0x400, s14, s13, $0x38;
	[tilespmem:$0x12080] =	vst v63  }
0xbb: {  	s22 =	sadd.s32 $0xEC0, s4;
	s0 =	sor.u32 s0, s23  }
0xbc: {  	[tilespmem:s12], [sflag:$0x2] =	stream.strided.gather [hbm4b:s22+s13], $0x400, s14, s13, $0x38;
	[tilespmem:$0x12080] =	vst v63  }
0xbd: {  	s22 =	sshrl.u32 s0, $0x1  }
0xbe: {  	v3 =	vld [tilespmem:s22+$0x0];
	_ =	sdelay $0x4  }
0xbf: {  	v4 =	vunpack.i.l.s16.s32 v3  }
0xc0: {  	v3 =	vunpack.i.u.s16.s32 v3;
	_ =	sdelay $0x3  }
0xc1: {  	[tilespmem:v4+s28+$0x0] =	vst.idx.add.s32.msk $0xffff, v1  }
0xc2: {  	[tilespmem:v3+s21+$0x0] =	vst.idx.add.s32.msk $0xffff, v1  }
0xc3: {  	v3 =	vld [tilespmem:s22+$0x20];
	_ =	sdelay $0x4  }
0xc4: {  	v4 =	vunpack.i.l.s16.s32 v3  }
0xc5: {  	v3 =	vunpack.i.u.s16.s32 v3;
	_ =	sdelay $0x3  }
0xc6: {  	[tilespmem:v4+s28+$0x0] =	vst.idx.add.s32.msk $0xffff, v1  }
0xc7: {  	[tilespmem:v3+s21+$0x0] =	vst.idx.add.s32.msk $0xffff, v1  }
0xc8: {  	v3 =	vld [tilespmem:s22+$0x40];
	_ =	sdelay $0x4  }
0xc9: {  	v4 =	vunpack.i.l.s16.s32 v3  }
0xca: {  	v3 =	vunpack.i.u.s16.s32 v3;
	_ =	sdelay $0x3  }
0xcb: {  	[tilespmem:v4+s28+$0x0] =	vst.idx.add.s32.msk $0xffff, v1  }
0xcc: {  	[tilespmem:v3+s21+$0x0] =	vst.idx.add.s32.msk $0xffff, v1  }
0xcd: {  	v3 =	vld [tilespmem:s22+$0x60];
	_ =	sdelay $0x4  }
0xce: {  	s2 =	simm.s32 $0x80;
	s7 =	simm.s32 $0x200;
	v4 =	vunpack.i.l.s16.s32 v3  }
0xcf: {  	s1 =	sand.u32 $0xE000, s7;
	s0 =	sand.u32 $0x700, s2;
	v3 =	vunpack.i.u.s16.s32 v3  }
0xd0: {  	s0 =	sor.u32 s0, s1  }
0xd1: {  	s31 =	sshrl.u32 s0, $0x1  }
0xd2: {  	v5 =	vld [tilespmem:s31+$0x0]  }
0xd3: {  	[tilespmem:v4+s28+$0x0] =	vst.idx.add.s32.msk $0xffff, v1  }
0xd4: {  	[tilespmem:v3+s21+$0x0] =	vst.idx.add.s32.msk $0xffff, v1  }
0xd5: {  	v3 =	vld [tilespmem:s22+$0x400];
	_ =	sdelay $0x1  }
0xd6: {  	v4 =	vunpack.i.l.s16.s32 v5  }
0xd7: {  	v5 =	vunpack.i.u.s16.s32 v5;
	_ =	sdelay $0x1  }
0xd8: {  	v6 =	vunpack.i.l.s16.s32 v3  }
0xd9: {  	v3 =	vunpack.i.u.s16.s32 v3  }
0xda: {  	[tilespmem:v4+s28+$0x0] =	vst.idx.add.s32.msk $0xffff, v1  }
0xdb: {  	[tilespmem:v5+s21+$0x0] =	vst.idx.add.s32.msk $0xffff, v1  }
0xdc: {  	v4 =	vld [tilespmem:s31+$0x20]  }
0xdd: {  	[tilespmem:v6+s28+$0x0] =	vst.idx.add.s32.msk $0xffff, v1  }
0xde: {  	[tilespmem:v3+s21+$0x0] =	vst.idx.add.s32.msk $0xffff, v1  }
0xdf: {  	v3 =	vld [tilespmem:s22+$0x420];
	_ =	sdelay $0x1  }
0xe0: {  	v5 =	vunpack.i.l.s16.s32 v4  }
0xe1: {  	v4 =	vunpack.i.u.s16.s32 v4;
	_ =	sdelay $0x1  }
0xe2: {  	v6 =	vunpack.i.l.s16.s32 v3  }
0xe3: {  	v3 =	vunpack.i.u.s16.s32 v3  }
0xe4: {  	[tilespmem:v5+s28+$0x0] =	vst.idx.add.s32.msk $0xffff, v1  }
0xe5: {  	[tilespmem:v4+s21+$0x0] =	vst.idx.add.s32.msk $0xffff, v1  }
0xe6: {  	v4 =	vld [tilespmem:s31+$0x40]  }
0xe7: {  	[tilespmem:v6+s28+$0x0] =	vst.idx.add.s32.msk $0xffff, v1  }
0xe8: {  	[tilespmem:v3+s21+$0x0] =	vst.idx.add.s32.msk $0xffff, v1  }
0xe9: {  	v3 =	vld [tilespmem:s22+$0x440];
	_ =	sdelay $0x1  }
0xea: {  	v5 =	vunpack.i.l.s16.s32 v4  }
0xeb: {  	v4 =	vunpack.i.u.s16.s32 v4;
	_ =	sdelay $0x1  }
0xec: {  	v6 =	vunpack.i.l.s16.s32 v3  }
0xed: {  	v3 =	vunpack.i.u.s16.s32 v3  }
0xee: {  	[tilespmem:v5+s28+$0x0] =	vst.idx.add.s32.msk $0xffff, v1  }
0xef: {  	[tilespmem:v4+s21+$0x0] =	vst.idx.add.s32.msk $0xffff, v1  }
0xf0: {  	v4 =	vld [tilespmem:s31+$0x60]  }
0xf1: {  	[tilespmem:v6+s28+$0x0] =	vst.idx.add.s32.msk $0xffff, v1  }
0xf2: {  	[tilespmem:v3+s21+$0x0] =	vst.idx.add.s32.msk $0xffff, v1  }
0xf3: {  	v3 =	vld [tilespmem:s22+$0x460];
	_ =	sdelay $0x1  }
0xf4: {  	s8 =	simm.s32 $0x100;
	s19 =	simm.s32 $0x400;
	v5 =	vunpack.i.l.s16.s32 v4  }
0xf5: {  	s1 =	sand.u32 $0xE000, s19;
	s0 =	sand.u32 $0x700, s8;
	v4 =	vunpack.i.u.s16.s32 v4  }
0xf6: {  	s0 =	sor.u32 s0, s1  }
0xf7: {  	s0 =	sshrl.u32 s0, $0x1;
	v6 =	vunpack.i.l.s16.s32 v3  }
0xf8: {  	v7 =	vld [tilespmem:s0+$0x0];
	v3 =	vunpack.i.u.s16.s32 v3  }
0xf9: {  	[tilespmem:v5+s28+$0x0] =	vst.idx.add.s32.msk $0xffff, v1  }
0xfa: {  	[tilespmem:v4+s21+$0x0] =	vst.idx.add.s32.msk $0xffff, v1  }
0xfb: {  	v4 =	vld [tilespmem:s31+$0x400]  }
0xfc: {  	[tilespmem:v6+s28+$0x0] =	vst.idx.add.s32.msk $0xffff, v1  }
0xfd: {  	[tilespmem:v3+s21+$0x0] =	vst.idx.add.s32.msk $0xffff, v1;
	v3 =	vunpack.i.l.s16.s32 v7  }
0xfe: {  	v6 =	vunpack.i.u.s16.s32 v7;
	v5 =	vld [tilespmem:s22+$0x800];
	_ =	sdelay $0x1  }
0xff: {  	v7 =	vunpack.i.l.s16.s32 v4  }
0x100: {  	v4 =	vunpack.i.u.s16.s32 v4  }
0x101: {  	[tilespmem:v3+s28+$0x0] =	vst.idx.add.s32.msk $0xffff, v1  }
0x102: {  	[tilespmem:v6+s21+$0x0] =	vst.idx.add.s32.msk $0xffff, v1;
	v3 =	vunpack.i.l.s16.s32 v5  }
0x103: {  	v5 =	vunpack.i.u.s16.s32 v5;
	v6 =	vld [tilespmem:s0+$0x20]  }
0x104: {  	[tilespmem:v7+s28+$0x0] =	vst.idx.add.s32.msk $0xffff, v1  }
0x105: {  	[tilespmem:v4+s21+$0x0] =	vst.idx.add.s32.msk $0xffff, v1  }
0x106: {  	v4 =	vld [tilespmem:s31+$0x420]  }
0x107: {  	[tilespmem:v3+s28+$0x0] =	vst.idx.add.s32.msk $0xffff, v1  }
0x108: {  	v3 =	vunpack.i.l.s16.s32 v6;
	[tilespmem:v5+s21+$0x0] =	vst.idx.add.s32.msk $0xffff, v1  }
0x109: {  	v5 =	vunpack.i.u.s16.s32 v6;
	v6 =	vld [tilespmem:s22+$0x820];
	_ =	sdelay $0x1  }
0x10a: {  	v7 =	vunpack.i.l.s16.s32 v4  }
0x10b: {  	v4 =	vunpack.i.u.s16.s32 v4  }
0x10c: {  	[tilespmem:v3+s28+$0x0] =	vst.idx.add.s32.msk $0xffff, v1  }
0x10d: {  	[tilespmem:v5+s21+$0x0] =	vst.idx.add.s32.msk $0xffff, v1;
	v3 =	vunpack.i.l.s16.s32 v6  }
0x10e: {  	v6 =	vunpack.i.u.s16.s32 v6;
	v5 =	vld [tilespmem:s0+$0x40]  }
0x10f: {  	[tilespmem:v7+s28+$0x0] =	vst.idx.add.s32.msk $0xffff, v1  }
0x110: {  	[tilespmem:v4+s21+$0x0] =	vst.idx.add.s32.msk $0xffff, v1  }
0x111: {  	v4 =	vld [tilespmem:s31+$0x440]  }
0x112: {  	[tilespmem:v3+s28+$0x0] =	vst.idx.add.s32.msk $0xffff, v1  }
0x113: {  	v3 =	vunpack.i.l.s16.s32 v5;
	[tilespmem:v6+s21+$0x0] =	vst.idx.add.s32.msk $0xffff, v1  }
0x114: {  	v5 =	vunpack.i.u.s16.s32 v5;
	v6 =	vld [tilespmem:s22+$0x840];
	_ =	sdelay $0x1  }
0x115: {  	v7 =	vunpack.i.l.s16.s32 v4  }
0x116: {  	v4 =	vunpack.i.u.s16.s32 v4  }
0x117: {  	[tilespmem:v3+s28+$0x0] =	vst.idx.add.s32.msk $0xffff, v1  }
0x118: {  	[tilespmem:v5+s21+$0x0] =	vst.idx.add.s32.msk $0xffff, v1;
	v3 =	vunpack.i.l.s16.s32 v6  }
0x119: {  	v6 =	vunpack.i.u.s16.s32 v6;
	v5 =	vld [tilespmem:s0+$0x60]  }
0x11a: {  	[tilespmem:v7+s28+$0x0] =	vst.idx.add.s32.msk $0xffff, v1  }
0x11b: {  	[tilespmem:v4+s21+$0x0] =	vst.idx.add.s32.msk $0xffff, v1  }
0x11c: {  	v4 =	vld [tilespmem:s31+$0x460]  }
0x11d: {  	[tilespmem:v3+s28+$0x0] =	vst.idx.add.s32.msk $0xffff, v1  }
0x11e: {  	s19 =	simm.s32 $0x600;
	s1 =	simm.s32 $0x180;
	[tilespmem:v6+s21+$0x0] =	vst.idx.add.s32.msk $0xffff, v1;
	v3 =	vunpack.i.l.s16.s32 v5  }
0x11f: {  	s23 =	sand.u32 $0xE000, s19;
	s7 =	sand.u32 $0x700, s1;
	v5 =	vunpack.i.u.s16.s32 v5;
	v6 =	vld [tilespmem:s22+$0x860]  }
0x120: {  	s2 =	sor.u32 s7, s23  }
0x121: {  	s23 =	sshrl.u32 s2, $0x1;
	v7 =	vunpack.i.l.s16.s32 v4  }
0x122: {  	v8 =	vld [tilespmem:s23+$0x0];
	v4 =	vunpack.i.u.s16.s32 v4  }
0x123: {  	[tilespmem:v3+s28+$0x0] =	vst.idx.add.s32.msk $0xffff, v1  }
0x124: {  	[tilespmem:v5+s21+$0x0] =	vst.idx.add.s32.msk $0xffff, v1;
	v3 =	vunpack.i.l.s16.s32 v6  }
0x125: {  	v6 =	vunpack.i.u.s16.s32 v6;
	v5 =	vld [tilespmem:s0+$0x400]  }
0x126: {  	[tilespmem:v7+s28+$0x0] =	vst.idx.add.s32.msk $0xffff, v1  }
0x127: {  	[tilespmem:v4+s21+$0x0] =	vst.idx.add.s32.msk $0xffff, v1;
	v4 =	vunpack.i.l.s16.s32 v8  }
0x128: {  	v8 =	vunpack.i.u.s16.s32 v8;
	v7 =	vld [tilespmem:s31+$0x800]  }
0x129: {  	[tilespmem:v3+s28+$0x0] =	vst.idx.add.s32.msk $0xffff, v1  }
0x12a: {  	[tilespmem:v6+s21+$0x0] =	vst.idx.add.s32.msk $0xffff, v1;
	v3 =	vunpack.i.l.s16.s32 v5  }
0x12b: {  	v5 =	vunpack.i.u.s16.s32 v5;
	v6 =	vld [tilespmem:s22+$0xC00]  }
0x12c: {  	[tilespmem:v4+s28+$0x0] =	vst.idx.add.s32.msk $0xffff, v1  }
0x12d: {  	[tilespmem:v8+s21+$0x0] =	vst.idx.add.s32.msk $0xffff, v1;
	v4 =	vunpack.i.l.s16.s32 v7  }
0x12e: {  	v7 =	vunpack.i.u.s16.s32 v7;
	v8 =	vld [tilespmem:s23+$0x20]  }
0x12f: {  	[tilespmem:v3+s28+$0x0] =	vst.idx.add.s32.msk $0xffff, v1  }
0x130: {  	[tilespmem:v5+s21+$0x0] =	vst.idx.add.s32.msk $0xffff, v1;
	v3 =	vunpack.i.l.s16.s32 v6  }
0x131: {  	v5 =	vunpack.i.u.s16.s32 v6;
	v9 =	vld [tilespmem:s0+$0x420]  }
0x132: {  	[tilespmem:v4+s28+$0x0] =	vst.idx.add.s32.msk $0xffff, v1  }
0x133: {  	v10 =	vunpack.i.l.s16.s32 v8;
	[tilespmem:v7+s21+$0x0] =	vst.idx.add.s32.msk $0xffff, v1  }
0x134: {  	v7 =	vunpack.i.u.s16.s32 v8;
	v4 =	vld [tilespmem:s31+$0x820]  }
0x135: {  	[tilespmem:v3+s28+$0x0] =	vst.idx.add.s32.msk $0xffff, v1  }
0x136: {  	[tilespmem:v5+s21+$0x0] =	vst.idx.add.s32.msk $0xffff, v1;
	v5 =	vunpack.i.l.s16.s32 v9  }
0x137: {  	v6 =	vunpack.i.u.s16.s32 v9;
	v3 =	vld [tilespmem:s22+$0xC20]  }
0x138: {  	s2 =	simm.s32 $0x4;
	[tilespmem:v10+s28+$0x0] =	vst.idx.add.s32.msk $0xffff, v1  }
.LBB2_4:
0x139: {  	p0 =	sne.s32 s2, $0x7F;
	[tilespmem:v7+s21+$0x0] =	vst.idx.add.s32.msk $0xffff, v1;
	v7 =	vunpack.i.l.s16.s32 v4  }
0x13a: {  	v4 =	vunpack.i.u.s16.s32 v4;
	v8 =	vld [tilespmem:s23+$0x40]  }
0x13b: {  	[tilespmem:v5+s28+$0x0] =	vst.idx.add.s32.msk $0xffff, v1  }
0x13c: {  	[tilespmem:v6+s21+$0x0] =	vst.idx.add.s32.msk $0xffff, v1;
	v5 =	vunpack.i.l.s16.s32 v3  }
0x13d: {  	v3 =	vunpack.i.u.s16.s32 v3;
	v6 =	vld [tilespmem:s0+$0x440]  }
0x13e: {  	[tilespmem:v7+s28+$0x0] =	vst.idx.add.s32.msk $0xffff, v1  }
0x13f: {  	v7 =	vunpack.i.l.s16.s32 v8;
	[tilespmem:v4+s21+$0x0] =	vst.idx.add.s32.msk $0xffff, v1  }
0x140: {  	v4 =	vunpack.i.u.s16.s32 v8;
	v8 =	vld [tilespmem:s31+$0x840]  }
0x141: {  	[tilespmem:v5+s28+$0x0] =	vst.idx.add.s32.msk $0xffff, v1  }
0x142: {  	v5 =	vunpack.i.l.s16.s32 v6;
	[tilespmem:v3+s21+$0x0] =	vst.idx.add.s32.msk $0xffff, v1  }
0x143: {  	v3 =	vunpack.i.u.s16.s32 v6;
	v6 =	vld [tilespmem:s22+$0xC40]  }
0x144: {  	[tilespmem:v7+s28+$0x0] =	vst.idx.add.s32.msk $0xffff, v1  }
0x145: {  	[tilespmem:v4+s21+$0x0] =	vst.idx.add.s32.msk $0xffff, v1;
	v4 =	vunpack.i.l.s16.s32 v8  }
0x146: {  	v8 =	vunpack.i.u.s16.s32 v8;
	v7 =	vld [tilespmem:s23+$0x60]  }
0x147: {  	[tilespmem:v5+s28+$0x0] =	vst.idx.add.s32.msk $0xffff, v1  }
0x148: {  	[tilespmem:v3+s21+$0x0] =	vst.idx.add.s32.msk $0xffff, v1;
	v3 =	vunpack.i.l.s16.s32 v6  }
0x149: {  	v6 =	vunpack.i.u.s16.s32 v6;
	v5 =	vld [tilespmem:s0+$0x460]  }
0x14a: {  	[tilespmem:v4+s28+$0x0] =	vst.idx.add.s32.msk $0xffff, v1  }
0x14b: {  	[tilespmem:v8+s21+$0x0] =	vst.idx.add.s32.msk $0xffff, v1  }
0x14c: {  	s1 =	sadd.s32 $0x80, s1;
	s19 =	sadd.s32 $0x200, s19;
	v4 =	vunpack.i.l.s16.s32 v7;
	v8 =	vld [tilespmem:s31+$0x860]  }
0x14d: {  	s7 =	sand.u32 $0xE000, s19;
	s8 =	sand.u32 $0x700, s1;
	v7 =	vunpack.i.u.s16.s32 v7;
	[tilespmem:v3+s28+$0x0] =	vst.idx.add.s32.msk $0xffff, v1  }
0x14e: {  	s7 =	sor.u32 s8, s7;
	[tilespmem:v6+s21+$0x0] =	vst.idx.add.s32.msk $0xffff, v1  }
0x14f: {  	s7 =	sshrl.u32 s7, $0x1;
	v3 =	vunpack.i.l.s16.s32 v5;
	v6 =	vld [tilespmem:s22+$0xC60];
	s22 =	smov.u32 s31;
	s31 =	smov.u32 s0  }
0x150: {  	v5 =	vunpack.i.u.s16.s32 v5;
	s0 =	smov.u32 s23;
	s23 =	smov.u32 s7;
	v9 =	vld [tilespmem:s7+$0x0]  }
0x151: {  	[tilespmem:v4+s28+$0x0] =	vst.idx.add.s32.msk $0xffff, v1  }
0x152: {  	v4 =	vunpack.i.l.s16.s32 v8;
	[tilespmem:v7+s21+$0x0] =	vst.idx.add.s32.msk $0xffff, v1  }
0x153: {  	v8 =	vunpack.i.u.s16.s32 v8;
	v7 =	vld [tilespmem:s0+$0x400]  }
0x154: {  	[tilespmem:v3+s28+$0x0] =	vst.idx.add.s32.msk $0xffff, v1;
	v3 =	vunpack.i.l.s16.s32 v6  }
0x155: {  	[tilespmem:v5+s21+$0x0] =	vst.idx.add.s32.msk $0xffff, v1;
	v5 =	vunpack.i.u.s16.s32 v6  }
0x156: {  	v6 =	vld [tilespmem:s31+$0x800]  }
0x157: {  	v10 =	vunpack.i.l.s16.s32 v9;
	[tilespmem:v4+s28+$0x0] =	vst.idx.add.s32.msk $0xffff, v1  }
0x158: {  	v4 =	vunpack.i.u.s16.s32 v9;
	[tilespmem:v8+s21+$0x0] =	vst.idx.add.s32.msk $0xffff, v1  }
0x159: {  	[tilespmem:v3+s28+$0x0] =	vst.idx.add.s32.msk $0xffff, v1  }
0x15a: {  	v3 =	vunpack.i.l.s16.s32 v7;
	[tilespmem:v5+s21+$0x0] =	vst.idx.add.s32.msk $0xffff, v1  }
0x15b: {  	v5 =	vunpack.i.u.s16.s32 v7;
	v7 =	vld [tilespmem:s22+$0xC00]  }
0x15c: {  	[tilespmem:v10+s28+$0x0] =	vst.idx.add.s32.msk $0xffff, v1  }
0x15d: {  	[tilespmem:v4+s21+$0x0] =	vst.idx.add.s32.msk $0xffff, v1;
	v4 =	vunpack.i.l.s16.s32 v6  }
0x15e: {  	v6 =	vunpack.i.u.s16.s32 v6;
	v8 =	vld [tilespmem:s23+$0x20]  }
0x15f: {  	[tilespmem:v3+s28+$0x0] =	vst.idx.add.s32.msk $0xffff, v1  }
0x160: {  	[tilespmem:v5+s21+$0x0] =	vst.idx.add.s32.msk $0xffff, v1;
	v3 =	vunpack.i.l.s16.s32 v7  }
0x161: {  	v10 =	vunpack.i.u.s16.s32 v7;
	v9 =	vld [tilespmem:s0+$0x420]  }
0x162: {  	[tilespmem:v4+s28+$0x0] =	vst.idx.add.s32.msk $0xffff, v1  }
0x163: {  	v11 =	vunpack.i.l.s16.s32 v8;
	[tilespmem:v6+s21+$0x0] =	vst.idx.add.s32.msk $0xffff, v1  }
.Ltmp1:
0x164: {  	v7 =	vunpack.i.u.s16.s32 v8;
	v4 =	vld [tilespmem:s31+$0x820];
	(pc) =	sbr.rel @p0 .LBB2_4-.Ltmp1, $4  }
0x165: {  	[tilespmem:v3+s28+$0x0] =	vst.idx.add.s32.msk $0xffff, v1  }
0x166: {  	v5 =	vunpack.i.l.s16.s32 v9;
	[tilespmem:v10+s21+$0x0] =	vst.idx.add.s32.msk $0xffff, v1  }
0x167: {  	v6 =	vunpack.i.u.s16.s32 v9;
	v3 =	vld [tilespmem:s22+$0xC20]  }
0x168: {  	s2 =	sadd.s32 $0x1, s2;
	[tilespmem:v11+s28+$0x0] =	vst.idx.add.s32.msk $0xffff, v1  }
0x169: {  	_ =	sdelay $0x3  }
0x16a: {  	[tilespmem:v7+s21+$0x0] =	vst.idx.add.s32.msk $0xffff, v1  }
0x16b: {  	v7 =	vld [tilespmem:s23+$0x40];
	_ =	sdelay $0x4  }
0x16c: {  	v8 =	vunpack.i.l.s16.s32 v7  }
0x16d: {  	v7 =	vunpack.i.u.s16.s32 v7;
	_ =	sdelay $0x3  }
0x16e: {  	[tilespmem:v8+s28+$0x0] =	vst.idx.add.s32.msk $0xffff, v1  }
0x16f: {  	[tilespmem:v7+s21+$0x0] =	vst.idx.add.s32.msk $0xffff, v1  }
0x170: {  	v7 =	vld [tilespmem:s23+$0x60];
	_ =	sdelay $0x4  }
0x171: {  	v8 =	vunpack.i.l.s16.s32 v7  }
0x172: {  	v7 =	vunpack.i.u.s16.s32 v7;
	_ =	sdelay $0x3  }
0x173: {  	[tilespmem:v8+s28+$0x0] =	vst.idx.add.s32.msk $0xffff, v1  }
0x174: {  	[tilespmem:v7+s21+$0x0] =	vst.idx.add.s32.msk $0xffff, v1  }
0x175: {  	v7 =	vld [tilespmem:s23+$0x400];
	_ =	sdelay $0x4  }
0x176: {  	v8 =	vunpack.i.l.s16.s32 v7  }
0x177: {  	v7 =	vunpack.i.u.s16.s32 v7;
	_ =	sdelay $0x3  }
0x178: {  	[tilespmem:v8+s28+$0x0] =	vst.idx.add.s32.msk $0xffff, v1  }
0x179: {  	[tilespmem:v7+s21+$0x0] =	vst.idx.add.s32.msk $0xffff, v1  }
0x17a: {  	v7 =	vld [tilespmem:s23+$0x420];
	_ =	sdelay $0x4  }
0x17b: {  	[tilespmem:v5+s28+$0x0] =	vst.idx.add.s32.msk $0xffff, v1;
	v8 =	vunpack.i.l.s16.s32 v7  }
0x17c: {  	[tilespmem:v6+s21+$0x0] =	vst.idx.add.s32.msk $0xffff, v1;
	v7 =	vunpack.i.u.s16.s32 v7  }
0x17d: {  	v5 =	vld [tilespmem:s0+$0x440];
	_ =	sdelay $0x2  }
0x17e: {  	[tilespmem:v8+s28+$0x0] =	vst.idx.add.s32.msk $0xffff, v1  }
0x17f: {  	[tilespmem:v7+s21+$0x0] =	vst.idx.add.s32.msk $0xffff, v1  }
0x180: {  	v7 =	vunpack.i.l.s16.s32 v5;
	v6 =	vld [tilespmem:s23+$0x440]  }
0x181: {  	v5 =	vunpack.i.u.s16.s32 v5;
	_ =	sdelay $0x3  }
0x182: {  	[tilespmem:v7+s28+$0x0] =	vst.idx.add.s32.msk $0xffff, v1;
	v8 =	vunpack.i.l.s16.s32 v6  }
0x183: {  	v6 =	vunpack.i.u.s16.s32 v6;
	[tilespmem:v5+s21+$0x0] =	vst.idx.add.s32.msk $0xffff, v1  }
0x184: {  	v5 =	vld [tilespmem:s0+$0x460];
	_ =	sdelay $0x2  }
0x185: {  	[tilespmem:v8+s28+$0x0] =	vst.idx.add.s32.msk $0xffff, v1  }
0x186: {  	[tilespmem:v6+s21+$0x0] =	vst.idx.add.s32.msk $0xffff, v1  }
0x187: {  	v7 =	vunpack.i.l.s16.s32 v5;
	v6 =	vld [tilespmem:s23+$0x460]  }
0x188: {  	v5 =	vunpack.i.u.s16.s32 v5;
	_ =	sdelay $0x3  }
0x189: {  	[tilespmem:v7+s28+$0x0] =	vst.idx.add.s32.msk $0xffff, v1;
	v8 =	vunpack.i.l.s16.s32 v6  }
0x18a: {  	v6 =	vunpack.i.u.s16.s32 v6;
	[tilespmem:v5+s21+$0x0] =	vst.idx.add.s32.msk $0xffff, v1  }
0x18b: {  	v5 =	vld [tilespmem:s0+$0x800];
	_ =	sdelay $0x2  }
0x18c: {  	[tilespmem:v8+s28+$0x0] =	vst.idx.add.s32.msk $0xffff, v1  }
0x18d: {  	[tilespmem:v6+s21+$0x0] =	vst.idx.add.s32.msk $0xffff, v1  }
0x18e: {  	v7 =	vunpack.i.l.s16.s32 v5;
	v6 =	vld [tilespmem:s23+$0x800]  }
0x18f: {  	v5 =	vunpack.i.u.s16.s32 v5;
	_ =	sdelay $0x3  }
0x190: {  	[tilespmem:v7+s28+$0x0] =	vst.idx.add.s32.msk $0xffff, v1;
	v8 =	vunpack.i.l.s16.s32 v6  }
0x191: {  	v6 =	vunpack.i.u.s16.s32 v6;
	[tilespmem:v5+s21+$0x0] =	vst.idx.add.s32.msk $0xffff, v1  }
0x192: {  	v5 =	vld [tilespmem:s0+$0x820];
	_ =	sdelay $0x1  }
0x193: {  	v7 =	vunpack.i.l.s16.s32 v4  }
0x194: {  	v4 =	vunpack.i.u.s16.s32 v4;
	[tilespmem:v8+s28+$0x0] =	vst.idx.add.s32.msk $0xffff, v1  }
0x195: {  	[tilespmem:v6+s21+$0x0] =	vst.idx.add.s32.msk $0xffff, v1  }
0x196: {  	v8 =	vunpack.i.l.s16.s32 v5;
	v6 =	vld [tilespmem:s23+$0x820]  }
0x197: {  	v5 =	vunpack.i.u.s16.s32 v5  }
0x198: {  	[tilespmem:v7+s28+$0x0] =	vst.idx.add.s32.msk $0xffff, v1  }
0x199: {  	[tilespmem:v4+s21+$0x0] =	vst.idx.add.s32.msk $0xffff, v1  }
0x19a: {  	v7 =	vld [tilespmem:s31+$0x840]  }
0x19b: {  	[tilespmem:v8+s28+$0x0] =	vst.idx.add.s32.msk $0xffff, v1;
	v4 =	vunpack.i.l.s16.s32 v6  }
0x19c: {  	v6 =	vunpack.i.u.s16.s32 v6;
	[tilespmem:v5+s21+$0x0] =	vst.idx.add.s32.msk $0xffff, v1  }
0x19d: {  	v5 =	vld [tilespmem:s0+$0x840];
	_ =	sdelay $0x2  }
0x19e: {  	[tilespmem:v4+s28+$0x0] =	vst.idx.add.s32.msk $0xffff, v1;
	v4 =	vunpack.i.l.s16.s32 v7  }
0x19f: {  	[tilespmem:v6+s21+$0x0] =	vst.idx.add.s32.msk $0xffff, v1;
	v6 =	vunpack.i.u.s16.s32 v7  }
0x1a0: {  	v8 =	vunpack.i.l.s16.s32 v5  }
0x1a1: {  	v7 =	vld [tilespmem:s23+$0x840]  }
0x1a2: {  	v5 =	vunpack.i.u.s16.s32 v5  }
0x1a3: {  	[tilespmem:v4+s28+$0x0] =	vst.idx.add.s32.msk $0xffff, v1  }
0x1a4: {  	[tilespmem:v6+s21+$0x0] =	vst.idx.add.s32.msk $0xffff, v1  }
0x1a5: {  	[tilespmem:v8+s28+$0x0] =	vst.idx.add.s32.msk $0xffff, v1  }
0x1a6: {  	v4 =	vunpack.i.l.s16.s32 v7;
	v6 =	vld [tilespmem:s31+$0x860]  }
0x1a7: {  	[tilespmem:v5+s21+$0x0] =	vst.idx.add.s32.msk $0xffff, v1  }
0x1a8: {  	v5 =	vld [tilespmem:s0+$0x860]  }
0x1a9: {  	v7 =	vunpack.i.u.s16.s32 v7;
	_ =	sdelay $0x1  }
0x1aa: {  	[tilespmem:v4+s28+$0x0] =	vst.idx.add.s32.msk $0xffff, v1;
	v4 =	vunpack.i.l.s16.s32 v6  }
0x1ab: {  	v6 =	vunpack.i.u.s16.s32 v6  }
0x1ac: {  	v8 =	vunpack.i.l.s16.s32 v5  }
0x1ad: {  	[tilespmem:v7+s21+$0x0] =	vst.idx.add.s32.msk $0xffff, v1  }
0x1ae: {  	v5 =	vunpack.i.u.s16.s32 v5;
	v7 =	vld [tilespmem:s23+$0x860]  }
0x1af: {  	[tilespmem:v4+s28+$0x0] =	vst.idx.add.s32.msk $0xffff, v1  }
0x1b0: {  	[tilespmem:v6+s21+$0x0] =	vst.idx.add.s32.msk $0xffff, v1  }
0x1b1: {  	[tilespmem:v8+s28+$0x0] =	vst.idx.add.s32.msk $0xffff, v1  }
0x1b2: {  	v6 =	vld [tilespmem:s31+$0xC00]  }
0x1b3: {  	v4 =	vunpack.i.l.s16.s32 v7;
	[tilespmem:v5+s21+$0x0] =	vst.idx.add.s32.msk $0xffff, v1  }
0x1b4: {  	v7 =	vunpack.i.u.s16.s32 v7;
	v5 =	vld [tilespmem:s0+$0xC00];
	_ =	sdelay $0x3  }
0x1b5: {  	[tilespmem:v4+s28+$0x0] =	vst.idx.add.s32.msk $0xffff, v1;
	v4 =	vunpack.i.l.s16.s32 v6  }
0x1b6: {  	[tilespmem:v7+s21+$0x0] =	vst.idx.add.s32.msk $0xffff, v1;
	v8 =	vunpack.i.l.s16.s32 v5  }
0x1b7: {  	v6 =	vunpack.i.u.s16.s32 v6;
	v7 =	vld [tilespmem:s23+$0xC00];
	_ =	sdelay $0x1  }
0x1b8: {  	v5 =	vunpack.i.u.s16.s32 v5  }
0x1b9: {  	[tilespmem:v4+s28+$0x0] =	vst.idx.add.s32.msk $0xffff, v1  }
0x1ba: {  	[tilespmem:v8+s28+$0x0] =	vst.idx.add.s32.msk $0xffff, v1;
	v8 =	vunpack.i.l.s16.s32 v3  }
0x1bb: {  	[tilespmem:v6+s21+$0x0] =	vst.idx.add.s32.msk $0xffff, v1;
	v4 =	vunpack.i.l.s16.s32 v7  }
0x1bc: {  	v3 =	vunpack.i.u.s16.s32 v3;
	v6 =	vld [tilespmem:s31+$0xC20]  }
0x1bd: {  	v7 =	vunpack.i.u.s16.s32 v7;
	[tilespmem:v5+s21+$0x0] =	vst.idx.add.s32.msk $0xffff, v1  }
0x1be: {  	v5 =	vld [tilespmem:s0+$0xC20]  }
0x1bf: {  	[tilespmem:v8+s28+$0x0] =	vst.idx.add.s32.msk $0xffff, v1  }
0x1c0: {  	[tilespmem:v4+s28+$0x0] =	vst.idx.add.s32.msk $0xffff, v1  }
0x1c1: {  	v4 =	vunpack.i.l.s16.s32 v6;
	[tilespmem:v3+s21+$0x0] =	vst.idx.add.s32.msk $0xffff, v1  }
0x1c2: {  	v6 =	vunpack.i.u.s16.s32 v6;
	[tilespmem:v7+s21+$0x0] =	vst.idx.add.s32.msk $0xffff, v1  }
0x1c3: {  	v3 =	vunpack.i.l.s16.s32 v5;
	v7 =	vld [tilespmem:s23+$0xC20];
	_ =	sdelay $0x1  }
0x1c4: {  	v8 =	vld [tilespmem:s22+$0xC40];
	v5 =	vunpack.i.u.s16.s32 v5  }
0x1c5: {  	[tilespmem:v4+s28+$0x0] =	vst.idx.add.s32.msk $0xffff, v1  }
0x1c6: {  	[tilespmem:v6+s21+$0x0] =	vst.idx.add.s32.msk $0xffff, v1  }
0x1c7: {  	[tilespmem:v3+s28+$0x0] =	vst.idx.add.s32.msk $0xffff, v1;
	v4 =	vunpack.i.l.s16.s32 v7  }
0x1c8: {  	v6 =	vld [tilespmem:s31+$0xC40];
	v7 =	vunpack.i.u.s16.s32 v7  }
0x1c9: {  	[tilespmem:v5+s21+$0x0] =	vst.idx.add.s32.msk $0xffff, v1  }
0x1ca: {  	v3 =	vunpack.i.l.s16.s32 v8;
	v5 =	vunpack.i.u.s16.s32 v8;
	v8 =	vld [tilespmem:s0+$0xC40];
	_ =	sdelay $0x1  }
0x1cb: {  	[tilespmem:v4+s28+$0x0] =	vst.idx.add.s32.msk $0xffff, v1  }
0x1cc: {  	v4 =	vunpack.i.l.s16.s32 v6;
	[tilespmem:v7+s21+$0x0] =	vst.idx.add.s32.msk $0xffff, v1  }
0x1cd: {  	v6 =	vunpack.i.u.s16.s32 v6;
	v7 =	vld [tilespmem:s23+$0xC40]  }
0x1ce: {  	[tilespmem:v3+s28+$0x0] =	vst.idx.add.s32.msk $0xffff, v1;
	v3 =	vunpack.i.l.s16.s32 v8  }
0x1cf: {  	[tilespmem:v5+s21+$0x0] =	vst.idx.add.s32.msk $0xffff, v1  }
0x1d0: {  	v5 =	vld [tilespmem:s22+$0xC60];
	v8 =	vunpack.i.u.s16.s32 v8  }
0x1d1: {  	[tilespmem:v4+s28+$0x0] =	vst.idx.add.s32.msk $0xffff, v1  }
0x1d2: {  	[tilespmem:v6+s21+$0x0] =	vst.idx.add.s32.msk $0xffff, v1;
	v4 =	vunpack.i.l.s16.s32 v7  }
0x1d3: {  	[tilespmem:v3+s28+$0x0] =	vst.idx.add.s32.msk $0xffff, v1;
	v7 =	vunpack.i.u.s16.s32 v7  }
0x1d4: {  	v6 =	vld [tilespmem:s31+$0xC60]  }
0x1d5: {  	[tilespmem:v8+s21+$0x0] =	vst.idx.add.s32.msk $0xffff, v1  }
0x1d6: {  	v3 =	vld [tilespmem:s0+$0xC60]  }
0x1d7: {  	[tilespmem:v4+s28+$0x0] =	vst.idx.add.s32.msk $0xffff, v1  }
0x1d8: {  	v4 =	vunpack.i.l.s16.s32 v5;
	[tilespmem:v7+s21+$0x0] =	vst.idx.add.s32.msk $0xffff, v1  }
0x1d9: {  	v8 =	vunpack.i.l.s16.s32 v6;
	v7 =	vld [tilespmem:s23+$0xC60]  }
0x1da: {  	v5 =	vunpack.i.u.s16.s32 v5  }
0x1db: {  	v6 =	vunpack.i.u.s16.s32 v6  }
0x1dc: {  	v9 =	vunpack.i.l.s16.s32 v3  }
0x1dd: {  	v3 =	vunpack.i.u.s16.s32 v3;
	[tilespmem:v4+s28+$0x0] =	vst.idx.add.s32.msk $0xffff, v1  }
0x1de: {  	[tilespmem:v8+s28+$0x0] =	vst.idx.add.s32.msk $0xffff, v1;
	v4 =	vunpack.i.l.s16.s32 v7  }
0x1df: {  	[tilespmem:v5+s21+$0x0] =	vst.idx.add.s32.msk $0xffff, v1;
	v5 =	vunpack.i.u.s16.s32 v7  }
0x1e0: {  	[tilespmem:v6+s21+$0x0] =	vst.idx.add.s32.msk $0xffff, v1  }
0x1e1: {  	[tilespmem:v9+s28+$0x0] =	vst.idx.add.s32.msk $0xffff, v1  }
0x1e2: {  	[tilespmem:v3+s21+$0x0] =	vst.idx.add.s32.msk $0xffff, v1  }
0x1e3: {  	[tilespmem:v4+s28+$0x0] =	vst.idx.add.s32.msk $0xffff, v1  }
0x1e4: {  	[tilespmem:v5+s21+$0x0] =	vst.idx.add.s32.msk $0xffff, v1  }
0x1e5: {  	_ =	swait.ge [sflag:s29], $0x8000  }
0x1e6: {  	[sflag:s29] =	ssyncset.done $0x0  }
0x1e7: {  	s0 =	simm.s32 $0x0;
	[sflag:s29] =	ssyncadd.s32 $0xFFFF8000  }
0x1e8: {  	[tilespmem:s0], [sflag:$0x1] =	stream.strided.gather [hbm4b:s5+s13], $0x400, s14, s13, $0x38;
	[tilespmem:$0x12080] =	vst v63  }
0x1e9: {  	s1 =	sadd.s32 $0x40, s5  }
0x1ea: {  	[tilespmem:s9], [sflag:$0x1] =	stream.strided.gather [hbm4b:s1+s13], $0x400, s14, s13, $0x38;
	[tilespmem:$0x12080] =	vst v63  }
0x1eb: {  	s7 =	sadd.s32 $0x80, s5  }
0x1ec: {  	[tilespmem:s14], [sflag:$0x1] =	stream.strided.gather [hbm4b:s7+s13], $0x400, s14, s13, $0x38;
	[tilespmem:$0x12080] =	vst v63  }
0x1ed: {  	s8 =	sadd.s32 $0xC0, s5  }
0x1ee: {  	[tilespmem:s17], [sflag:$0x1] =	stream.strided.gather [hbm4b:s8+s13], $0x400, s14, s13, $0x38;
	[tilespmem:$0x12080] =	vst v63  }
0x1ef: {  	s9 =	sadd.s32 $0x200, s5  }
0x1f0: {  	[tilespmem:s20], [sflag:$0x1] =	stream.strided.gather [hbm4b:s9+s13], $0x400, s14, s13, $0x38;
	[tilespmem:$0x12080] =	vst v63  }
0x1f1: {  	s17 =	sadd.s32 $0x240, s5  }
0x1f2: {  	[tilespmem:s24], [sflag:$0x1] =	stream.strided.gather [hbm4b:s17+s13], $0x400, s14, s13, $0x38;
	[tilespmem:$0x12080] =	vst v63  }
0x1f3: {  	s19 =	sadd.s32 $0x280, s5  }
0x1f4: {  	[tilespmem:s25], [sflag:$0x1] =	stream.strided.gather [hbm4b:s19+s13], $0x400, s14, s13, $0x38;
	[tilespmem:$0x12080] =	vst v63  }
0x1f5: {  	s2 =	simm.s32 $0x1C00;
	s20 =	sadd.s32 $0x2C0, s5  }
0x1f6: {  	[tilespmem:s2], [sflag:$0x1] =	stream.strided.gather [hbm4b:s20+s13], $0x400, s14, s13, $0x38;
	[tilespmem:$0x12080] =	vst v63  }
0x1f7: {  	s22 =	sadd.s32 $0x400, s5;
	s23 =	simm.s32 $0x2000  }
0x1f8: {  	[tilespmem:s23], [sflag:$0x1] =	stream.strided.gather [hbm4b:s22+s13], $0x400, s14, s13, $0x38;
	[tilespmem:$0x12080] =	vst v63  }
0x1f9: {  	s24 =	sadd.s32 $0x440, s5;
	s25 =	simm.s32 $0x2400  }
0x1fa: {  	[tilespmem:s25], [sflag:$0x1] =	stream.strided.gather [hbm4b:s24+s13], $0x400, s14, s13, $0x38;
	[tilespmem:$0x12080] =	vst v63  }
0x1fb: {  	s7 =	sadd.s32 $0x480, s5;
	s8 =	simm.s32 $0x2800  }
0x1fc: {  	[tilespmem:s8], [sflag:$0x1] =	stream.strided.gather [hbm4b:s7+s13], $0x400, s14, s13, $0x38;
	[tilespmem:$0x12080] =	vst v63  }
0x1fd: {  	s9 =	sadd.s32 $0x4C0, s5;
	s17 =	simm.s32 $0x2C00  }
0x1fe: {  	[tilespmem:s17], [sflag:$0x1] =	stream.strided.gather [hbm4b:s9+s13], $0x400, s14, s13, $0x38;
	[tilespmem:$0x12080] =	vst v63  }
0x1ff: {  	s19 =	sadd.s32 $0x600, s5;
	s20 =	simm.s32 $0x3000  }
0x200: {  	[tilespmem:s20], [sflag:$0x1] =	stream.strided.gather [hbm4b:s19+s13], $0x400, s14, s13, $0x38;
	[tilespmem:$0x12080] =	vst v63  }
0x201: {  	s22 =	sadd.s32 $0x640, s5;
	s23 =	simm.s32 $0x3400  }
0x202: {  	[tilespmem:s23], [sflag:$0x1] =	stream.strided.gather [hbm4b:s22+s13], $0x400, s14, s13, $0x38;
	[tilespmem:$0x12080] =	vst v63  }
0x203: {  	s24 =	sadd.s32 $0x680, s5;
	s25 =	simm.s32 $0x3800  }
0x204: {  	[tilespmem:s25], [sflag:$0x1] =	stream.strided.gather [hbm4b:s24+s13], $0x400, s14, s13, $0x38;
	[tilespmem:$0x12080] =	vst v63  }
0x205: {  	s7 =	sadd.s32 $0x6C0, s5;
	s8 =	simm.s32 $0x3C00  }
0x206: {  	[tilespmem:s8], [sflag:$0x1] =	stream.strided.gather [hbm4b:s7+s13], $0x400, s14, s13, $0x38;
	[tilespmem:$0x12080] =	vst v63  }
0x207: {  	s9 =	sadd.s32 $0x800, s5;
	s17 =	simm.s32 $0x4000  }
0x208: {  	[tilespmem:s17], [sflag:$0x1] =	stream.strided.gather [hbm4b:s9+s13], $0x400, s14, s13, $0x38;
	[tilespmem:$0x12080] =	vst v63  }
0x209: {  	s19 =	sadd.s32 $0x840, s5;
	s20 =	simm.s32 $0x4400  }
0x20a: {  	[tilespmem:s20], [sflag:$0x1] =	stream.strided.gather [hbm4b:s19+s13], $0x400, s14, s13, $0x38;
	[tilespmem:$0x12080] =	vst v63  }
0x20b: {  	s22 =	sadd.s32 $0x880, s5;
	s23 =	simm.s32 $0x4800  }
0x20c: {  	[tilespmem:s23], [sflag:$0x1] =	stream.strided.gather [hbm4b:s22+s13], $0x400, s14, s13, $0x38;
	[tilespmem:$0x12080] =	vst v63  }
0x20d: {  	s24 =	sadd.s32 $0x8C0, s5;
	s25 =	simm.s32 $0x4C00  }
0x20e: {  	[tilespmem:s25], [sflag:$0x1] =	stream.strided.gather [hbm4b:s24+s13], $0x400, s14, s13, $0x38;
	[tilespmem:$0x12080] =	vst v63  }
0x20f: {  	s7 =	sadd.s32 $0xA00, s5;
	s8 =	simm.s32 $0x5000  }
0x210: {  	[tilespmem:s8], [sflag:$0x1] =	stream.strided.gather [hbm4b:s7+s13], $0x400, s14, s13, $0x38;
	[tilespmem:$0x12080] =	vst v63  }
0x211: {  	s9 =	sadd.s32 $0xA40, s5;
	s17 =	simm.s32 $0x5400  }
0x212: {  	[tilespmem:s17], [sflag:$0x1] =	stream.strided.gather [hbm4b:s9+s13], $0x400, s14, s13, $0x38;
	[tilespmem:$0x12080] =	vst v63  }
0x213: {  	s19 =	sadd.s32 $0xA80, s5;
	s20 =	simm.s32 $0x5800  }
0x214: {  	[tilespmem:s20], [sflag:$0x1] =	stream.strided.gather [hbm4b:s19+s13], $0x400, s14, s13, $0x38;
	[tilespmem:$0x12080] =	vst v63  }
0x215: {  	s22 =	sadd.s32 $0xAC0, s5;
	s23 =	simm.s32 $0x5C00  }
0x216: {  	[tilespmem:s23], [sflag:$0x1] =	stream.strided.gather [hbm4b:s22+s13], $0x400, s14, s13, $0x38;
	[tilespmem:$0x12080] =	vst v63  }
0x217: {  	s24 =	sadd.s32 $0xC00, s5;
	s25 =	simm.s32 $0x6000  }
0x218: {  	[tilespmem:s25], [sflag:$0x1] =	stream.strided.gather [hbm4b:s24+s13], $0x400, s14, s13, $0x38;
	[tilespmem:$0x12080] =	vst v63  }
0x219: {  	s7 =	sadd.s32 $0xC40, s5;
	s8 =	simm.s32 $0x6400  }
0x21a: {  	[tilespmem:s8], [sflag:$0x1] =	stream.strided.gather [hbm4b:s7+s13], $0x400, s14, s13, $0x38;
	[tilespmem:$0x12080] =	vst v63  }
0x21b: {  	s9 =	sadd.s32 $0xC80, s5;
	s17 =	simm.s32 $0x6800  }
0x21c: {  	[tilespmem:s17], [sflag:$0x1] =	stream.strided.gather [hbm4b:s9+s13], $0x400, s14, s13, $0x38;
	[tilespmem:$0x12080] =	vst v63  }
0x21d: {  	s19 =	sadd.s32 $0xCC0, s5;
	s20 =	simm.s32 $0x6C00  }
0x21e: {  	[tilespmem:s20], [sflag:$0x1] =	stream.strided.gather [hbm4b:s19+s13], $0x400, s14, s13, $0x38;
	[tilespmem:$0x12080] =	vst v63  }
0x21f: {  	s22 =	sadd.s32 $0xE00, s5;
	s23 =	simm.s32 $0x7000;
	s24 =	sadd.s32 $0xE40, s5  }
0x220: {  	[tilespmem:s23], [sflag:$0x1] =	stream.strided.gather [hbm4b:s22+s13], $0x400, s14, s13, $0x38;
	[tilespmem:$0x12080] =	vst v63  }
0x221: {  	s25 =	simm.s32 $0x7400;
	s17 =	sand.u32 $0xE000, s0;
	s0 =	sand.u32 $0x700, s0  }
0x222: {  	[tilespmem:s25], [sflag:$0x1] =	stream.strided.gather [hbm4b:s24+s13], $0x400, s14, s13, $0x38;
	[tilespmem:$0x12080] =	vst v63  }
0x223: {  	s2 =	sadd.s32 $0xE80, s5;
	s7 =	simm.s32 $0x7800;
	s0 =	sor.u32 s0, s17  }
0x224: {  	[tilespmem:s7], [sflag:$0x1] =	stream.strided.gather [hbm4b:s2+s13], $0x400, s14, s13, $0x38;
	[tilespmem:$0x12080] =	vst v63  }
0x225: {  	s8 =	sadd.s32 $0xEC0, s5;
	s9 =	simm.s32 $0x7C00;
	s22 =	sshrl.u32 s0, $0x1  }
0x226: {  	[tilespmem:s9], [sflag:$0x1] =	stream.strided.gather [hbm4b:s8+s13], $0x400, s14, s13, $0x38;
	[tilespmem:$0x12080] =	vst v63  }
0x227: {  	v3 =	vld [tilespmem:s22+$0x8000];
	_ =	sdelay $0x4  }
0x228: {  	v4 =	vunpack.i.l.s16.s32 v3  }
0x229: {  	v3 =	vunpack.i.u.s16.s32 v3;
	_ =	sdelay $0x3  }
0x22a: {  	[tilespmem:v4+s28+$0x0] =	vst.idx.add.s32.msk $0xffff, v1  }
0x22b: {  	[tilespmem:v3+s21+$0x0] =	vst.idx.add.s32.msk $0xffff, v1  }
0x22c: {  	v3 =	vld [tilespmem:s22+$0x8020];
	_ =	sdelay $0x4  }
0x22d: {  	v4 =	vunpack.i.l.s16.s32 v3  }
0x22e: {  	v3 =	vunpack.i.u.s16.s32 v3;
	_ =	sdelay $0x3  }
0x22f: {  	[tilespmem:v4+s28+$0x0] =	vst.idx.add.s32.msk $0xffff, v1  }
0x230: {  	[tilespmem:v3+s21+$0x0] =	vst.idx.add.s32.msk $0xffff, v1  }
0x231: {  	v3 =	vld [tilespmem:s22+$0x8040];
	_ =	sdelay $0x4  }
0x232: {  	v4 =	vunpack.i.l.s16.s32 v3  }
0x233: {  	v3 =	vunpack.i.u.s16.s32 v3;
	_ =	sdelay $0x3  }
0x234: {  	[tilespmem:v4+s28+$0x0] =	vst.idx.add.s32.msk $0xffff, v1  }
0x235: {  	[tilespmem:v3+s21+$0x0] =	vst.idx.add.s32.msk $0xffff, v1  }
0x236: {  	v3 =	vld [tilespmem:s22+$0x8060];
	_ =	sdelay $0x4  }
0x237: {  	s19 =	simm.s32 $0x80;
	s20 =	simm.s32 $0x200;
	v4 =	vunpack.i.l.s16.s32 v3  }
0x238: {  	s1 =	sand.u32 $0xE000, s20;
	s0 =	sand.u32 $0x700, s19;
	v3 =	vunpack.i.u.s16.s32 v3  }
0x239: {  	s0 =	sor.u32 s0, s1  }
0x23a: {  	s31 =	sshrl.u32 s0, $0x1  }
0x23b: {  	v5 =	vld [tilespmem:s31+$0x8000]  }
0x23c: {  	[tilespmem:v4+s28+$0x0] =	vst.idx.add.s32.msk $0xffff, v1  }
0x23d: {  	[tilespmem:v3+s21+$0x0] =	vst.idx.add.s32.msk $0xffff, v1  }
0x23e: {  	v3 =	vld [tilespmem:s22+$0x8400];
	_ =	sdelay $0x1  }
0x23f: {  	v4 =	vunpack.i.l.s16.s32 v5  }
0x240: {  	v5 =	vunpack.i.u.s16.s32 v5;
	_ =	sdelay $0x1  }
0x241: {  	v6 =	vunpack.i.l.s16.s32 v3  }
0x242: {  	v3 =	vunpack.i.u.s16.s32 v3  }
0x243: {  	[tilespmem:v4+s28+$0x0] =	vst.idx.add.s32.msk $0xffff, v1  }
0x244: {  	[tilespmem:v5+s21+$0x0] =	vst.idx.add.s32.msk $0xffff, v1  }
0x245: {  	v4 =	vld [tilespmem:s31+$0x8020]  }
0x246: {  	[tilespmem:v6+s28+$0x0] =	vst.idx.add.s32.msk $0xffff, v1  }
0x247: {  	[tilespmem:v3+s21+$0x0] =	vst.idx.add.s32.msk $0xffff, v1  }
0x248: {  	v3 =	vld [tilespmem:s22+$0x8420];
	_ =	sdelay $0x1  }
0x249: {  	v5 =	vunpack.i.l.s16.s32 v4  }
0x24a: {  	v4 =	vunpack.i.u.s16.s32 v4;
	_ =	sdelay $0x1  }
0x24b: {  	v6 =	vunpack.i.l.s16.s32 v3  }
0x24c: {  	v3 =	vunpack.i.u.s16.s32 v3  }
0x24d: {  	[tilespmem:v5+s28+$0x0] =	vst.idx.add.s32.msk $0xffff, v1  }
0x24e: {  	[tilespmem:v4+s21+$0x0] =	vst.idx.add.s32.msk $0xffff, v1  }
0x24f: {  	v4 =	vld [tilespmem:s31+$0x8040]  }
0x250: {  	[tilespmem:v6+s28+$0x0] =	vst.idx.add.s32.msk $0xffff, v1  }
0x251: {  	[tilespmem:v3+s21+$0x0] =	vst.idx.add.s32.msk $0xffff, v1  }
0x252: {  	v3 =	vld [tilespmem:s22+$0x8440];
	_ =	sdelay $0x1  }
0x253: {  	v5 =	vunpack.i.l.s16.s32 v4  }
0x254: {  	v4 =	vunpack.i.u.s16.s32 v4;
	_ =	sdelay $0x1  }
0x255: {  	v6 =	vunpack.i.l.s16.s32 v3  }
0x256: {  	v3 =	vunpack.i.u.s16.s32 v3  }
0x257: {  	[tilespmem:v5+s28+$0x0] =	vst.idx.add.s32.msk $0xffff, v1  }
0x258: {  	[tilespmem:v4+s21+$0x0] =	vst.idx.add.s32.msk $0xffff, v1  }
0x259: {  	v4 =	vld [tilespmem:s31+$0x8060]  }
0x25a: {  	[tilespmem:v6+s28+$0x0] =	vst.idx.add.s32.msk $0xffff, v1  }
0x25b: {  	[tilespmem:v3+s21+$0x0] =	vst.idx.add.s32.msk $0xffff, v1  }
0x25c: {  	v3 =	vld [tilespmem:s22+$0x8460];
	_ =	sdelay $0x1  }
0x25d: {  	s23 =	simm.s32 $0x100;
	s24 =	simm.s32 $0x400;
	v5 =	vunpack.i.l.s16.s32 v4  }
0x25e: {  	s0 =	sand.u32 $0x700, s23;
	s1 =	sand.u32 $0xE000, s24;
	v4 =	vunpack.i.u.s16.s32 v4  }
0x25f: {  	s0 =	sor.u32 s0, s1  }
0x260: {  	s0 =	sshrl.u32 s0, $0x1;
	v6 =	vunpack.i.l.s16.s32 v3  }
0x261: {  	v7 =	vld [tilespmem:s0+$0x8000];
	v3 =	vunpack.i.u.s16.s32 v3  }
0x262: {  	[tilespmem:v5+s28+$0x0] =	vst.idx.add.s32.msk $0xffff, v1  }
0x263: {  	[tilespmem:v4+s21+$0x0] =	vst.idx.add.s32.msk $0xffff, v1  }
0x264: {  	v4 =	vld [tilespmem:s31+$0x8400]  }
0x265: {  	[tilespmem:v6+s28+$0x0] =	vst.idx.add.s32.msk $0xffff, v1  }
0x266: {  	[tilespmem:v3+s21+$0x0] =	vst.idx.add.s32.msk $0xffff, v1;
	v3 =	vunpack.i.l.s16.s32 v7  }
0x267: {  	v6 =	vunpack.i.u.s16.s32 v7;
	v5 =	vld [tilespmem:s22+$0x8800];
	_ =	sdelay $0x1  }
0x268: {  	v7 =	vunpack.i.l.s16.s32 v4  }
0x269: {  	v4 =	vunpack.i.u.s16.s32 v4  }
0x26a: {  	[tilespmem:v3+s28+$0x0] =	vst.idx.add.s32.msk $0xffff, v1  }
0x26b: {  	[tilespmem:v6+s21+$0x0] =	vst.idx.add.s32.msk $0xffff, v1;
	v3 =	vunpack.i.l.s16.s32 v5  }
0x26c: {  	v5 =	vunpack.i.u.s16.s32 v5;
	v6 =	vld [tilespmem:s0+$0x8020]  }
0x26d: {  	[tilespmem:v7+s28+$0x0] =	vst.idx.add.s32.msk $0xffff, v1  }
0x26e: {  	[tilespmem:v4+s21+$0x0] =	vst.idx.add.s32.msk $0xffff, v1  }
0x26f: {  	v4 =	vld [tilespmem:s31+$0x8420]  }
0x270: {  	[tilespmem:v3+s28+$0x0] =	vst.idx.add.s32.msk $0xffff, v1  }
0x271: {  	v3 =	vunpack.i.l.s16.s32 v6;
	[tilespmem:v5+s21+$0x0] =	vst.idx.add.s32.msk $0xffff, v1  }
0x272: {  	v5 =	vunpack.i.u.s16.s32 v6;
	v6 =	vld [tilespmem:s22+$0x8820];
	_ =	sdelay $0x1  }
0x273: {  	v7 =	vunpack.i.l.s16.s32 v4  }
0x274: {  	v4 =	vunpack.i.u.s16.s32 v4  }
0x275: {  	[tilespmem:v3+s28+$0x0] =	vst.idx.add.s32.msk $0xffff, v1  }
0x276: {  	[tilespmem:v5+s21+$0x0] =	vst.idx.add.s32.msk $0xffff, v1;
	v3 =	vunpack.i.l.s16.s32 v6  }
0x277: {  	v6 =	vunpack.i.u.s16.s32 v6;
	v5 =	vld [tilespmem:s0+$0x8040]  }
0x278: {  	[tilespmem:v7+s28+$0x0] =	vst.idx.add.s32.msk $0xffff, v1  }
0x279: {  	[tilespmem:v4+s21+$0x0] =	vst.idx.add.s32.msk $0xffff, v1  }
0x27a: {  	v4 =	vld [tilespmem:s31+$0x8440]  }
0x27b: {  	[tilespmem:v3+s28+$0x0] =	vst.idx.add.s32.msk $0xffff, v1  }
0x27c: {  	v3 =	vunpack.i.l.s16.s32 v5;
	[tilespmem:v6+s21+$0x0] =	vst.idx.add.s32.msk $0xffff, v1  }
0x27d: {  	v5 =	vunpack.i.u.s16.s32 v5;
	v6 =	vld [tilespmem:s22+$0x8840];
	_ =	sdelay $0x1  }
0x27e: {  	v7 =	vunpack.i.l.s16.s32 v4  }
0x27f: {  	v4 =	vunpack.i.u.s16.s32 v4  }
0x280: {  	[tilespmem:v3+s28+$0x0] =	vst.idx.add.s32.msk $0xffff, v1  }
0x281: {  	[tilespmem:v5+s21+$0x0] =	vst.idx.add.s32.msk $0xffff, v1;
	v3 =	vunpack.i.l.s16.s32 v6  }
0x282: {  	v6 =	vunpack.i.u.s16.s32 v6;
	v5 =	vld [tilespmem:s0+$0x8060]  }
0x283: {  	[tilespmem:v7+s28+$0x0] =	vst.idx.add.s32.msk $0xffff, v1  }
0x284: {  	[tilespmem:v4+s21+$0x0] =	vst.idx.add.s32.msk $0xffff, v1  }
0x285: {  	v4 =	vld [tilespmem:s31+$0x8460]  }
0x286: {  	[tilespmem:v3+s28+$0x0] =	vst.idx.add.s32.msk $0xffff, v1  }
0x287: {  	s19 =	simm.s32 $0x600;
	s1 =	simm.s32 $0x180;
	[tilespmem:v6+s21+$0x0] =	vst.idx.add.s32.msk $0xffff, v1;
	v3 =	vunpack.i.l.s16.s32 v5  }
0x288: {  	s25 =	sand.u32 $0xE000, s19;
	s7 =	sand.u32 $0x700, s1;
	v5 =	vunpack.i.u.s16.s32 v5;
	v6 =	vld [tilespmem:s22+$0x8860]  }
0x289: {  	s2 =	sor.u32 s7, s25  }
0x28a: {  	s23 =	sshrl.u32 s2, $0x1;
	v7 =	vunpack.i.l.s16.s32 v4  }
0x28b: {  	v8 =	vld [tilespmem:s23+$0x8000];
	v4 =	vunpack.i.u.s16.s32 v4  }
0x28c: {  	[tilespmem:v3+s28+$0x0] =	vst.idx.add.s32.msk $0xffff, v1  }
0x28d: {  	[tilespmem:v5+s21+$0x0] =	vst.idx.add.s32.msk $0xffff, v1;
	v3 =	vunpack.i.l.s16.s32 v6  }
0x28e: {  	v6 =	vunpack.i.u.s16.s32 v6;
	v5 =	vld [tilespmem:s0+$0x8400]  }
0x28f: {  	[tilespmem:v7+s28+$0x0] =	vst.idx.add.s32.msk $0xffff, v1  }
0x290: {  	[tilespmem:v4+s21+$0x0] =	vst.idx.add.s32.msk $0xffff, v1;
	v4 =	vunpack.i.l.s16.s32 v8  }
0x291: {  	v8 =	vunpack.i.u.s16.s32 v8;
	v7 =	vld [tilespmem:s31+$0x8800]  }
0x292: {  	[tilespmem:v3+s28+$0x0] =	vst.idx.add.s32.msk $0xffff, v1  }
0x293: {  	[tilespmem:v6+s21+$0x0] =	vst.idx.add.s32.msk $0xffff, v1;
	v3 =	vunpack.i.l.s16.s32 v5  }
0x294: {  	v5 =	vunpack.i.u.s16.s32 v5;
	v6 =	vld [tilespmem:s22+$0x8C00]  }
0x295: {  	[tilespmem:v4+s28+$0x0] =	vst.idx.add.s32.msk $0xffff, v1  }
0x296: {  	[tilespmem:v8+s21+$0x0] =	vst.idx.add.s32.msk $0xffff, v1;
	v4 =	vunpack.i.l.s16.s32 v7  }
0x297: {  	v7 =	vunpack.i.u.s16.s32 v7;
	v8 =	vld [tilespmem:s23+$0x8020]  }
0x298: {  	[tilespmem:v3+s28+$0x0] =	vst.idx.add.s32.msk $0xffff, v1  }
0x299: {  	[tilespmem:v5+s21+$0x0] =	vst.idx.add.s32.msk $0xffff, v1;
	v3 =	vunpack.i.l.s16.s32 v6  }
0x29a: {  	v5 =	vunpack.i.u.s16.s32 v6;
	v63 =	vld [tilespmem:s0+$0x8420]  }
0x29b: {  	[tilespmem:v4+s28+$0x0] =	vst.idx.add.s32.msk $0xffff, v1  }
0x29c: {  	v10 =	vunpack.i.l.s16.s32 v8;
	[tilespmem:v7+s21+$0x0] =	vst.idx.add.s32.msk $0xffff, v1  }
0x29d: {  	v7 =	vunpack.i.u.s16.s32 v8;
	v4 =	vld [tilespmem:s31+$0x8820]  }
0x29e: {  	[tilespmem:v3+s28+$0x0] =	vst.idx.add.s32.msk $0xffff, v1  }
0x29f: {  	[tilespmem:v5+s21+$0x0] =	vst.idx.add.s32.msk $0xffff, v1;
	v5 =	vunpack.i.l.s16.s32 v63  }
0x2a0: {  	v6 =	vunpack.i.u.s16.s32 v63;
	v3 =	vld [tilespmem:s22+$0x8C20]  }
0x2a1: {  	s2 =	simm.s32 $0x4;
	[tilespmem:v10+s28+$0x0] =	vst.idx.add.s32.msk $0xffff, v1  }
.LBB2_6:
0x2a2: {  	p0 =	sne.s32 s2, $0x7F;
	[tilespmem:v7+s21+$0x0] =	vst.idx.add.s32.msk $0xffff, v1;
	v7 =	vunpack.i.l.s16.s32 v4  }
0x2a3: {  	v4 =	vunpack.i.u.s16.s32 v4;
	v8 =	vld [tilespmem:s23+$0x8040]  }
0x2a4: {  	[tilespmem:v5+s28+$0x0] =	vst.idx.add.s32.msk $0xffff, v1  }
0x2a5: {  	[tilespmem:v6+s21+$0x0] =	vst.idx.add.s32.msk $0xffff, v1;
	v5 =	vunpack.i.l.s16.s32 v3  }
0x2a6: {  	v3 =	vunpack.i.u.s16.s32 v3;
	v6 =	vld [tilespmem:s0+$0x8440]  }
0x2a7: {  	[tilespmem:v7+s28+$0x0] =	vst.idx.add.s32.msk $0xffff, v1  }
0x2a8: {  	v7 =	vunpack.i.l.s16.s32 v8;
	[tilespmem:v4+s21+$0x0] =	vst.idx.add.s32.msk $0xffff, v1  }
0x2a9: {  	v4 =	vunpack.i.u.s16.s32 v8;
	v8 =	vld [tilespmem:s31+$0x8840]  }
0x2aa: {  	[tilespmem:v5+s28+$0x0] =	vst.idx.add.s32.msk $0xffff, v1  }
0x2ab: {  	v5 =	vunpack.i.l.s16.s32 v6;
	[tilespmem:v3+s21+$0x0] =	vst.idx.add.s32.msk $0xffff, v1  }
0x2ac: {  	v3 =	vunpack.i.u.s16.s32 v6;
	v6 =	vld [tilespmem:s22+$0x8C40]  }
0x2ad: {  	[tilespmem:v7+s28+$0x0] =	vst.idx.add.s32.msk $0xffff, v1  }
0x2ae: {  	[tilespmem:v4+s21+$0x0] =	vst.idx.add.s32.msk $0xffff, v1;
	v4 =	vunpack.i.l.s16.s32 v8  }
0x2af: {  	v8 =	vunpack.i.u.s16.s32 v8;
	v7 =	vld [tilespmem:s23+$0x8060]  }
0x2b0: {  	[tilespmem:v5+s28+$0x0] =	vst.idx.add.s32.msk $0xffff, v1  }
0x2b1: {  	[tilespmem:v3+s21+$0x0] =	vst.idx.add.s32.msk $0xffff, v1;
	v3 =	vunpack.i.l.s16.s32 v6  }
0x2b2: {  	v6 =	vunpack.i.u.s16.s32 v6;
	v5 =	vld [tilespmem:s0+$0x8460]  }
0x2b3: {  	[tilespmem:v4+s28+$0x0] =	vst.idx.add.s32.msk $0xffff, v1  }
0x2b4: {  	[tilespmem:v8+s21+$0x0] =	vst.idx.add.s32.msk $0xffff, v1  }
0x2b5: {  	s1 =	sadd.s32 $0x80, s1;
	s19 =	sadd.s32 $0x200, s19;
	v4 =	vunpack.i.l.s16.s32 v7;
	v8 =	vld [tilespmem:s31+$0x8860]  }
0x2b6: {  	s7 =	sand.u32 $0xE000, s19;
	s8 =	sand.u32 $0x700, s1;
	v7 =	vunpack.i.u.s16.s32 v7;
	[tilespmem:v3+s28+$0x0] =	vst.idx.add.s32.msk $0xffff, v1  }
0x2b7: {  	s7 =	sor.u32 s8, s7;
	[tilespmem:v6+s21+$0x0] =	vst.idx.add.s32.msk $0xffff, v1  }
0x2b8: {  	s7 =	sshrl.u32 s7, $0x1;
	v3 =	vunpack.i.l.s16.s32 v5;
	v6 =	vld [tilespmem:s22+$0x8C60];
	s22 =	smov.u32 s31;
	s31 =	smov.u32 s0  }
0x2b9: {  	v5 =	vunpack.i.u.s16.s32 v5;
	s0 =	smov.u32 s23;
	s23 =	smov.u32 s7;
	v9 =	vld [tilespmem:s7+$0x8000]  }
0x2ba: {  	[tilespmem:v4+s28+$0x0] =	vst.idx.add.s32.msk $0xffff, v1  }
0x2bb: {  	v4 =	vunpack.i.l.s16.s32 v8;
	[tilespmem:v7+s21+$0x0] =	vst.idx.add.s32.msk $0xffff, v1  }
0x2bc: {  	v8 =	vunpack.i.u.s16.s32 v8;
	v7 =	vld [tilespmem:s0+$0x8400]  }
0x2bd: {  	[tilespmem:v3+s28+$0x0] =	vst.idx.add.s32.msk $0xffff, v1;
	v3 =	vunpack.i.l.s16.s32 v6  }
0x2be: {  	[tilespmem:v5+s21+$0x0] =	vst.idx.add.s32.msk $0xffff, v1;
	v5 =	vunpack.i.u.s16.s32 v6  }
0x2bf: {  	v6 =	vld [tilespmem:s31+$0x8800]  }
0x2c0: {  	v10 =	vunpack.i.l.s16.s32 v9;
	[tilespmem:v4+s28+$0x0] =	vst.idx.add.s32.msk $0xffff, v1  }
0x2c1: {  	v4 =	vunpack.i.u.s16.s32 v9;
	[tilespmem:v8+s21+$0x0] =	vst.idx.add.s32.msk $0xffff, v1  }
0x2c2: {  	[tilespmem:v3+s28+$0x0] =	vst.idx.add.s32.msk $0xffff, v1  }
0x2c3: {  	v3 =	vunpack.i.l.s16.s32 v7;
	[tilespmem:v5+s21+$0x0] =	vst.idx.add.s32.msk $0xffff, v1  }
0x2c4: {  	v5 =	vunpack.i.u.s16.s32 v7;
	v7 =	vld [tilespmem:s22+$0x8C00]  }
0x2c5: {  	[tilespmem:v10+s28+$0x0] =	vst.idx.add.s32.msk $0xffff, v1  }
0x2c6: {  	[tilespmem:v4+s21+$0x0] =	vst.idx.add.s32.msk $0xffff, v1;
	v4 =	vunpack.i.l.s16.s32 v6  }
0x2c7: {  	v6 =	vunpack.i.u.s16.s32 v6;
	v8 =	vld [tilespmem:s23+$0x8020]  }
0x2c8: {  	[tilespmem:v3+s28+$0x0] =	vst.idx.add.s32.msk $0xffff, v1  }
0x2c9: {  	[tilespmem:v5+s21+$0x0] =	vst.idx.add.s32.msk $0xffff, v1;
	v3 =	vunpack.i.l.s16.s32 v7  }
0x2ca: {  	v10 =	vunpack.i.u.s16.s32 v7;
	v9 =	vld [tilespmem:s0+$0x8420]  }
0x2cb: {  	[tilespmem:v4+s28+$0x0] =	vst.idx.add.s32.msk $0xffff, v1  }
0x2cc: {  	v11 =	vunpack.i.l.s16.s32 v8;
	[tilespmem:v6+s21+$0x0] =	vst.idx.add.s32.msk $0xffff, v1  }
.Ltmp2:
0x2cd: {  	v7 =	vunpack.i.u.s16.s32 v8;
	v4 =	vld [tilespmem:s31+$0x8820];
	(pc) =	sbr.rel @p0 .LBB2_6-.Ltmp2, $4  }
0x2ce: {  	[tilespmem:v3+s28+$0x0] =	vst.idx.add.s32.msk $0xffff, v1  }
0x2cf: {  	v5 =	vunpack.i.l.s16.s32 v9;
	[tilespmem:v10+s21+$0x0] =	vst.idx.add.s32.msk $0xffff, v1  }
0x2d0: {  	v6 =	vunpack.i.u.s16.s32 v9;
	v3 =	vld [tilespmem:s22+$0x8C20]  }
0x2d1: {  	s2 =	sadd.s32 $0x1, s2;
	[tilespmem:v11+s28+$0x0] =	vst.idx.add.s32.msk $0xffff, v1  }
0x2d2: {  	_ =	sdelay $0x3  }
0x2d3: {  	[tilespmem:v7+s21+$0x0] =	vst.idx.add.s32.msk $0xffff, v1  }
0x2d4: {  	v7 =	vld [tilespmem:s23+$0x8040];
	_ =	sdelay $0x4  }
0x2d5: {  	v8 =	vunpack.i.l.s16.s32 v7  }
0x2d6: {  	v7 =	vunpack.i.u.s16.s32 v7;
	_ =	sdelay $0x3  }
0x2d7: {  	[tilespmem:v8+s28+$0x0] =	vst.idx.add.s32.msk $0xffff, v1  }
0x2d8: {  	[tilespmem:v7+s21+$0x0] =	vst.idx.add.s32.msk $0xffff, v1  }
0x2d9: {  	v7 =	vld [tilespmem:s23+$0x8060];
	_ =	sdelay $0x4  }
0x2da: {  	v8 =	vunpack.i.l.s16.s32 v7  }
0x2db: {  	v7 =	vunpack.i.u.s16.s32 v7;
	_ =	sdelay $0x3  }
0x2dc: {  	[tilespmem:v8+s28+$0x0] =	vst.idx.add.s32.msk $0xffff, v1  }
0x2dd: {  	[tilespmem:v7+s21+$0x0] =	vst.idx.add.s32.msk $0xffff, v1  }
0x2de: {  	v7 =	vld [tilespmem:s23+$0x8400];
	_ =	sdelay $0x4  }
0x2df: {  	v8 =	vunpack.i.l.s16.s32 v7  }
0x2e0: {  	v7 =	vunpack.i.u.s16.s32 v7;
	_ =	sdelay $0x3  }
0x2e1: {  	[tilespmem:v8+s28+$0x0] =	vst.idx.add.s32.msk $0xffff, v1  }
0x2e2: {  	[tilespmem:v7+s21+$0x0] =	vst.idx.add.s32.msk $0xffff, v1  }
0x2e3: {  	v7 =	vld [tilespmem:s23+$0x8420];
	_ =	sdelay $0x4  }
0x2e4: {  	[tilespmem:v5+s28+$0x0] =	vst.idx.add.s32.msk $0xffff, v1;
	v8 =	vunpack.i.l.s16.s32 v7  }
0x2e5: {  	[tilespmem:v6+s21+$0x0] =	vst.idx.add.s32.msk $0xffff, v1;
	v7 =	vunpack.i.u.s16.s32 v7  }
0x2e6: {  	v5 =	vld [tilespmem:s0+$0x8440];
	_ =	sdelay $0x2  }
0x2e7: {  	[tilespmem:v8+s28+$0x0] =	vst.idx.add.s32.msk $0xffff, v1  }
0x2e8: {  	[tilespmem:v7+s21+$0x0] =	vst.idx.add.s32.msk $0xffff, v1  }
0x2e9: {  	v7 =	vunpack.i.l.s16.s32 v5;
	v6 =	vld [tilespmem:s23+$0x8440]  }
0x2ea: {  	v5 =	vunpack.i.u.s16.s32 v5;
	_ =	sdelay $0x3  }
0x2eb: {  	[tilespmem:v7+s28+$0x0] =	vst.idx.add.s32.msk $0xffff, v1;
	v8 =	vunpack.i.l.s16.s32 v6  }
0x2ec: {  	v6 =	vunpack.i.u.s16.s32 v6;
	[tilespmem:v5+s21+$0x0] =	vst.idx.add.s32.msk $0xffff, v1  }
0x2ed: {  	v5 =	vld [tilespmem:s0+$0x8460];
	_ =	sdelay $0x2  }
0x2ee: {  	[tilespmem:v8+s28+$0x0] =	vst.idx.add.s32.msk $0xffff, v1  }
0x2ef: {  	[tilespmem:v6+s21+$0x0] =	vst.idx.add.s32.msk $0xffff, v1  }
0x2f0: {  	v7 =	vunpack.i.l.s16.s32 v5;
	v6 =	vld [tilespmem:s23+$0x8460]  }
0x2f1: {  	v5 =	vunpack.i.u.s16.s32 v5;
	_ =	sdelay $0x3  }
0x2f2: {  	[tilespmem:v7+s28+$0x0] =	vst.idx.add.s32.msk $0xffff, v1;
	v8 =	vunpack.i.l.s16.s32 v6  }
0x2f3: {  	v6 =	vunpack.i.u.s16.s32 v6;
	[tilespmem:v5+s21+$0x0] =	vst.idx.add.s32.msk $0xffff, v1  }
0x2f4: {  	v5 =	vld [tilespmem:s0+$0x8800];
	_ =	sdelay $0x2  }
0x2f5: {  	[tilespmem:v8+s28+$0x0] =	vst.idx.add.s32.msk $0xffff, v1  }
0x2f6: {  	[tilespmem:v6+s21+$0x0] =	vst.idx.add.s32.msk $0xffff, v1  }
0x2f7: {  	v7 =	vunpack.i.l.s16.s32 v5;
	v6 =	vld [tilespmem:s23+$0x8800]  }
0x2f8: {  	v5 =	vunpack.i.u.s16.s32 v5;
	_ =	sdelay $0x3  }
0x2f9: {  	[tilespmem:v7+s28+$0x0] =	vst.idx.add.s32.msk $0xffff, v1;
	v8 =	vunpack.i.l.s16.s32 v6  }
0x2fa: {  	v6 =	vunpack.i.u.s16.s32 v6;
	[tilespmem:v5+s21+$0x0] =	vst.idx.add.s32.msk $0xffff, v1  }
0x2fb: {  	v5 =	vld [tilespmem:s0+$0x8820];
	_ =	sdelay $0x1  }
0x2fc: {  	v7 =	vunpack.i.l.s16.s32 v4  }
0x2fd: {  	v4 =	vunpack.i.u.s16.s32 v4;
	[tilespmem:v8+s28+$0x0] =	vst.idx.add.s32.msk $0xffff, v1  }
0x2fe: {  	[tilespmem:v6+s21+$0x0] =	vst.idx.add.s32.msk $0xffff, v1  }
0x2ff: {  	v8 =	vunpack.i.l.s16.s32 v5;
	v6 =	vld [tilespmem:s23+$0x8820]  }
0x300: {  	v5 =	vunpack.i.u.s16.s32 v5  }
0x301: {  	[tilespmem:v7+s28+$0x0] =	vst.idx.add.s32.msk $0xffff, v1  }
0x302: {  	[tilespmem:v4+s21+$0x0] =	vst.idx.add.s32.msk $0xffff, v1  }
0x303: {  	v7 =	vld [tilespmem:s31+$0x8840]  }
0x304: {  	[tilespmem:v8+s28+$0x0] =	vst.idx.add.s32.msk $0xffff, v1;
	v4 =	vunpack.i.l.s16.s32 v6  }
0x305: {  	v6 =	vunpack.i.u.s16.s32 v6;
	[tilespmem:v5+s21+$0x0] =	vst.idx.add.s32.msk $0xffff, v1  }
0x306: {  	v5 =	vld [tilespmem:s0+$0x8840];
	_ =	sdelay $0x2  }
0x307: {  	[tilespmem:v4+s28+$0x0] =	vst.idx.add.s32.msk $0xffff, v1;
	v4 =	vunpack.i.l.s16.s32 v7  }
0x308: {  	[tilespmem:v6+s21+$0x0] =	vst.idx.add.s32.msk $0xffff, v1;
	v6 =	vunpack.i.u.s16.s32 v7  }
0x309: {  	v8 =	vunpack.i.l.s16.s32 v5  }
0x30a: {  	v7 =	vld [tilespmem:s23+$0x8840]  }
0x30b: {  	v5 =	vunpack.i.u.s16.s32 v5  }
0x30c: {  	[tilespmem:v4+s28+$0x0] =	vst.idx.add.s32.msk $0xffff, v1  }
0x30d: {  	[tilespmem:v6+s21+$0x0] =	vst.idx.add.s32.msk $0xffff, v1  }
0x30e: {  	[tilespmem:v8+s28+$0x0] =	vst.idx.add.s32.msk $0xffff, v1  }
0x30f: {  	v4 =	vunpack.i.l.s16.s32 v7;
	v6 =	vld [tilespmem:s31+$0x8860]  }
0x310: {  	[tilespmem:v5+s21+$0x0] =	vst.idx.add.s32.msk $0xffff, v1  }
0x311: {  	v5 =	vld [tilespmem:s0+$0x8860]  }
0x312: {  	v7 =	vunpack.i.u.s16.s32 v7;
	_ =	sdelay $0x1  }
0x313: {  	[tilespmem:v4+s28+$0x0] =	vst.idx.add.s32.msk $0xffff, v1;
	v4 =	vunpack.i.l.s16.s32 v6  }
0x314: {  	v6 =	vunpack.i.u.s16.s32 v6  }
0x315: {  	v8 =	vunpack.i.l.s16.s32 v5  }
0x316: {  	[tilespmem:v7+s21+$0x0] =	vst.idx.add.s32.msk $0xffff, v1  }
0x317: {  	v5 =	vunpack.i.u.s16.s32 v5;
	v7 =	vld [tilespmem:s23+$0x8860]  }
0x318: {  	[tilespmem:v4+s28+$0x0] =	vst.idx.add.s32.msk $0xffff, v1  }
0x319: {  	[tilespmem:v6+s21+$0x0] =	vst.idx.add.s32.msk $0xffff, v1  }
0x31a: {  	[tilespmem:v8+s28+$0x0] =	vst.idx.add.s32.msk $0xffff, v1  }
0x31b: {  	v6 =	vld [tilespmem:s31+$0x8C00]  }
0x31c: {  	v4 =	vunpack.i.l.s16.s32 v7;
	[tilespmem:v5+s21+$0x0] =	vst.idx.add.s32.msk $0xffff, v1  }
0x31d: {  	v7 =	vunpack.i.u.s16.s32 v7;
	v5 =	vld [tilespmem:s0+$0x8C00];
	_ =	sdelay $0x3  }
0x31e: {  	[tilespmem:v4+s28+$0x0] =	vst.idx.add.s32.msk $0xffff, v1;
	v4 =	vunpack.i.l.s16.s32 v6  }
0x31f: {  	[tilespmem:v7+s21+$0x0] =	vst.idx.add.s32.msk $0xffff, v1;
	v8 =	vunpack.i.l.s16.s32 v5  }
0x320: {  	v6 =	vunpack.i.u.s16.s32 v6;
	v7 =	vld [tilespmem:s23+$0x8C00];
	_ =	sdelay $0x1  }
0x321: {  	v5 =	vunpack.i.u.s16.s32 v5  }
0x322: {  	[tilespmem:v4+s28+$0x0] =	vst.idx.add.s32.msk $0xffff, v1  }
0x323: {  	[tilespmem:v8+s28+$0x0] =	vst.idx.add.s32.msk $0xffff, v1;
	v8 =	vunpack.i.l.s16.s32 v3  }
0x324: {  	[tilespmem:v6+s21+$0x0] =	vst.idx.add.s32.msk $0xffff, v1;
	v4 =	vunpack.i.l.s16.s32 v7  }
0x325: {  	v3 =	vunpack.i.u.s16.s32 v3;
	v6 =	vld [tilespmem:s31+$0x8C20]  }
0x326: {  	v7 =	vunpack.i.u.s16.s32 v7;
	[tilespmem:v5+s21+$0x0] =	vst.idx.add.s32.msk $0xffff, v1  }
0x327: {  	v5 =	vld [tilespmem:s0+$0x8C20]  }
0x328: {  	[tilespmem:v8+s28+$0x0] =	vst.idx.add.s32.msk $0xffff, v1  }
0x329: {  	[tilespmem:v4+s28+$0x0] =	vst.idx.add.s32.msk $0xffff, v1  }
0x32a: {  	v4 =	vunpack.i.l.s16.s32 v6;
	[tilespmem:v3+s21+$0x0] =	vst.idx.add.s32.msk $0xffff, v1  }
0x32b: {  	v6 =	vunpack.i.u.s16.s32 v6;
	[tilespmem:v7+s21+$0x0] =	vst.idx.add.s32.msk $0xffff, v1  }
0x32c: {  	v3 =	vunpack.i.l.s16.s32 v5;
	v7 =	vld [tilespmem:s23+$0x8C20];
	_ =	sdelay $0x1  }
0x32d: {  	v8 =	vld [tilespmem:s22+$0x8C40];
	v5 =	vunpack.i.u.s16.s32 v5  }
0x32e: {  	[tilespmem:v4+s28+$0x0] =	vst.idx.add.s32.msk $0xffff, v1  }
0x32f: {  	[tilespmem:v6+s21+$0x0] =	vst.idx.add.s32.msk $0xffff, v1  }
0x330: {  	[tilespmem:v3+s28+$0x0] =	vst.idx.add.s32.msk $0xffff, v1;
	v4 =	vunpack.i.l.s16.s32 v7  }
0x331: {  	v6 =	vld [tilespmem:s31+$0x8C40];
	v7 =	vunpack.i.u.s16.s32 v7  }
0x332: {  	[tilespmem:v5+s21+$0x0] =	vst.idx.add.s32.msk $0xffff, v1  }
0x333: {  	v3 =	vunpack.i.l.s16.s32 v8;
	v5 =	vunpack.i.u.s16.s32 v8;
	v8 =	vld [tilespmem:s0+$0x8C40];
	_ =	sdelay $0x1  }
0x334: {  	[tilespmem:v4+s28+$0x0] =	vst.idx.add.s32.msk $0xffff, v1  }
0x335: {  	v4 =	vunpack.i.l.s16.s32 v6;
	[tilespmem:v7+s21+$0x0] =	vst.idx.add.s32.msk $0xffff, v1  }
0x336: {  	v6 =	vunpack.i.u.s16.s32 v6;
	v7 =	vld [tilespmem:s23+$0x8C40]  }
0x337: {  	[tilespmem:v3+s28+$0x0] =	vst.idx.add.s32.msk $0xffff, v1;
	v3 =	vunpack.i.l.s16.s32 v8  }
0x338: {  	[tilespmem:v5+s21+$0x0] =	vst.idx.add.s32.msk $0xffff, v1  }
0x339: {  	v5 =	vld [tilespmem:s22+$0x8C60];
	v8 =	vunpack.i.u.s16.s32 v8  }
0x33a: {  	[tilespmem:v4+s28+$0x0] =	vst.idx.add.s32.msk $0xffff, v1  }
0x33b: {  	[tilespmem:v6+s21+$0x0] =	vst.idx.add.s32.msk $0xffff, v1;
	v4 =	vunpack.i.l.s16.s32 v7  }
0x33c: {  	[tilespmem:v3+s28+$0x0] =	vst.idx.add.s32.msk $0xffff, v1;
	v7 =	vunpack.i.u.s16.s32 v7  }
0x33d: {  	v6 =	vld [tilespmem:s31+$0x8C60]  }
0x33e: {  	[tilespmem:v8+s21+$0x0] =	vst.idx.add.s32.msk $0xffff, v1  }
0x33f: {  	v3 =	vld [tilespmem:s0+$0x8C60]  }
0x340: {  	[tilespmem:v4+s28+$0x0] =	vst.idx.add.s32.msk $0xffff, v1  }
0x341: {  	v4 =	vunpack.i.l.s16.s32 v5;
	[tilespmem:v7+s21+$0x0] =	vst.idx.add.s32.msk $0xffff, v1  }
0x342: {  	v8 =	vunpack.i.l.s16.s32 v6;
	v7 =	vld [tilespmem:s23+$0x8C60]  }
0x343: {  	v5 =	vunpack.i.u.s16.s32 v5  }
0x344: {  	v6 =	vunpack.i.u.s16.s32 v6  }
0x345: {  	v9 =	vunpack.i.l.s16.s32 v3  }
0x346: {  	v3 =	vunpack.i.u.s16.s32 v3;
	[tilespmem:v4+s28+$0x0] =	vst.idx.add.s32.msk $0xffff, v1  }
0x347: {  	[tilespmem:v8+s28+$0x0] =	vst.idx.add.s32.msk $0xffff, v1;
	v4 =	vunpack.i.l.s16.s32 v7  }
0x348: {  	[tilespmem:v5+s21+$0x0] =	vst.idx.add.s32.msk $0xffff, v1;
	v5 =	vunpack.i.u.s16.s32 v7  }
0x349: {  	[tilespmem:v6+s21+$0x0] =	vst.idx.add.s32.msk $0xffff, v1  }
0x34a: {  	[tilespmem:v9+s28+$0x0] =	vst.idx.add.s32.msk $0xffff, v1  }
0x34b: {  	[tilespmem:v3+s21+$0x0] =	vst.idx.add.s32.msk $0xffff, v1  }
0x34c: {  	[tilespmem:v4+s28+$0x0] =	vst.idx.add.s32.msk $0xffff, v1  }
0x34d: {  	[tilespmem:v5+s21+$0x0] =	vst.idx.add.s32.msk $0xffff, v1  }
0x34e: {  	_ =	swait.ge [sflag:s15], $0x8000  }
0x34f: {  	[sflag:s15] =	ssyncset.done $0x0  }
0x350: {  	s22 =	simm.s32 $0x8000;
	[sflag:s15] =	ssyncadd.s32 $0xFFFF8000  }
0x351: {  	[tilespmem:s22], [sflag:$0x2] =	stream.strided.gather [hbm4b:s6+s13], $0x400, s14, s13, $0x38;
	[tilespmem:$0x12080] =	vst v63  }
0x352: {  	s1 =	simm.s32 $0x8400;
	s23 =	sadd.s32 $0x40, s6  }
0x353: {  	[tilespmem:s1], [sflag:$0x2] =	stream.strided.gather [hbm4b:s23+s13], $0x400, s14, s13, $0x38;
	[tilespmem:$0x12080] =	vst v63  }
0x354: {  	s24 =	sadd.s32 $0x80, s6;
	s25 =	simm.s32 $0x8800  }
0x355: {  	[tilespmem:s25], [sflag:$0x2] =	stream.strided.gather [hbm4b:s24+s13], $0x400, s14, s13, $0x38;
	[tilespmem:$0x12080] =	vst v63  }
0x356: {  	s2 =	simm.s32 $0x8C00;
	s1 =	sadd.s32 $0xC0, s6  }
0x357: {  	[tilespmem:s2], [sflag:$0x2] =	stream.strided.gather [hbm4b:s1+s13], $0x400, s14, s13, $0x38;
	[tilespmem:$0x12080] =	vst v63  }
0x358: {  	s7 =	sadd.s32 $0x200, s6;
	s8 =	simm.s32 $0x9000  }
0x359: {  	[tilespmem:s8], [sflag:$0x2] =	stream.strided.gather [hbm4b:s7+s13], $0x400, s14, s13, $0x38;
	[tilespmem:$0x12080] =	vst v63  }
0x35a: {  	s9 =	sadd.s32 $0x240, s6;
	s17 =	simm.s32 $0x9400  }
0x35b: {  	[tilespmem:s17], [sflag:$0x2] =	stream.strided.gather [hbm4b:s9+s13], $0x400, s14, s13, $0x38;
	[tilespmem:$0x12080] =	vst v63  }
0x35c: {  	s19 =	sadd.s32 $0x280, s6;
	s20 =	simm.s32 $0x9800  }
0x35d: {  	[tilespmem:s20], [sflag:$0x2] =	stream.strided.gather [hbm4b:s19+s13], $0x400, s14, s13, $0x38;
	[tilespmem:$0x12080] =	vst v63  }
0x35e: {  	s22 =	sadd.s32 $0x2C0, s6;
	s23 =	simm.s32 $0x9C00  }
0x35f: {  	[tilespmem:s23], [sflag:$0x2] =	stream.strided.gather [hbm4b:s22+s13], $0x400, s14, s13, $0x38;
	[tilespmem:$0x12080] =	vst v63  }
0x360: {  	s24 =	sadd.s32 $0x400, s6;
	s25 =	simm.s32 $0xA000  }
0x361: {  	[tilespmem:s25], [sflag:$0x2] =	stream.strided.gather [hbm4b:s24+s13], $0x400, s14, s13, $0x38;
	[tilespmem:$0x12080] =	vst v63  }
0x362: {  	s1 =	sadd.s32 $0x440, s6;
	s2 =	simm.s32 $0xA400  }
0x363: {  	[tilespmem:s2], [sflag:$0x2] =	stream.strided.gather [hbm4b:s1+s13], $0x400, s14, s13, $0x38;
	[tilespmem:$0x12080] =	vst v63  }
0x364: {  	s7 =	sadd.s32 $0x480, s6;
	s8 =	simm.s32 $0xA800  }
0x365: {  	[tilespmem:s8], [sflag:$0x2] =	stream.strided.gather [hbm4b:s7+s13], $0x400, s14, s13, $0x38;
	[tilespmem:$0x12080] =	vst v63  }
0x366: {  	s9 =	sadd.s32 $0x4C0, s6;
	s17 =	simm.s32 $0xAC00  }
0x367: {  	[tilespmem:s17], [sflag:$0x2] =	stream.strided.gather [hbm4b:s9+s13], $0x400, s14, s13, $0x38;
	[tilespmem:$0x12080] =	vst v63  }
0x368: {  	s19 =	sadd.s32 $0x600, s6;
	s20 =	simm.s32 $0xB000  }
0x369: {  	[tilespmem:s20], [sflag:$0x2] =	stream.strided.gather [hbm4b:s19+s13], $0x400, s14, s13, $0x38;
	[tilespmem:$0x12080] =	vst v63  }
0x36a: {  	s22 =	sadd.s32 $0x640, s6;
	s23 =	simm.s32 $0xB400  }
0x36b: {  	[tilespmem:s23], [sflag:$0x2] =	stream.strided.gather [hbm4b:s22+s13], $0x400, s14, s13, $0x38;
	[tilespmem:$0x12080] =	vst v63  }
0x36c: {  	s24 =	sadd.s32 $0x680, s6;
	s25 =	simm.s32 $0xB800  }
0x36d: {  	[tilespmem:s25], [sflag:$0x2] =	stream.strided.gather [hbm4b:s24+s13], $0x400, s14, s13, $0x38;
	[tilespmem:$0x12080] =	vst v63  }
0x36e: {  	s1 =	sadd.s32 $0x6C0, s6;
	s2 =	simm.s32 $0xBC00  }
0x36f: {  	[tilespmem:s2], [sflag:$0x2] =	stream.strided.gather [hbm4b:s1+s13], $0x400, s14, s13, $0x38;
	[tilespmem:$0x12080] =	vst v63  }
0x370: {  	s7 =	sadd.s32 $0x800, s6;
	s8 =	simm.s32 $0xC000  }
0x371: {  	[tilespmem:s8], [sflag:$0x2] =	stream.strided.gather [hbm4b:s7+s13], $0x400, s14, s13, $0x38;
	[tilespmem:$0x12080] =	vst v63  }
0x372: {  	s9 =	sadd.s32 $0x840, s6;
	s17 =	simm.s32 $0xC400  }
0x373: {  	[tilespmem:s17], [sflag:$0x2] =	stream.strided.gather [hbm4b:s9+s13], $0x400, s14, s13, $0x38;
	[tilespmem:$0x12080] =	vst v63  }
0x374: {  	s19 =	sadd.s32 $0x880, s6;
	s20 =	simm.s32 $0xC800  }
0x375: {  	[tilespmem:s20], [sflag:$0x2] =	stream.strided.gather [hbm4b:s19+s13], $0x400, s14, s13, $0x38;
	[tilespmem:$0x12080] =	vst v63  }
0x376: {  	s22 =	sadd.s32 $0x8C0, s6;
	s23 =	simm.s32 $0xCC00  }
0x377: {  	[tilespmem:s23], [sflag:$0x2] =	stream.strided.gather [hbm4b:s22+s13], $0x400, s14, s13, $0x38;
	[tilespmem:$0x12080] =	vst v63  }
0x378: {  	s24 =	sadd.s32 $0xA00, s6;
	s25 =	simm.s32 $0xD000  }
0x379: {  	[tilespmem:s25], [sflag:$0x2] =	stream.strided.gather [hbm4b:s24+s13], $0x400, s14, s13, $0x38;
	[tilespmem:$0x12080] =	vst v63  }
0x37a: {  	s1 =	sadd.s32 $0xA40, s6;
	s2 =	simm.s32 $0xD400  }
0x37b: {  	[tilespmem:s2], [sflag:$0x2] =	stream.strided.gather [hbm4b:s1+s13], $0x400, s14, s13, $0x38;
	[tilespmem:$0x12080] =	vst v63  }
0x37c: {  	s7 =	sadd.s32 $0xA80, s6;
	s8 =	simm.s32 $0xD800  }
0x37d: {  	[tilespmem:s8], [sflag:$0x2] =	stream.strided.gather [hbm4b:s7+s13], $0x400, s14, s13, $0x38;
	[tilespmem:$0x12080] =	vst v63  }
0x37e: {  	s9 =	sadd.s32 $0xAC0, s6;
	s17 =	simm.s32 $0xDC00  }
0x37f: {  	[tilespmem:s17], [sflag:$0x2] =	stream.strided.gather [hbm4b:s9+s13], $0x400, s14, s13, $0x38;
	[tilespmem:$0x12080] =	vst v63  }
0x380: {  	s19 =	sadd.s32 $0xC00, s6;
	s20 =	simm.s32 $0xE000  }
0x381: {  	[tilespmem:s20], [sflag:$0x2] =	stream.strided.gather [hbm4b:s19+s13], $0x400, s14, s13, $0x38;
	[tilespmem:$0x12080] =	vst v63  }
0x382: {  	s22 =	sadd.s32 $0xC40, s6;
	s23 =	simm.s32 $0xE400  }
0x383: {  	[tilespmem:s23], [sflag:$0x2] =	stream.strided.gather [hbm4b:s22+s13], $0x400, s14, s13, $0x38;
	[tilespmem:$0x12080] =	vst v63  }
0x384: {  	s24 =	sadd.s32 $0xC80, s6;
	s25 =	simm.s32 $0xE800  }
0x385: {  	[tilespmem:s25], [sflag:$0x2] =	stream.strided.gather [hbm4b:s24+s13], $0x400, s14, s13, $0x38;
	[tilespmem:$0x12080] =	vst v63  }
0x386: {  	s1 =	sadd.s32 $0xCC0, s6  }
0x387: {  	[tilespmem:s10], [sflag:$0x2] =	stream.strided.gather [hbm4b:s1+s13], $0x400, s14, s13, $0x38;
	[tilespmem:$0x12080] =	vst v63  }
0x388: {  	s2 =	sadd.s32 $0xE00, s6;
	s17 =	simm.s32 $0x0  }
0x389: {  	[tilespmem:s26], [sflag:$0x2] =	stream.strided.gather [hbm4b:s2+s13], $0x400, s14, s13, $0x38;
	[tilespmem:$0x12080] =	vst v63  }
0x38a: {  	s7 =	sadd.s32 $0xE40, s6;
	s0 =	sand.u32 $0x700, s17;
	s19 =	sand.u32 $0xE000, s17  }
0x38b: {  	[tilespmem:s11], [sflag:$0x2] =	stream.strided.gather [hbm4b:s7+s13], $0x400, s14, s13, $0x38;
	[tilespmem:$0x12080] =	vst v63  }
0x38c: {  	s8 =	sadd.s32 $0xE80, s6;
	s0 =	sor.u32 s0, s19  }
0x38d: {  	[tilespmem:s16], [sflag:$0x2] =	stream.strided.gather [hbm4b:s8+s13], $0x400, s14, s13, $0x38;
	[tilespmem:$0x12080] =	vst v63  }
0x38e: {  	s9 =	sadd.s32 $0xEC0, s6;
	s22 =	sshrl.u32 s0, $0x1  }
0x38f: {  	[tilespmem:s12], [sflag:$0x2] =	stream.strided.gather [hbm4b:s9+s13], $0x400, s14, s13, $0x38;
	[tilespmem:$0x12080] =	vst v63  }
0x390: {  	v3 =	vld [tilespmem:s22+$0x0];
	_ =	sdelay $0x4  }
0x391: {  	v4 =	vunpack.i.l.s16.s32 v3  }
0x392: {  	v3 =	vunpack.i.u.s16.s32 v3;
	_ =	sdelay $0x3  }
0x393: {  	[tilespmem:v4+s28+$0x0] =	vst.idx.add.s32.msk $0xffff, v1  }
0x394: {  	[tilespmem:v3+s21+$0x0] =	vst.idx.add.s32.msk $0xffff, v1  }
0x395: {  	v3 =	vld [tilespmem:s22+$0x20];
	_ =	sdelay $0x4  }
0x396: {  	v4 =	vunpack.i.l.s16.s32 v3  }
0x397: {  	v3 =	vunpack.i.u.s16.s32 v3;
	_ =	sdelay $0x3  }
0x398: {  	[tilespmem:v4+s28+$0x0] =	vst.idx.add.s32.msk $0xffff, v1  }
0x399: {  	[tilespmem:v3+s21+$0x0] =	vst.idx.add.s32.msk $0xffff, v1  }
0x39a: {  	v3 =	vld [tilespmem:s22+$0x40];
	_ =	sdelay $0x4  }
0x39b: {  	v4 =	vunpack.i.l.s16.s32 v3  }
0x39c: {  	v3 =	vunpack.i.u.s16.s32 v3;
	_ =	sdelay $0x3  }
0x39d: {  	[tilespmem:v4+s28+$0x0] =	vst.idx.add.s32.msk $0xffff, v1  }
0x39e: {  	[tilespmem:v3+s21+$0x0] =	vst.idx.add.s32.msk $0xffff, v1  }
0x39f: {  	v3 =	vld [tilespmem:s22+$0x60];
	_ =	sdelay $0x4  }
0x3a0: {  	s20 =	simm.s32 $0x80;
	s23 =	simm.s32 $0x200;
	v4 =	vunpack.i.l.s16.s32 v3  }
0x3a1: {  	s0 =	sand.u32 $0x700, s20;
	s1 =	sand.u32 $0xE000, s23;
	v3 =	vunpack.i.u.s16.s32 v3  }
0x3a2: {  	s0 =	sor.u32 s0, s1  }
0x3a3: {  	s31 =	sshrl.u32 s0, $0x1  }
0x3a4: {  	v5 =	vld [tilespmem:s31+$0x0]  }
0x3a5: {  	[tilespmem:v4+s28+$0x0] =	vst.idx.add.s32.msk $0xffff, v1  }
0x3a6: {  	[tilespmem:v3+s21+$0x0] =	vst.idx.add.s32.msk $0xffff, v1  }
0x3a7: {  	v3 =	vld [tilespmem:s22+$0x400];
	_ =	sdelay $0x1  }
0x3a8: {  	v4 =	vunpack.i.l.s16.s32 v5  }
0x3a9: {  	v5 =	vunpack.i.u.s16.s32 v5;
	_ =	sdelay $0x1  }
0x3aa: {  	v6 =	vunpack.i.l.s16.s32 v3  }
0x3ab: {  	v3 =	vunpack.i.u.s16.s32 v3  }
0x3ac: {  	[tilespmem:v4+s28+$0x0] =	vst.idx.add.s32.msk $0xffff, v1  }
0x3ad: {  	[tilespmem:v5+s21+$0x0] =	vst.idx.add.s32.msk $0xffff, v1  }
0x3ae: {  	v4 =	vld [tilespmem:s31+$0x20]  }
0x3af: {  	[tilespmem:v6+s28+$0x0] =	vst.idx.add.s32.msk $0xffff, v1  }
0x3b0: {  	[tilespmem:v3+s21+$0x0] =	vst.idx.add.s32.msk $0xffff, v1  }
0x3b1: {  	v3 =	vld [tilespmem:s22+$0x420];
	_ =	sdelay $0x1  }
0x3b2: {  	v5 =	vunpack.i.l.s16.s32 v4  }
0x3b3: {  	v4 =	vunpack.i.u.s16.s32 v4;
	_ =	sdelay $0x1  }
0x3b4: {  	v6 =	vunpack.i.l.s16.s32 v3  }
0x3b5: {  	v3 =	vunpack.i.u.s16.s32 v3  }
0x3b6: {  	[tilespmem:v5+s28+$0x0] =	vst.idx.add.s32.msk $0xffff, v1  }
0x3b7: {  	[tilespmem:v4+s21+$0x0] =	vst.idx.add.s32.msk $0xffff, v1  }
0x3b8: {  	v4 =	vld [tilespmem:s31+$0x40]  }
0x3b9: {  	[tilespmem:v6+s28+$0x0] =	vst.idx.add.s32.msk $0xffff, v1  }
0x3ba: {  	[tilespmem:v3+s21+$0x0] =	vst.idx.add.s32.msk $0xffff, v1  }
0x3bb: {  	v3 =	vld [tilespmem:s22+$0x440];
	_ =	sdelay $0x1  }
0x3bc: {  	v5 =	vunpack.i.l.s16.s32 v4  }
0x3bd: {  	v4 =	vunpack.i.u.s16.s32 v4;
	_ =	sdelay $0x1  }
0x3be: {  	v6 =	vunpack.i.l.s16.s32 v3  }
0x3bf: {  	v3 =	vunpack.i.u.s16.s32 v3  }
0x3c0: {  	[tilespmem:v5+s28+$0x0] =	vst.idx.add.s32.msk $0xffff, v1  }
0x3c1: {  	[tilespmem:v4+s21+$0x0] =	vst.idx.add.s32.msk $0xffff, v1  }
0x3c2: {  	v4 =	vld [tilespmem:s31+$0x60]  }
0x3c3: {  	[tilespmem:v6+s28+$0x0] =	vst.idx.add.s32.msk $0xffff, v1  }
0x3c4: {  	[tilespmem:v3+s21+$0x0] =	vst.idx.add.s32.msk $0xffff, v1  }
0x3c5: {  	v3 =	vld [tilespmem:s22+$0x460];
	_ =	sdelay $0x1  }
0x3c6: {  	s24 =	simm.s32 $0x100;
	s25 =	simm.s32 $0x400;
	v5 =	vunpack.i.l.s16.s32 v4  }
0x3c7: {  	s1 =	sand.u32 $0xE000, s25;
	s0 =	sand.u32 $0x700, s24;
	v4 =	vunpack.i.u.s16.s32 v4  }
0x3c8: {  	s0 =	sor.u32 s0, s1  }
0x3c9: {  	s0 =	sshrl.u32 s0, $0x1;
	v6 =	vunpack.i.l.s16.s32 v3  }
0x3ca: {  	v7 =	vld [tilespmem:s0+$0x0];
	v3 =	vunpack.i.u.s16.s32 v3  }
0x3cb: {  	[tilespmem:v5+s28+$0x0] =	vst.idx.add.s32.msk $0xffff, v1  }
0x3cc: {  	[tilespmem:v4+s21+$0x0] =	vst.idx.add.s32.msk $0xffff, v1  }
0x3cd: {  	v4 =	vld [tilespmem:s31+$0x400]  }
0x3ce: {  	[tilespmem:v6+s28+$0x0] =	vst.idx.add.s32.msk $0xffff, v1  }
0x3cf: {  	[tilespmem:v3+s21+$0x0] =	vst.idx.add.s32.msk $0xffff, v1;
	v3 =	vunpack.i.l.s16.s32 v7  }
0x3d0: {  	v6 =	vunpack.i.u.s16.s32 v7;
	v5 =	vld [tilespmem:s22+$0x800];
	_ =	sdelay $0x1  }
0x3d1: {  	v7 =	vunpack.i.l.s16.s32 v4  }
0x3d2: {  	v4 =	vunpack.i.u.s16.s32 v4  }
0x3d3: {  	[tilespmem:v3+s28+$0x0] =	vst.idx.add.s32.msk $0xffff, v1  }
0x3d4: {  	[tilespmem:v6+s21+$0x0] =	vst.idx.add.s32.msk $0xffff, v1;
	v3 =	vunpack.i.l.s16.s32 v5  }
0x3d5: {  	v5 =	vunpack.i.u.s16.s32 v5;
	v6 =	vld [tilespmem:s0+$0x20]  }
0x3d6: {  	[tilespmem:v7+s28+$0x0] =	vst.idx.add.s32.msk $0xffff, v1  }
0x3d7: {  	[tilespmem:v4+s21+$0x0] =	vst.idx.add.s32.msk $0xffff, v1  }
0x3d8: {  	v4 =	vld [tilespmem:s31+$0x420]  }
0x3d9: {  	[tilespmem:v3+s28+$0x0] =	vst.idx.add.s32.msk $0xffff, v1  }
0x3da: {  	v3 =	vunpack.i.l.s16.s32 v6;
	[tilespmem:v5+s21+$0x0] =	vst.idx.add.s32.msk $0xffff, v1  }
0x3db: {  	v5 =	vunpack.i.u.s16.s32 v6;
	v6 =	vld [tilespmem:s22+$0x820];
	_ =	sdelay $0x1  }
0x3dc: {  	v7 =	vunpack.i.l.s16.s32 v4  }
0x3dd: {  	v4 =	vunpack.i.u.s16.s32 v4  }
0x3de: {  	[tilespmem:v3+s28+$0x0] =	vst.idx.add.s32.msk $0xffff, v1  }
0x3df: {  	[tilespmem:v5+s21+$0x0] =	vst.idx.add.s32.msk $0xffff, v1;
	v3 =	vunpack.i.l.s16.s32 v6  }
0x3e0: {  	v6 =	vunpack.i.u.s16.s32 v6;
	v5 =	vld [tilespmem:s0+$0x40]  }
0x3e1: {  	[tilespmem:v7+s28+$0x0] =	vst.idx.add.s32.msk $0xffff, v1  }
0x3e2: {  	[tilespmem:v4+s21+$0x0] =	vst.idx.add.s32.msk $0xffff, v1  }
0x3e3: {  	v4 =	vld [tilespmem:s31+$0x440]  }
0x3e4: {  	[tilespmem:v3+s28+$0x0] =	vst.idx.add.s32.msk $0xffff, v1  }
0x3e5: {  	v3 =	vunpack.i.l.s16.s32 v5;
	[tilespmem:v6+s21+$0x0] =	vst.idx.add.s32.msk $0xffff, v1  }
0x3e6: {  	v5 =	vunpack.i.u.s16.s32 v5;
	v6 =	vld [tilespmem:s22+$0x840];
	_ =	sdelay $0x1  }
0x3e7: {  	v7 =	vunpack.i.l.s16.s32 v4  }
0x3e8: {  	v4 =	vunpack.i.u.s16.s32 v4  }
0x3e9: {  	[tilespmem:v3+s28+$0x0] =	vst.idx.add.s32.msk $0xffff, v1  }
0x3ea: {  	[tilespmem:v5+s21+$0x0] =	vst.idx.add.s32.msk $0xffff, v1;
	v3 =	vunpack.i.l.s16.s32 v6  }
0x3eb: {  	v6 =	vunpack.i.u.s16.s32 v6;
	v5 =	vld [tilespmem:s0+$0x60]  }
0x3ec: {  	[tilespmem:v7+s28+$0x0] =	vst.idx.add.s32.msk $0xffff, v1  }
0x3ed: {  	[tilespmem:v4+s21+$0x0] =	vst.idx.add.s32.msk $0xffff, v1  }
0x3ee: {  	v4 =	vld [tilespmem:s31+$0x460]  }
0x3ef: {  	[tilespmem:v3+s28+$0x0] =	vst.idx.add.s32.msk $0xffff, v1  }
0x3f0: {  	s19 =	simm.s32 $0x600;
	s1 =	simm.s32 $0x180;
	[tilespmem:v6+s21+$0x0] =	vst.idx.add.s32.msk $0xffff, v1;
	v3 =	vunpack.i.l.s16.s32 v5  }
0x3f1: {  	s2 =	sand.u32 $0xE000, s19;
	s7 =	sand.u32 $0x700, s1;
	v5 =	vunpack.i.u.s16.s32 v5;
	v6 =	vld [tilespmem:s22+$0x860]  }
0x3f2: {  	s2 =	sor.u32 s7, s2  }
0x3f3: {  	s23 =	sshrl.u32 s2, $0x1;
	v7 =	vunpack.i.l.s16.s32 v4  }
0x3f4: {  	v8 =	vld [tilespmem:s23+$0x0];
	v4 =	vunpack.i.u.s16.s32 v4  }
0x3f5: {  	[tilespmem:v3+s28+$0x0] =	vst.idx.add.s32.msk $0xffff, v1  }
0x3f6: {  	[tilespmem:v5+s21+$0x0] =	vst.idx.add.s32.msk $0xffff, v1;
	v3 =	vunpack.i.l.s16.s32 v6  }
0x3f7: {  	v6 =	vunpack.i.u.s16.s32 v6;
	v5 =	vld [tilespmem:s0+$0x400]  }
0x3f8: {  	[tilespmem:v7+s28+$0x0] =	vst.idx.add.s32.msk $0xffff, v1  }
0x3f9: {  	[tilespmem:v4+s21+$0x0] =	vst.idx.add.s32.msk $0xffff, v1;
	v4 =	vunpack.i.l.s16.s32 v8  }
0x3fa: {  	v8 =	vunpack.i.u.s16.s32 v8;
	v7 =	vld [tilespmem:s31+$0x800]  }
0x3fb: {  	[tilespmem:v3+s28+$0x0] =	vst.idx.add.s32.msk $0xffff, v1  }
0x3fc: {  	[tilespmem:v6+s21+$0x0] =	vst.idx.add.s32.msk $0xffff, v1;
	v3 =	vunpack.i.l.s16.s32 v5  }
0x3fd: {  	v5 =	vunpack.i.u.s16.s32 v5;
	v6 =	vld [tilespmem:s22+$0xC00]  }
0x3fe: {  	[tilespmem:v4+s28+$0x0] =	vst.idx.add.s32.msk $0xffff, v1  }
0x3ff: {  	[tilespmem:v8+s21+$0x0] =	vst.idx.add.s32.msk $0xffff, v1;
	v4 =	vunpack.i.l.s16.s32 v7  }
0x400: {  	v7 =	vunpack.i.u.s16.s32 v7;
	v8 =	vld [tilespmem:s23+$0x20]  }
0x401: {  	[tilespmem:v3+s28+$0x0] =	vst.idx.add.s32.msk $0xffff, v1  }
0x402: {  	[tilespmem:v5+s21+$0x0] =	vst.idx.add.s32.msk $0xffff, v1;
	v3 =	vunpack.i.l.s16.s32 v6  }
0x403: {  	v5 =	vunpack.i.u.s16.s32 v6;
	v63 =	vld [tilespmem:s0+$0x420]  }
0x404: {  	[tilespmem:v4+s28+$0x0] =	vst.idx.add.s32.msk $0xffff, v1  }
0x405: {  	v10 =	vunpack.i.l.s16.s32 v8;
	[tilespmem:v7+s21+$0x0] =	vst.idx.add.s32.msk $0xffff, v1  }
0x406: {  	v7 =	vunpack.i.u.s16.s32 v8;
	v4 =	vld [tilespmem:s31+$0x820]  }
0x407: {  	[tilespmem:v3+s28+$0x0] =	vst.idx.add.s32.msk $0xffff, v1  }
0x408: {  	[tilespmem:v5+s21+$0x0] =	vst.idx.add.s32.msk $0xffff, v1;
	v5 =	vunpack.i.l.s16.s32 v63  }
0x409: {  	v6 =	vunpack.i.u.s16.s32 v63;
	v3 =	vld [tilespmem:s22+$0xC20]  }
0x40a: {  	s2 =	simm.s32 $0x4;
	[tilespmem:v10+s28+$0x0] =	vst.idx.add.s32.msk $0xffff, v1  }
.LBB2_8:
0x40b: {  	p0 =	sne.s32 s2, $0x7F;
	[tilespmem:v7+s21+$0x0] =	vst.idx.add.s32.msk $0xffff, v1;
	v7 =	vunpack.i.l.s16.s32 v4  }
0x40c: {  	v4 =	vunpack.i.u.s16.s32 v4;
	v8 =	vld [tilespmem:s23+$0x40]  }
0x40d: {  	[tilespmem:v5+s28+$0x0] =	vst.idx.add.s32.msk $0xffff, v1  }
0x40e: {  	[tilespmem:v6+s21+$0x0] =	vst.idx.add.s32.msk $0xffff, v1;
	v5 =	vunpack.i.l.s16.s32 v3  }
0x40f: {  	v3 =	vunpack.i.u.s16.s32 v3;
	v6 =	vld [tilespmem:s0+$0x440]  }
0x410: {  	[tilespmem:v7+s28+$0x0] =	vst.idx.add.s32.msk $0xffff, v1  }
0x411: {  	v7 =	vunpack.i.l.s16.s32 v8;
	[tilespmem:v4+s21+$0x0] =	vst.idx.add.s32.msk $0xffff, v1  }
0x412: {  	v4 =	vunpack.i.u.s16.s32 v8;
	v8 =	vld [tilespmem:s31+$0x840]  }
0x413: {  	[tilespmem:v5+s28+$0x0] =	vst.idx.add.s32.msk $0xffff, v1  }
0x414: {  	v5 =	vunpack.i.l.s16.s32 v6;
	[tilespmem:v3+s21+$0x0] =	vst.idx.add.s32.msk $0xffff, v1  }
0x415: {  	v3 =	vunpack.i.u.s16.s32 v6;
	v6 =	vld [tilespmem:s22+$0xC40]  }
0x416: {  	[tilespmem:v7+s28+$0x0] =	vst.idx.add.s32.msk $0xffff, v1  }
0x417: {  	[tilespmem:v4+s21+$0x0] =	vst.idx.add.s32.msk $0xffff, v1;
	v4 =	vunpack.i.l.s16.s32 v8  }
0x418: {  	v8 =	vunpack.i.u.s16.s32 v8;
	v7 =	vld [tilespmem:s23+$0x60]  }
0x419: {  	[tilespmem:v5+s28+$0x0] =	vst.idx.add.s32.msk $0xffff, v1  }
0x41a: {  	[tilespmem:v3+s21+$0x0] =	vst.idx.add.s32.msk $0xffff, v1;
	v3 =	vunpack.i.l.s16.s32 v6  }
0x41b: {  	v6 =	vunpack.i.u.s16.s32 v6;
	v5 =	vld [tilespmem:s0+$0x460]  }
0x41c: {  	[tilespmem:v4+s28+$0x0] =	vst.idx.add.s32.msk $0xffff, v1  }
0x41d: {  	[tilespmem:v8+s21+$0x0] =	vst.idx.add.s32.msk $0xffff, v1  }
0x41e: {  	s1 =	sadd.s32 $0x80, s1;
	s19 =	sadd.s32 $0x200, s19;
	v4 =	vunpack.i.l.s16.s32 v7;
	v8 =	vld [tilespmem:s31+$0x860]  }
0x41f: {  	s7 =	sand.u32 $0xE000, s19;
	s8 =	sand.u32 $0x700, s1;
	v7 =	vunpack.i.u.s16.s32 v7;
	[tilespmem:v3+s28+$0x0] =	vst.idx.add.s32.msk $0xffff, v1  }
0x420: {  	s7 =	sor.u32 s8, s7;
	[tilespmem:v6+s21+$0x0] =	vst.idx.add.s32.msk $0xffff, v1  }
0x421: {  	s7 =	sshrl.u32 s7, $0x1;
	v3 =	vunpack.i.l.s16.s32 v5;
	v6 =	vld [tilespmem:s22+$0xC60];
	s22 =	smov.u32 s31;
	s31 =	smov.u32 s0  }
0x422: {  	v5 =	vunpack.i.u.s16.s32 v5;
	s0 =	smov.u32 s23;
	s23 =	smov.u32 s7;
	v9 =	vld [tilespmem:s7+$0x0]  }
0x423: {  	[tilespmem:v4+s28+$0x0] =	vst.idx.add.s32.msk $0xffff, v1  }
0x424: {  	v4 =	vunpack.i.l.s16.s32 v8;
	[tilespmem:v7+s21+$0x0] =	vst.idx.add.s32.msk $0xffff, v1  }
0x425: {  	v8 =	vunpack.i.u.s16.s32 v8;
	v7 =	vld [tilespmem:s0+$0x400]  }
0x426: {  	[tilespmem:v3+s28+$0x0] =	vst.idx.add.s32.msk $0xffff, v1;
	v3 =	vunpack.i.l.s16.s32 v6  }
0x427: {  	[tilespmem:v5+s21+$0x0] =	vst.idx.add.s32.msk $0xffff, v1;
	v5 =	vunpack.i.u.s16.s32 v6  }
0x428: {  	v6 =	vld [tilespmem:s31+$0x800]  }
0x429: {  	v10 =	vunpack.i.l.s16.s32 v9;
	[tilespmem:v4+s28+$0x0] =	vst.idx.add.s32.msk $0xffff, v1  }
0x42a: {  	v4 =	vunpack.i.u.s16.s32 v9;
	[tilespmem:v8+s21+$0x0] =	vst.idx.add.s32.msk $0xffff, v1  }
0x42b: {  	[tilespmem:v3+s28+$0x0] =	vst.idx.add.s32.msk $0xffff, v1  }
0x42c: {  	v3 =	vunpack.i.l.s16.s32 v7;
	[tilespmem:v5+s21+$0x0] =	vst.idx.add.s32.msk $0xffff, v1  }
0x42d: {  	v5 =	vunpack.i.u.s16.s32 v7;
	v7 =	vld [tilespmem:s22+$0xC00]  }
0x42e: {  	[tilespmem:v10+s28+$0x0] =	vst.idx.add.s32.msk $0xffff, v1  }
0x42f: {  	[tilespmem:v4+s21+$0x0] =	vst.idx.add.s32.msk $0xffff, v1;
	v4 =	vunpack.i.l.s16.s32 v6  }
0x430: {  	v6 =	vunpack.i.u.s16.s32 v6;
	v8 =	vld [tilespmem:s23+$0x20]  }
0x431: {  	[tilespmem:v3+s28+$0x0] =	vst.idx.add.s32.msk $0xffff, v1  }
0x432: {  	[tilespmem:v5+s21+$0x0] =	vst.idx.add.s32.msk $0xffff, v1;
	v3 =	vunpack.i.l.s16.s32 v7  }
0x433: {  	v10 =	vunpack.i.u.s16.s32 v7;
	v9 =	vld [tilespmem:s0+$0x420]  }
0x434: {  	[tilespmem:v4+s28+$0x0] =	vst.idx.add.s32.msk $0xffff, v1  }
0x435: {  	v11 =	vunpack.i.l.s16.s32 v8;
	[tilespmem:v6+s21+$0x0] =	vst.idx.add.s32.msk $0xffff, v1  }
.Ltmp3:
0x436: {  	v7 =	vunpack.i.u.s16.s32 v8;
	v4 =	vld [tilespmem:s31+$0x820];
	(pc) =	sbr.rel @p0 .LBB2_8-.Ltmp3, $4  }
0x437: {  	[tilespmem:v3+s28+$0x0] =	vst.idx.add.s32.msk $0xffff, v1  }
0x438: {  	v5 =	vunpack.i.l.s16.s32 v9;
	[tilespmem:v10+s21+$0x0] =	vst.idx.add.s32.msk $0xffff, v1  }
0x439: {  	v6 =	vunpack.i.u.s16.s32 v9;
	v3 =	vld [tilespmem:s22+$0xC20]  }
0x43a: {  	s2 =	sadd.s32 $0x1, s2;
	[tilespmem:v11+s28+$0x0] =	vst.idx.add.s32.msk $0xffff, v1  }
0x43b: {  	_ =	sdelay $0x3  }
0x43c: {  	[tilespmem:v7+s21+$0x0] =	vst.idx.add.s32.msk $0xffff, v1  }
0x43d: {  	v7 =	vld [tilespmem:s23+$0x40];
	_ =	sdelay $0x4  }
0x43e: {  	v8 =	vunpack.i.l.s16.s32 v7  }
0x43f: {  	v7 =	vunpack.i.u.s16.s32 v7;
	_ =	sdelay $0x3  }
0x440: {  	[tilespmem:v8+s28+$0x0] =	vst.idx.add.s32.msk $0xffff, v1  }
0x441: {  	[tilespmem:v7+s21+$0x0] =	vst.idx.add.s32.msk $0xffff, v1  }
0x442: {  	v7 =	vld [tilespmem:s23+$0x60];
	_ =	sdelay $0x4  }
0x443: {  	v8 =	vunpack.i.l.s16.s32 v7  }
0x444: {  	v7 =	vunpack.i.u.s16.s32 v7;
	_ =	sdelay $0x3  }
0x445: {  	[tilespmem:v8+s28+$0x0] =	vst.idx.add.s32.msk $0xffff, v1  }
0x446: {  	[tilespmem:v7+s21+$0x0] =	vst.idx.add.s32.msk $0xffff, v1  }
0x447: {  	v7 =	vld [tilespmem:s23+$0x400];
	_ =	sdelay $0x4  }
0x448: {  	v8 =	vunpack.i.l.s16.s32 v7  }
0x449: {  	v7 =	vunpack.i.u.s16.s32 v7;
	_ =	sdelay $0x3  }
0x44a: {  	[tilespmem:v8+s28+$0x0] =	vst.idx.add.s32.msk $0xffff, v1  }
0x44b: {  	[tilespmem:v7+s21+$0x0] =	vst.idx.add.s32.msk $0xffff, v1  }
0x44c: {  	v7 =	vld [tilespmem:s23+$0x420];
	_ =	sdelay $0x4  }
0x44d: {  	[tilespmem:v5+s28+$0x0] =	vst.idx.add.s32.msk $0xffff, v1;
	v8 =	vunpack.i.l.s16.s32 v7  }
0x44e: {  	[tilespmem:v6+s21+$0x0] =	vst.idx.add.s32.msk $0xffff, v1;
	v7 =	vunpack.i.u.s16.s32 v7  }
0x44f: {  	v5 =	vld [tilespmem:s0+$0x440];
	_ =	sdelay $0x2  }
0x450: {  	[tilespmem:v8+s28+$0x0] =	vst.idx.add.s32.msk $0xffff, v1  }
0x451: {  	[tilespmem:v7+s21+$0x0] =	vst.idx.add.s32.msk $0xffff, v1  }
0x452: {  	v7 =	vunpack.i.l.s16.s32 v5;
	v6 =	vld [tilespmem:s23+$0x440]  }
0x453: {  	v5 =	vunpack.i.u.s16.s32 v5;
	_ =	sdelay $0x3  }
0x454: {  	[tilespmem:v7+s28+$0x0] =	vst.idx.add.s32.msk $0xffff, v1;
	v8 =	vunpack.i.l.s16.s32 v6  }
0x455: {  	v6 =	vunpack.i.u.s16.s32 v6;
	[tilespmem:v5+s21+$0x0] =	vst.idx.add.s32.msk $0xffff, v1  }
0x456: {  	v5 =	vld [tilespmem:s0+$0x460];
	_ =	sdelay $0x2  }
0x457: {  	[tilespmem:v8+s28+$0x0] =	vst.idx.add.s32.msk $0xffff, v1  }
0x458: {  	[tilespmem:v6+s21+$0x0] =	vst.idx.add.s32.msk $0xffff, v1  }
0x459: {  	v7 =	vunpack.i.l.s16.s32 v5;
	v6 =	vld [tilespmem:s23+$0x460]  }
0x45a: {  	v5 =	vunpack.i.u.s16.s32 v5;
	_ =	sdelay $0x3  }
0x45b: {  	[tilespmem:v7+s28+$0x0] =	vst.idx.add.s32.msk $0xffff, v1;
	v8 =	vunpack.i.l.s16.s32 v6  }
0x45c: {  	v6 =	vunpack.i.u.s16.s32 v6;
	[tilespmem:v5+s21+$0x0] =	vst.idx.add.s32.msk $0xffff, v1  }
0x45d: {  	v5 =	vld [tilespmem:s0+$0x800];
	_ =	sdelay $0x2  }
0x45e: {  	[tilespmem:v8+s28+$0x0] =	vst.idx.add.s32.msk $0xffff, v1  }
0x45f: {  	[tilespmem:v6+s21+$0x0] =	vst.idx.add.s32.msk $0xffff, v1  }
0x460: {  	v7 =	vunpack.i.l.s16.s32 v5;
	v6 =	vld [tilespmem:s23+$0x800]  }
0x461: {  	v5 =	vunpack.i.u.s16.s32 v5;
	_ =	sdelay $0x3  }
0x462: {  	[tilespmem:v7+s28+$0x0] =	vst.idx.add.s32.msk $0xffff, v1;
	v8 =	vunpack.i.l.s16.s32 v6  }
0x463: {  	v6 =	vunpack.i.u.s16.s32 v6;
	[tilespmem:v5+s21+$0x0] =	vst.idx.add.s32.msk $0xffff, v1  }
0x464: {  	v5 =	vld [tilespmem:s0+$0x820];
	_ =	sdelay $0x1  }
0x465: {  	v7 =	vunpack.i.l.s16.s32 v4  }
0x466: {  	v4 =	vunpack.i.u.s16.s32 v4;
	[tilespmem:v8+s28+$0x0] =	vst.idx.add.s32.msk $0xffff, v1  }
0x467: {  	[tilespmem:v6+s21+$0x0] =	vst.idx.add.s32.msk $0xffff, v1  }
0x468: {  	v8 =	vunpack.i.l.s16.s32 v5;
	v6 =	vld [tilespmem:s23+$0x820]  }
0x469: {  	v5 =	vunpack.i.u.s16.s32 v5  }
0x46a: {  	[tilespmem:v7+s28+$0x0] =	vst.idx.add.s32.msk $0xffff, v1  }
0x46b: {  	[tilespmem:v4+s21+$0x0] =	vst.idx.add.s32.msk $0xffff, v1  }
0x46c: {  	v7 =	vld [tilespmem:s31+$0x840]  }
0x46d: {  	[tilespmem:v8+s28+$0x0] =	vst.idx.add.s32.msk $0xffff, v1;
	v4 =	vunpack.i.l.s16.s32 v6  }
0x46e: {  	v6 =	vunpack.i.u.s16.s32 v6;
	[tilespmem:v5+s21+$0x0] =	vst.idx.add.s32.msk $0xffff, v1  }
0x46f: {  	v5 =	vld [tilespmem:s0+$0x840];
	_ =	sdelay $0x2  }
0x470: {  	[tilespmem:v4+s28+$0x0] =	vst.idx.add.s32.msk $0xffff, v1;
	v4 =	vunpack.i.l.s16.s32 v7  }
0x471: {  	[tilespmem:v6+s21+$0x0] =	vst.idx.add.s32.msk $0xffff, v1;
	v6 =	vunpack.i.u.s16.s32 v7  }
0x472: {  	v8 =	vunpack.i.l.s16.s32 v5  }
0x473: {  	v7 =	vld [tilespmem:s23+$0x840]  }
0x474: {  	v5 =	vunpack.i.u.s16.s32 v5  }
0x475: {  	[tilespmem:v4+s28+$0x0] =	vst.idx.add.s32.msk $0xffff, v1  }
0x476: {  	[tilespmem:v6+s21+$0x0] =	vst.idx.add.s32.msk $0xffff, v1  }
0x477: {  	[tilespmem:v8+s28+$0x0] =	vst.idx.add.s32.msk $0xffff, v1  }
0x478: {  	v4 =	vunpack.i.l.s16.s32 v7;
	v6 =	vld [tilespmem:s31+$0x860]  }
0x479: {  	[tilespmem:v5+s21+$0x0] =	vst.idx.add.s32.msk $0xffff, v1  }
0x47a: {  	v5 =	vld [tilespmem:s0+$0x860]  }
0x47b: {  	v7 =	vunpack.i.u.s16.s32 v7;
	_ =	sdelay $0x1  }
0x47c: {  	[tilespmem:v4+s28+$0x0] =	vst.idx.add.s32.msk $0xffff, v1;
	v4 =	vunpack.i.l.s16.s32 v6  }
0x47d: {  	v6 =	vunpack.i.u.s16.s32 v6  }
0x47e: {  	v8 =	vunpack.i.l.s16.s32 v5  }
0x47f: {  	[tilespmem:v7+s21+$0x0] =	vst.idx.add.s32.msk $0xffff, v1  }
0x480: {  	v5 =	vunpack.i.u.s16.s32 v5;
	v7 =	vld [tilespmem:s23+$0x860]  }
0x481: {  	[tilespmem:v4+s28+$0x0] =	vst.idx.add.s32.msk $0xffff, v1  }
0x482: {  	[tilespmem:v6+s21+$0x0] =	vst.idx.add.s32.msk $0xffff, v1  }
0x483: {  	[tilespmem:v8+s28+$0x0] =	vst.idx.add.s32.msk $0xffff, v1  }
0x484: {  	v6 =	vld [tilespmem:s31+$0xC00]  }
0x485: {  	v4 =	vunpack.i.l.s16.s32 v7;
	[tilespmem:v5+s21+$0x0] =	vst.idx.add.s32.msk $0xffff, v1  }
0x486: {  	v7 =	vunpack.i.u.s16.s32 v7;
	v5 =	vld [tilespmem:s0+$0xC00];
	_ =	sdelay $0x3  }
0x487: {  	[tilespmem:v4+s28+$0x0] =	vst.idx.add.s32.msk $0xffff, v1;
	v4 =	vunpack.i.l.s16.s32 v6  }
0x488: {  	[tilespmem:v7+s21+$0x0] =	vst.idx.add.s32.msk $0xffff, v1;
	v8 =	vunpack.i.l.s16.s32 v5  }
0x489: {  	v6 =	vunpack.i.u.s16.s32 v6;
	v7 =	vld [tilespmem:s23+$0xC00];
	_ =	sdelay $0x1  }
0x48a: {  	v5 =	vunpack.i.u.s16.s32 v5  }
0x48b: {  	[tilespmem:v4+s28+$0x0] =	vst.idx.add.s32.msk $0xffff, v1  }
0x48c: {  	[tilespmem:v8+s28+$0x0] =	vst.idx.add.s32.msk $0xffff, v1;
	v8 =	vunpack.i.l.s16.s32 v3  }
0x48d: {  	[tilespmem:v6+s21+$0x0] =	vst.idx.add.s32.msk $0xffff, v1;
	v4 =	vunpack.i.l.s16.s32 v7  }
0x48e: {  	v3 =	vunpack.i.u.s16.s32 v3;
	v6 =	vld [tilespmem:s31+$0xC20]  }
0x48f: {  	v7 =	vunpack.i.u.s16.s32 v7;
	[tilespmem:v5+s21+$0x0] =	vst.idx.add.s32.msk $0xffff, v1  }
0x490: {  	v5 =	vld [tilespmem:s0+$0xC20]  }
0x491: {  	[tilespmem:v8+s28+$0x0] =	vst.idx.add.s32.msk $0xffff, v1  }
0x492: {  	[tilespmem:v4+s28+$0x0] =	vst.idx.add.s32.msk $0xffff, v1  }
0x493: {  	v4 =	vunpack.i.l.s16.s32 v6;
	[tilespmem:v3+s21+$0x0] =	vst.idx.add.s32.msk $0xffff, v1  }
0x494: {  	v6 =	vunpack.i.u.s16.s32 v6;
	[tilespmem:v7+s21+$0x0] =	vst.idx.add.s32.msk $0xffff, v1  }
0x495: {  	v3 =	vunpack.i.l.s16.s32 v5;
	v7 =	vld [tilespmem:s23+$0xC20];
	_ =	sdelay $0x1  }
0x496: {  	v8 =	vld [tilespmem:s22+$0xC40];
	v5 =	vunpack.i.u.s16.s32 v5  }
0x497: {  	[tilespmem:v4+s28+$0x0] =	vst.idx.add.s32.msk $0xffff, v1  }
0x498: {  	[tilespmem:v6+s21+$0x0] =	vst.idx.add.s32.msk $0xffff, v1  }
0x499: {  	[tilespmem:v3+s28+$0x0] =	vst.idx.add.s32.msk $0xffff, v1;
	v4 =	vunpack.i.l.s16.s32 v7  }
0x49a: {  	v6 =	vld [tilespmem:s31+$0xC40];
	v7 =	vunpack.i.u.s16.s32 v7  }
0x49b: {  	[tilespmem:v5+s21+$0x0] =	vst.idx.add.s32.msk $0xffff, v1  }
0x49c: {  	v3 =	vunpack.i.l.s16.s32 v8;
	v5 =	vunpack.i.u.s16.s32 v8;
	v8 =	vld [tilespmem:s0+$0xC40];
	_ =	sdelay $0x1  }
0x49d: {  	[tilespmem:v4+s28+$0x0] =	vst.idx.add.s32.msk $0xffff, v1  }
0x49e: {  	v4 =	vunpack.i.l.s16.s32 v6;
	[tilespmem:v7+s21+$0x0] =	vst.idx.add.s32.msk $0xffff, v1  }
0x49f: {  	v6 =	vunpack.i.u.s16.s32 v6;
	v7 =	vld [tilespmem:s23+$0xC40]  }
0x4a0: {  	[tilespmem:v3+s28+$0x0] =	vst.idx.add.s32.msk $0xffff, v1;
	v3 =	vunpack.i.l.s16.s32 v8  }
0x4a1: {  	[tilespmem:v5+s21+$0x0] =	vst.idx.add.s32.msk $0xffff, v1  }
0x4a2: {  	v5 =	vld [tilespmem:s22+$0xC60];
	v8 =	vunpack.i.u.s16.s32 v8  }
0x4a3: {  	[tilespmem:v4+s28+$0x0] =	vst.idx.add.s32.msk $0xffff, v1  }
0x4a4: {  	[tilespmem:v6+s21+$0x0] =	vst.idx.add.s32.msk $0xffff, v1;
	v4 =	vunpack.i.l.s16.s32 v7  }
0x4a5: {  	[tilespmem:v3+s28+$0x0] =	vst.idx.add.s32.msk $0xffff, v1;
	v7 =	vunpack.i.u.s16.s32 v7  }
0x4a6: {  	v6 =	vld [tilespmem:s31+$0xC60]  }
0x4a7: {  	[tilespmem:v8+s21+$0x0] =	vst.idx.add.s32.msk $0xffff, v1  }
0x4a8: {  	v3 =	vld [tilespmem:s0+$0xC60]  }
0x4a9: {  	[tilespmem:v4+s28+$0x0] =	vst.idx.add.s32.msk $0xffff, v1  }
0x4aa: {  	v4 =	vunpack.i.l.s16.s32 v5;
	[tilespmem:v7+s21+$0x0] =	vst.idx.add.s32.msk $0xffff, v1  }
0x4ab: {  	v8 =	vunpack.i.l.s16.s32 v6;
	v7 =	vld [tilespmem:s23+$0xC60]  }
0x4ac: {  	v5 =	vunpack.i.u.s16.s32 v5  }
0x4ad: {  	v6 =	vunpack.i.u.s16.s32 v6  }
0x4ae: {  	v9 =	vunpack.i.l.s16.s32 v3  }
0x4af: {  	v3 =	vunpack.i.u.s16.s32 v3;
	[tilespmem:v4+s28+$0x0] =	vst.idx.add.s32.msk $0xffff, v1  }
0x4b0: {  	[tilespmem:v8+s28+$0x0] =	vst.idx.add.s32.msk $0xffff, v1;
	v4 =	vunpack.i.l.s16.s32 v7  }
0x4b1: {  	[tilespmem:v5+s21+$0x0] =	vst.idx.add.s32.msk $0xffff, v1;
	v5 =	vunpack.i.u.s16.s32 v7  }
0x4b2: {  	[tilespmem:v6+s21+$0x0] =	vst.idx.add.s32.msk $0xffff, v1  }
0x4b3: {  	[tilespmem:v9+s28+$0x0] =	vst.idx.add.s32.msk $0xffff, v1  }
0x4b4: {  	[tilespmem:v3+s21+$0x0] =	vst.idx.add.s32.msk $0xffff, v1  }
0x4b5: {  	[tilespmem:v4+s28+$0x0] =	vst.idx.add.s32.msk $0xffff, v1  }
0x4b6: {  	s22 =	simm.s32 $0x0;
	[tilespmem:v5+s21+$0x0] =	vst.idx.add.s32.msk $0xffff, v1  }
0x4b7: {  	s19 =	sand.u32 $0xE000, s22;
	s1 =	sand.u32 $0x700, s22;
	_ =	swait.ge [sflag:s29], $0x8000  }
0x4b8: {  	s0 =	sor.u32 s1, s19;
	[sflag:s29] =	ssyncset.done $0x0  }
0x4b9: {  	s31 =	sshrl.u32 s0, $0x1;
	[sflag:s29] =	ssyncadd.s32 $0xFFFF8000  }
0x4ba: {  	v3 =	vld [tilespmem:s31+$0x8000];
	_ =	sdelay $0x4  }
0x4bb: {  	v4 =	vunpack.i.l.s16.s32 v3  }
0x4bc: {  	v3 =	vunpack.i.u.s16.s32 v3;
	_ =	sdelay $0x3  }
0x4bd: {  	[tilespmem:v4+s28+$0x0] =	vst.idx.add.s32.msk $0xffff, v1  }
0x4be: {  	[tilespmem:v3+s21+$0x0] =	vst.idx.add.s32.msk $0xffff, v1  }
0x4bf: {  	v3 =	vld [tilespmem:s31+$0x8020];
	_ =	sdelay $0x4  }
0x4c0: {  	v4 =	vunpack.i.l.s16.s32 v3  }
0x4c1: {  	v3 =	vunpack.i.u.s16.s32 v3;
	_ =	sdelay $0x3  }
0x4c2: {  	[tilespmem:v4+s28+$0x0] =	vst.idx.add.s32.msk $0xffff, v1  }
0x4c3: {  	[tilespmem:v3+s21+$0x0] =	vst.idx.add.s32.msk $0xffff, v1  }
0x4c4: {  	v3 =	vld [tilespmem:s31+$0x8040];
	_ =	sdelay $0x4  }
0x4c5: {  	v4 =	vunpack.i.l.s16.s32 v3  }
0x4c6: {  	v3 =	vunpack.i.u.s16.s32 v3;
	_ =	sdelay $0x3  }
0x4c7: {  	[tilespmem:v4+s28+$0x0] =	vst.idx.add.s32.msk $0xffff, v1  }
0x4c8: {  	[tilespmem:v3+s21+$0x0] =	vst.idx.add.s32.msk $0xffff, v1  }
0x4c9: {  	v3 =	vld [tilespmem:s31+$0x8060];
	_ =	sdelay $0x4  }
0x4ca: {  	s20 =	simm.s32 $0x80;
	s23 =	simm.s32 $0x200;
	v4 =	vunpack.i.l.s16.s32 v3  }
0x4cb: {  	s0 =	sand.u32 $0x700, s20;
	s1 =	sand.u32 $0xE000, s23;
	v3 =	vunpack.i.u.s16.s32 v3  }
0x4cc: {  	s0 =	sor.u32 s0, s1  }
0x4cd: {  	s0 =	sshrl.u32 s0, $0x1  }
0x4ce: {  	v5 =	vld [tilespmem:s0+$0x8000]  }
0x4cf: {  	[tilespmem:v4+s28+$0x0] =	vst.idx.add.s32.msk $0xffff, v1  }
0x4d0: {  	[tilespmem:v3+s21+$0x0] =	vst.idx.add.s32.msk $0xffff, v1  }
0x4d1: {  	v3 =	vld [tilespmem:s31+$0x8400];
	_ =	sdelay $0x1  }
0x4d2: {  	v4 =	vunpack.i.l.s16.s32 v5  }
0x4d3: {  	v5 =	vunpack.i.u.s16.s32 v5;
	_ =	sdelay $0x1  }
0x4d4: {  	v6 =	vunpack.i.l.s16.s32 v3  }
0x4d5: {  	v3 =	vunpack.i.u.s16.s32 v3  }
0x4d6: {  	[tilespmem:v4+s28+$0x0] =	vst.idx.add.s32.msk $0xffff, v1  }
0x4d7: {  	[tilespmem:v5+s21+$0x0] =	vst.idx.add.s32.msk $0xffff, v1  }
0x4d8: {  	v4 =	vld [tilespmem:s0+$0x8020]  }
0x4d9: {  	[tilespmem:v6+s28+$0x0] =	vst.idx.add.s32.msk $0xffff, v1  }
0x4da: {  	[tilespmem:v3+s21+$0x0] =	vst.idx.add.s32.msk $0xffff, v1  }
0x4db: {  	v3 =	vld [tilespmem:s31+$0x8420];
	_ =	sdelay $0x1  }
0x4dc: {  	v5 =	vunpack.i.l.s16.s32 v4  }
0x4dd: {  	v4 =	vunpack.i.u.s16.s32 v4;
	_ =	sdelay $0x1  }
0x4de: {  	v6 =	vunpack.i.l.s16.s32 v3  }
0x4df: {  	v3 =	vunpack.i.u.s16.s32 v3  }
0x4e0: {  	[tilespmem:v5+s28+$0x0] =	vst.idx.add.s32.msk $0xffff, v1  }
0x4e1: {  	[tilespmem:v4+s21+$0x0] =	vst.idx.add.s32.msk $0xffff, v1  }
0x4e2: {  	v4 =	vld [tilespmem:s0+$0x8040]  }
0x4e3: {  	[tilespmem:v6+s28+$0x0] =	vst.idx.add.s32.msk $0xffff, v1  }
0x4e4: {  	[tilespmem:v3+s21+$0x0] =	vst.idx.add.s32.msk $0xffff, v1  }
0x4e5: {  	v3 =	vld [tilespmem:s31+$0x8440];
	_ =	sdelay $0x1  }
0x4e6: {  	v5 =	vunpack.i.l.s16.s32 v4  }
0x4e7: {  	v4 =	vunpack.i.u.s16.s32 v4;
	_ =	sdelay $0x1  }
0x4e8: {  	v6 =	vunpack.i.l.s16.s32 v3  }
0x4e9: {  	v3 =	vunpack.i.u.s16.s32 v3  }
0x4ea: {  	[tilespmem:v5+s28+$0x0] =	vst.idx.add.s32.msk $0xffff, v1  }
0x4eb: {  	[tilespmem:v4+s21+$0x0] =	vst.idx.add.s32.msk $0xffff, v1  }
0x4ec: {  	v4 =	vld [tilespmem:s0+$0x8060]  }
0x4ed: {  	[tilespmem:v6+s28+$0x0] =	vst.idx.add.s32.msk $0xffff, v1  }
0x4ee: {  	[tilespmem:v3+s21+$0x0] =	vst.idx.add.s32.msk $0xffff, v1  }
0x4ef: {  	v3 =	vld [tilespmem:s31+$0x8460];
	_ =	sdelay $0x1  }
0x4f0: {  	s24 =	simm.s32 $0x100;
	s2 =	simm.s32 $0x400;
	v5 =	vunpack.i.l.s16.s32 v4  }
0x4f1: {  	s2 =	sand.u32 $0xE000, s2;
	s1 =	sand.u32 $0x700, s24;
	v4 =	vunpack.i.u.s16.s32 v4  }
0x4f2: {  	s1 =	sor.u32 s1, s2  }
0x4f3: {  	s23 =	sshrl.u32 s1, $0x1;
	v6 =	vunpack.i.l.s16.s32 v3  }
0x4f4: {  	v7 =	vld [tilespmem:s23+$0x8000];
	v3 =	vunpack.i.u.s16.s32 v3  }
0x4f5: {  	[tilespmem:v5+s28+$0x0] =	vst.idx.add.s32.msk $0xffff, v1  }
0x4f6: {  	[tilespmem:v4+s21+$0x0] =	vst.idx.add.s32.msk $0xffff, v1  }
0x4f7: {  	v4 =	vld [tilespmem:s0+$0x8400]  }
0x4f8: {  	[tilespmem:v6+s28+$0x0] =	vst.idx.add.s32.msk $0xffff, v1  }
0x4f9: {  	[tilespmem:v3+s21+$0x0] =	vst.idx.add.s32.msk $0xffff, v1;
	v3 =	vunpack.i.l.s16.s32 v7  }
0x4fa: {  	v6 =	vunpack.i.u.s16.s32 v7;
	v5 =	vld [tilespmem:s31+$0x8800];
	_ =	sdelay $0x1  }
0x4fb: {  	v7 =	vunpack.i.l.s16.s32 v4  }
0x4fc: {  	v4 =	vunpack.i.u.s16.s32 v4  }
0x4fd: {  	[tilespmem:v3+s28+$0x0] =	vst.idx.add.s32.msk $0xffff, v1  }
0x4fe: {  	[tilespmem:v6+s21+$0x0] =	vst.idx.add.s32.msk $0xffff, v1;
	v3 =	vunpack.i.l.s16.s32 v5  }
0x4ff: {  	v5 =	vunpack.i.u.s16.s32 v5;
	v6 =	vld [tilespmem:s23+$0x8020]  }
0x500: {  	[tilespmem:v7+s28+$0x0] =	vst.idx.add.s32.msk $0xffff, v1  }
0x501: {  	[tilespmem:v4+s21+$0x0] =	vst.idx.add.s32.msk $0xffff, v1  }
0x502: {  	v4 =	vld [tilespmem:s0+$0x8420]  }
0x503: {  	[tilespmem:v3+s28+$0x0] =	vst.idx.add.s32.msk $0xffff, v1  }
0x504: {  	v3 =	vunpack.i.l.s16.s32 v6;
	[tilespmem:v5+s21+$0x0] =	vst.idx.add.s32.msk $0xffff, v1  }
0x505: {  	v5 =	vunpack.i.u.s16.s32 v6;
	v6 =	vld [tilespmem:s31+$0x8820];
	_ =	sdelay $0x1  }
0x506: {  	v7 =	vunpack.i.l.s16.s32 v4  }
0x507: {  	v4 =	vunpack.i.u.s16.s32 v4  }
0x508: {  	[tilespmem:v3+s28+$0x0] =	vst.idx.add.s32.msk $0xffff, v1  }
0x509: {  	[tilespmem:v5+s21+$0x0] =	vst.idx.add.s32.msk $0xffff, v1;
	v3 =	vunpack.i.l.s16.s32 v6  }
0x50a: {  	v6 =	vunpack.i.u.s16.s32 v6;
	v5 =	vld [tilespmem:s23+$0x8040]  }
0x50b: {  	[tilespmem:v7+s28+$0x0] =	vst.idx.add.s32.msk $0xffff, v1  }
0x50c: {  	[tilespmem:v4+s21+$0x0] =	vst.idx.add.s32.msk $0xffff, v1  }
0x50d: {  	v4 =	vld [tilespmem:s0+$0x8440]  }
0x50e: {  	[tilespmem:v3+s28+$0x0] =	vst.idx.add.s32.msk $0xffff, v1  }
0x50f: {  	v3 =	vunpack.i.l.s16.s32 v5;
	[tilespmem:v6+s21+$0x0] =	vst.idx.add.s32.msk $0xffff, v1  }
0x510: {  	v5 =	vunpack.i.u.s16.s32 v5;
	v6 =	vld [tilespmem:s31+$0x8840];
	_ =	sdelay $0x1  }
0x511: {  	v7 =	vunpack.i.l.s16.s32 v4  }
0x512: {  	v4 =	vunpack.i.u.s16.s32 v4  }
0x513: {  	[tilespmem:v3+s28+$0x0] =	vst.idx.add.s32.msk $0xffff, v1  }
0x514: {  	[tilespmem:v5+s21+$0x0] =	vst.idx.add.s32.msk $0xffff, v1;
	v3 =	vunpack.i.l.s16.s32 v6  }
0x515: {  	v6 =	vunpack.i.u.s16.s32 v6;
	v5 =	vld [tilespmem:s23+$0x8060]  }
0x516: {  	[tilespmem:v7+s28+$0x0] =	vst.idx.add.s32.msk $0xffff, v1  }
0x517: {  	[tilespmem:v4+s21+$0x0] =	vst.idx.add.s32.msk $0xffff, v1  }
0x518: {  	v4 =	vld [tilespmem:s0+$0x8460]  }
0x519: {  	[tilespmem:v3+s28+$0x0] =	vst.idx.add.s32.msk $0xffff, v1  }
0x51a: {  	s19 =	simm.s32 $0x180;
	s2 =	simm.s32 $0x600;
	[tilespmem:v6+s21+$0x0] =	vst.idx.add.s32.msk $0xffff, v1;
	v3 =	vunpack.i.l.s16.s32 v5  }
0x51b: {  	s7 =	sand.u32 $0x700, s19;
	s25 =	sand.u32 $0xE000, s2;
	v5 =	vunpack.i.u.s16.s32 v5;
	v6 =	vld [tilespmem:s31+$0x8860]  }
0x51c: {  	s1 =	sor.u32 s7, s25  }
0x51d: {  	s1 =	sshrl.u32 s1, $0x1;
	v7 =	vunpack.i.l.s16.s32 v4  }
0x51e: {  	v8 =	vld [tilespmem:s1+$0x8000];
	v4 =	vunpack.i.u.s16.s32 v4  }
0x51f: {  	[tilespmem:v3+s28+$0x0] =	vst.idx.add.s32.msk $0xffff, v1  }
0x520: {  	[tilespmem:v5+s21+$0x0] =	vst.idx.add.s32.msk $0xffff, v1;
	v3 =	vunpack.i.l.s16.s32 v6  }
0x521: {  	v6 =	vunpack.i.u.s16.s32 v6;
	v5 =	vld [tilespmem:s23+$0x8400]  }
0x522: {  	[tilespmem:v7+s28+$0x0] =	vst.idx.add.s32.msk $0xffff, v1  }
0x523: {  	[tilespmem:v4+s21+$0x0] =	vst.idx.add.s32.msk $0xffff, v1;
	v4 =	vunpack.i.l.s16.s32 v8  }
0x524: {  	v8 =	vunpack.i.u.s16.s32 v8;
	v7 =	vld [tilespmem:s0+$0x8800]  }
0x525: {  	[tilespmem:v3+s28+$0x0] =	vst.idx.add.s32.msk $0xffff, v1  }
0x526: {  	[tilespmem:v6+s21+$0x0] =	vst.idx.add.s32.msk $0xffff, v1;
	v3 =	vunpack.i.l.s16.s32 v5  }
0x527: {  	v5 =	vunpack.i.u.s16.s32 v5;
	v6 =	vld [tilespmem:s31+$0x8C00]  }
0x528: {  	[tilespmem:v4+s28+$0x0] =	vst.idx.add.s32.msk $0xffff, v1  }
0x529: {  	[tilespmem:v8+s21+$0x0] =	vst.idx.add.s32.msk $0xffff, v1;
	v4 =	vunpack.i.l.s16.s32 v7  }
0x52a: {  	v7 =	vunpack.i.u.s16.s32 v7;
	v8 =	vld [tilespmem:s1+$0x8020]  }
0x52b: {  	[tilespmem:v3+s28+$0x0] =	vst.idx.add.s32.msk $0xffff, v1  }
0x52c: {  	[tilespmem:v5+s21+$0x0] =	vst.idx.add.s32.msk $0xffff, v1;
	v3 =	vunpack.i.l.s16.s32 v6  }
0x52d: {  	v5 =	vunpack.i.u.s16.s32 v6;
	v63 =	vld [tilespmem:s23+$0x8420]  }
0x52e: {  	[tilespmem:v4+s28+$0x0] =	vst.idx.add.s32.msk $0xffff, v1  }
0x52f: {  	v10 =	vunpack.i.l.s16.s32 v8;
	[tilespmem:v7+s21+$0x0] =	vst.idx.add.s32.msk $0xffff, v1  }
0x530: {  	v7 =	vunpack.i.u.s16.s32 v8;
	v4 =	vld [tilespmem:s0+$0x8820]  }
0x531: {  	[tilespmem:v3+s28+$0x0] =	vst.idx.add.s32.msk $0xffff, v1  }
0x532: {  	[tilespmem:v5+s21+$0x0] =	vst.idx.add.s32.msk $0xffff, v1;
	v5 =	vunpack.i.l.s16.s32 v63  }
0x533: {  	v6 =	vunpack.i.u.s16.s32 v63;
	v3 =	vld [tilespmem:s31+$0x8C20]  }
0x534: {  	s24 =	simm.s32 $0x4;
	[tilespmem:v10+s28+$0x0] =	vst.idx.add.s32.msk $0xffff, v1  }
.LBB2_10:
0x535: {  	p0 =	sne.s32 s24, $0x7F;
	[tilespmem:v7+s21+$0x0] =	vst.idx.add.s32.msk $0xffff, v1;
	v7 =	vunpack.i.l.s16.s32 v4  }
0x536: {  	v4 =	vunpack.i.u.s16.s32 v4;
	v8 =	vld [tilespmem:s1+$0x8040]  }
0x537: {  	[tilespmem:v5+s28+$0x0] =	vst.idx.add.s32.msk $0xffff, v1  }
0x538: {  	[tilespmem:v6+s21+$0x0] =	vst.idx.add.s32.msk $0xffff, v1;
	v5 =	vunpack.i.l.s16.s32 v3  }
0x539: {  	v3 =	vunpack.i.u.s16.s32 v3;
	v6 =	vld [tilespmem:s23+$0x8440]  }
0x53a: {  	[tilespmem:v7+s28+$0x0] =	vst.idx.add.s32.msk $0xffff, v1  }
0x53b: {  	v7 =	vunpack.i.l.s16.s32 v8;
	[tilespmem:v4+s21+$0x0] =	vst.idx.add.s32.msk $0xffff, v1  }
0x53c: {  	v4 =	vunpack.i.u.s16.s32 v8;
	v8 =	vld [tilespmem:s0+$0x8840]  }
0x53d: {  	[tilespmem:v5+s28+$0x0] =	vst.idx.add.s32.msk $0xffff, v1  }
0x53e: {  	v5 =	vunpack.i.l.s16.s32 v6;
	[tilespmem:v3+s21+$0x0] =	vst.idx.add.s32.msk $0xffff, v1  }
0x53f: {  	v3 =	vunpack.i.u.s16.s32 v6;
	v6 =	vld [tilespmem:s31+$0x8C40]  }
0x540: {  	[tilespmem:v7+s28+$0x0] =	vst.idx.add.s32.msk $0xffff, v1  }
0x541: {  	[tilespmem:v4+s21+$0x0] =	vst.idx.add.s32.msk $0xffff, v1;
	v4 =	vunpack.i.l.s16.s32 v8  }
0x542: {  	v8 =	vunpack.i.u.s16.s32 v8;
	v7 =	vld [tilespmem:s1+$0x8060]  }
0x543: {  	[tilespmem:v5+s28+$0x0] =	vst.idx.add.s32.msk $0xffff, v1  }
0x544: {  	[tilespmem:v3+s21+$0x0] =	vst.idx.add.s32.msk $0xffff, v1;
	v3 =	vunpack.i.l.s16.s32 v6  }
0x545: {  	v6 =	vunpack.i.u.s16.s32 v6;
	v5 =	vld [tilespmem:s23+$0x8460]  }
0x546: {  	[tilespmem:v4+s28+$0x0] =	vst.idx.add.s32.msk $0xffff, v1  }
0x547: {  	[tilespmem:v8+s21+$0x0] =	vst.idx.add.s32.msk $0xffff, v1  }
0x548: {  	s19 =	sadd.s32 $0x80, s19;
	s2 =	sadd.s32 $0x200, s2;
	v4 =	vunpack.i.l.s16.s32 v7;
	v8 =	vld [tilespmem:s0+$0x8860]  }
0x549: {  	s7 =	sand.u32 $0xE000, s2;
	s8 =	sand.u32 $0x700, s19;
	v7 =	vunpack.i.u.s16.s32 v7;
	[tilespmem:v3+s28+$0x0] =	vst.idx.add.s32.msk $0xffff, v1  }
0x54a: {  	s7 =	sor.u32 s8, s7;
	[tilespmem:v6+s21+$0x0] =	vst.idx.add.s32.msk $0xffff, v1  }
0x54b: {  	s7 =	sshrl.u32 s7, $0x1;
	v3 =	vunpack.i.l.s16.s32 v5;
	v6 =	vld [tilespmem:s31+$0x8C60];
	s31 =	smov.u32 s0;
	s0 =	smov.u32 s23  }
0x54c: {  	v5 =	vunpack.i.u.s16.s32 v5;
	s23 =	smov.u32 s1;
	s1 =	smov.u32 s7;
	v9 =	vld [tilespmem:s7+$0x8000]  }
0x54d: {  	[tilespmem:v4+s28+$0x0] =	vst.idx.add.s32.msk $0xffff, v1  }
0x54e: {  	v4 =	vunpack.i.l.s16.s32 v8;
	[tilespmem:v7+s21+$0x0] =	vst.idx.add.s32.msk $0xffff, v1  }
0x54f: {  	v8 =	vunpack.i.u.s16.s32 v8;
	v7 =	vld [tilespmem:s23+$0x8400]  }
0x550: {  	[tilespmem:v3+s28+$0x0] =	vst.idx.add.s32.msk $0xffff, v1;
	v3 =	vunpack.i.l.s16.s32 v6  }
0x551: {  	[tilespmem:v5+s21+$0x0] =	vst.idx.add.s32.msk $0xffff, v1;
	v5 =	vunpack.i.u.s16.s32 v6  }
0x552: {  	v6 =	vld [tilespmem:s0+$0x8800]  }
0x553: {  	v10 =	vunpack.i.l.s16.s32 v9;
	[tilespmem:v4+s28+$0x0] =	vst.idx.add.s32.msk $0xffff, v1  }
0x554: {  	v4 =	vunpack.i.u.s16.s32 v9;
	[tilespmem:v8+s21+$0x0] =	vst.idx.add.s32.msk $0xffff, v1  }
0x555: {  	[tilespmem:v3+s28+$0x0] =	vst.idx.add.s32.msk $0xffff, v1  }
0x556: {  	v3 =	vunpack.i.l.s16.s32 v7;
	[tilespmem:v5+s21+$0x0] =	vst.idx.add.s32.msk $0xffff, v1  }
0x557: {  	v5 =	vunpack.i.u.s16.s32 v7;
	v7 =	vld [tilespmem:s31+$0x8C00]  }
0x558: {  	[tilespmem:v10+s28+$0x0] =	vst.idx.add.s32.msk $0xffff, v1  }
0x559: {  	[tilespmem:v4+s21+$0x0] =	vst.idx.add.s32.msk $0xffff, v1;
	v4 =	vunpack.i.l.s16.s32 v6  }
0x55a: {  	v6 =	vunpack.i.u.s16.s32 v6;
	v8 =	vld [tilespmem:s1+$0x8020]  }
0x55b: {  	[tilespmem:v3+s28+$0x0] =	vst.idx.add.s32.msk $0xffff, v1  }
0x55c: {  	[tilespmem:v5+s21+$0x0] =	vst.idx.add.s32.msk $0xffff, v1;
	v3 =	vunpack.i.l.s16.s32 v7  }
0x55d: {  	v10 =	vunpack.i.u.s16.s32 v7;
	v9 =	vld [tilespmem:s23+$0x8420]  }
0x55e: {  	[tilespmem:v4+s28+$0x0] =	vst.idx.add.s32.msk $0xffff, v1  }
0x55f: {  	v11 =	vunpack.i.l.s16.s32 v8;
	[tilespmem:v6+s21+$0x0] =	vst.idx.add.s32.msk $0xffff, v1  }
.Ltmp4:
0x560: {  	v7 =	vunpack.i.u.s16.s32 v8;
	v4 =	vld [tilespmem:s0+$0x8820];
	(pc) =	sbr.rel @p0 .LBB2_10-.Ltmp4, $4  }
0x561: {  	[tilespmem:v3+s28+$0x0] =	vst.idx.add.s32.msk $0xffff, v1  }
0x562: {  	v5 =	vunpack.i.l.s16.s32 v9;
	[tilespmem:v10+s21+$0x0] =	vst.idx.add.s32.msk $0xffff, v1  }
0x563: {  	v6 =	vunpack.i.u.s16.s32 v9;
	v3 =	vld [tilespmem:s31+$0x8C20]  }
0x564: {  	s24 =	sadd.s32 $0x1, s24;
	[tilespmem:v11+s28+$0x0] =	vst.idx.add.s32.msk $0xffff, v1  }
0x565: {  	_ =	sdelay $0x3  }
0x566: {  	[tilespmem:v7+s21+$0x0] =	vst.idx.add.s32.msk $0xffff, v1  }
0x567: {  	v7 =	vld [tilespmem:s1+$0x8040];
	_ =	sdelay $0x4  }
0x568: {  	v8 =	vunpack.i.l.s16.s32 v7  }
0x569: {  	v7 =	vunpack.i.u.s16.s32 v7;
	_ =	sdelay $0x3  }
0x56a: {  	[tilespmem:v8+s28+$0x0] =	vst.idx.add.s32.msk $0xffff, v1  }
0x56b: {  	[tilespmem:v7+s21+$0x0] =	vst.idx.add.s32.msk $0xffff, v1  }
0x56c: {  	v7 =	vld [tilespmem:s1+$0x8060];
	_ =	sdelay $0x4  }
0x56d: {  	v8 =	vunpack.i.l.s16.s32 v7  }
0x56e: {  	v7 =	vunpack.i.u.s16.s32 v7;
	_ =	sdelay $0x3  }
0x56f: {  	[tilespmem:v8+s28+$0x0] =	vst.idx.add.s32.msk $0xffff, v1  }
0x570: {  	[tilespmem:v7+s21+$0x0] =	vst.idx.add.s32.msk $0xffff, v1  }
0x571: {  	v7 =	vld [tilespmem:s1+$0x8400];
	_ =	sdelay $0x4  }
0x572: {  	v8 =	vunpack.i.l.s16.s32 v7  }
0x573: {  	v7 =	vunpack.i.u.s16.s32 v7;
	_ =	sdelay $0x3  }
0x574: {  	[tilespmem:v8+s28+$0x0] =	vst.idx.add.s32.msk $0xffff, v1  }
0x575: {  	[tilespmem:v7+s21+$0x0] =	vst.idx.add.s32.msk $0xffff, v1  }
0x576: {  	v7 =	vld [tilespmem:s1+$0x8420];
	_ =	sdelay $0x4  }
0x577: {  	[tilespmem:v5+s28+$0x0] =	vst.idx.add.s32.msk $0xffff, v1;
	v8 =	vunpack.i.l.s16.s32 v7  }
0x578: {  	[tilespmem:v6+s21+$0x0] =	vst.idx.add.s32.msk $0xffff, v1;
	v7 =	vunpack.i.u.s16.s32 v7  }
0x579: {  	v5 =	vld [tilespmem:s23+$0x8440];
	_ =	sdelay $0x2  }
0x57a: {  	[tilespmem:v8+s28+$0x0] =	vst.idx.add.s32.msk $0xffff, v1  }
0x57b: {  	[tilespmem:v7+s21+$0x0] =	vst.idx.add.s32.msk $0xffff, v1  }
0x57c: {  	v7 =	vunpack.i.l.s16.s32 v5;
	v6 =	vld [tilespmem:s1+$0x8440]  }
0x57d: {  	v5 =	vunpack.i.u.s16.s32 v5;
	_ =	sdelay $0x3  }
0x57e: {  	[tilespmem:v7+s28+$0x0] =	vst.idx.add.s32.msk $0xffff, v1;
	v8 =	vunpack.i.l.s16.s32 v6  }
0x57f: {  	v6 =	vunpack.i.u.s16.s32 v6;
	[tilespmem:v5+s21+$0x0] =	vst.idx.add.s32.msk $0xffff, v1  }
0x580: {  	v5 =	vld [tilespmem:s23+$0x8460];
	_ =	sdelay $0x2  }
0x581: {  	[tilespmem:v8+s28+$0x0] =	vst.idx.add.s32.msk $0xffff, v1  }
0x582: {  	[tilespmem:v6+s21+$0x0] =	vst.idx.add.s32.msk $0xffff, v1  }
0x583: {  	v7 =	vunpack.i.l.s16.s32 v5;
	v6 =	vld [tilespmem:s1+$0x8460]  }
0x584: {  	v5 =	vunpack.i.u.s16.s32 v5;
	_ =	sdelay $0x3  }
0x585: {  	[tilespmem:v7+s28+$0x0] =	vst.idx.add.s32.msk $0xffff, v1;
	v8 =	vunpack.i.l.s16.s32 v6  }
0x586: {  	v6 =	vunpack.i.u.s16.s32 v6;
	[tilespmem:v5+s21+$0x0] =	vst.idx.add.s32.msk $0xffff, v1  }
0x587: {  	v5 =	vld [tilespmem:s23+$0x8800];
	_ =	sdelay $0x2  }
0x588: {  	[tilespmem:v8+s28+$0x0] =	vst.idx.add.s32.msk $0xffff, v1  }
0x589: {  	[tilespmem:v6+s21+$0x0] =	vst.idx.add.s32.msk $0xffff, v1  }
0x58a: {  	v7 =	vunpack.i.l.s16.s32 v5;
	v6 =	vld [tilespmem:s1+$0x8800]  }
0x58b: {  	v5 =	vunpack.i.u.s16.s32 v5;
	_ =	sdelay $0x3  }
0x58c: {  	[tilespmem:v7+s28+$0x0] =	vst.idx.add.s32.msk $0xffff, v1;
	v8 =	vunpack.i.l.s16.s32 v6  }
0x58d: {  	v6 =	vunpack.i.u.s16.s32 v6;
	[tilespmem:v5+s21+$0x0] =	vst.idx.add.s32.msk $0xffff, v1  }
0x58e: {  	v5 =	vld [tilespmem:s23+$0x8820];
	_ =	sdelay $0x1  }
0x58f: {  	v7 =	vunpack.i.l.s16.s32 v4  }
0x590: {  	v4 =	vunpack.i.u.s16.s32 v4;
	[tilespmem:v8+s28+$0x0] =	vst.idx.add.s32.msk $0xffff, v1  }
0x591: {  	[tilespmem:v6+s21+$0x0] =	vst.idx.add.s32.msk $0xffff, v1  }
0x592: {  	v8 =	vunpack.i.l.s16.s32 v5;
	v6 =	vld [tilespmem:s1+$0x8820]  }
0x593: {  	v5 =	vunpack.i.u.s16.s32 v5  }
0x594: {  	[tilespmem:v7+s28+$0x0] =	vst.idx.add.s32.msk $0xffff, v1  }
0x595: {  	[tilespmem:v4+s21+$0x0] =	vst.idx.add.s32.msk $0xffff, v1  }
0x596: {  	v7 =	vld [tilespmem:s0+$0x8840]  }
0x597: {  	[tilespmem:v8+s28+$0x0] =	vst.idx.add.s32.msk $0xffff, v1;
	v4 =	vunpack.i.l.s16.s32 v6  }
0x598: {  	v6 =	vunpack.i.u.s16.s32 v6;
	[tilespmem:v5+s21+$0x0] =	vst.idx.add.s32.msk $0xffff, v1  }
0x599: {  	v5 =	vld [tilespmem:s23+$0x8840];
	_ =	sdelay $0x2  }
0x59a: {  	[tilespmem:v4+s28+$0x0] =	vst.idx.add.s32.msk $0xffff, v1;
	v4 =	vunpack.i.l.s16.s32 v7  }
0x59b: {  	[tilespmem:v6+s21+$0x0] =	vst.idx.add.s32.msk $0xffff, v1;
	v6 =	vunpack.i.u.s16.s32 v7  }
0x59c: {  	v8 =	vunpack.i.l.s16.s32 v5  }
0x59d: {  	v7 =	vld [tilespmem:s1+$0x8840]  }
0x59e: {  	v5 =	vunpack.i.u.s16.s32 v5  }
0x59f: {  	[tilespmem:v4+s28+$0x0] =	vst.idx.add.s32.msk $0xffff, v1  }
0x5a0: {  	[tilespmem:v6+s21+$0x0] =	vst.idx.add.s32.msk $0xffff, v1  }
0x5a1: {  	[tilespmem:v8+s28+$0x0] =	vst.idx.add.s32.msk $0xffff, v1  }
0x5a2: {  	v4 =	vunpack.i.l.s16.s32 v7;
	v6 =	vld [tilespmem:s0+$0x8860]  }
0x5a3: {  	[tilespmem:v5+s21+$0x0] =	vst.idx.add.s32.msk $0xffff, v1  }
0x5a4: {  	v5 =	vld [tilespmem:s23+$0x8860]  }
0x5a5: {  	v7 =	vunpack.i.u.s16.s32 v7;
	_ =	sdelay $0x1  }
0x5a6: {  	[tilespmem:v4+s28+$0x0] =	vst.idx.add.s32.msk $0xffff, v1;
	v4 =	vunpack.i.l.s16.s32 v6  }
0x5a7: {  	v6 =	vunpack.i.u.s16.s32 v6  }
0x5a8: {  	v8 =	vunpack.i.l.s16.s32 v5  }
0x5a9: {  	[tilespmem:v7+s21+$0x0] =	vst.idx.add.s32.msk $0xffff, v1  }
0x5aa: {  	v5 =	vunpack.i.u.s16.s32 v5;
	v7 =	vld [tilespmem:s1+$0x8860]  }
0x5ab: {  	[tilespmem:v4+s28+$0x0] =	vst.idx.add.s32.msk $0xffff, v1  }
0x5ac: {  	[tilespmem:v6+s21+$0x0] =	vst.idx.add.s32.msk $0xffff, v1  }
0x5ad: {  	[tilespmem:v8+s28+$0x0] =	vst.idx.add.s32.msk $0xffff, v1  }
0x5ae: {  	v6 =	vld [tilespmem:s0+$0x8C00]  }
0x5af: {  	v4 =	vunpack.i.l.s16.s32 v7;
	[tilespmem:v5+s21+$0x0] =	vst.idx.add.s32.msk $0xffff, v1  }
0x5b0: {  	v7 =	vunpack.i.u.s16.s32 v7;
	v5 =	vld [tilespmem:s23+$0x8C00];
	_ =	sdelay $0x3  }
0x5b1: {  	[tilespmem:v4+s28+$0x0] =	vst.idx.add.s32.msk $0xffff, v1;
	v4 =	vunpack.i.l.s16.s32 v6  }
0x5b2: {  	[tilespmem:v7+s21+$0x0] =	vst.idx.add.s32.msk $0xffff, v1;
	v8 =	vunpack.i.l.s16.s32 v5  }
0x5b3: {  	v6 =	vunpack.i.u.s16.s32 v6;
	v7 =	vld [tilespmem:s1+$0x8C00];
	_ =	sdelay $0x1  }
0x5b4: {  	v5 =	vunpack.i.u.s16.s32 v5  }
0x5b5: {  	[tilespmem:v4+s28+$0x0] =	vst.idx.add.s32.msk $0xffff, v1  }
0x5b6: {  	[tilespmem:v8+s28+$0x0] =	vst.idx.add.s32.msk $0xffff, v1;
	v8 =	vunpack.i.l.s16.s32 v3  }
0x5b7: {  	[tilespmem:v6+s21+$0x0] =	vst.idx.add.s32.msk $0xffff, v1;
	v4 =	vunpack.i.l.s16.s32 v7  }
0x5b8: {  	v3 =	vunpack.i.u.s16.s32 v3;
	v6 =	vld [tilespmem:s0+$0x8C20]  }
0x5b9: {  	v7 =	vunpack.i.u.s16.s32 v7;
	[tilespmem:v5+s21+$0x0] =	vst.idx.add.s32.msk $0xffff, v1  }
0x5ba: {  	v5 =	vld [tilespmem:s23+$0x8C20]  }
0x5bb: {  	[tilespmem:v8+s28+$0x0] =	vst.idx.add.s32.msk $0xffff, v1  }
0x5bc: {  	[tilespmem:v4+s28+$0x0] =	vst.idx.add.s32.msk $0xffff, v1  }
0x5bd: {  	v4 =	vunpack.i.l.s16.s32 v6;
	[tilespmem:v3+s21+$0x0] =	vst.idx.add.s32.msk $0xffff, v1  }
0x5be: {  	v6 =	vunpack.i.u.s16.s32 v6;
	[tilespmem:v7+s21+$0x0] =	vst.idx.add.s32.msk $0xffff, v1  }
0x5bf: {  	v3 =	vunpack.i.l.s16.s32 v5;
	v7 =	vld [tilespmem:s1+$0x8C20];
	_ =	sdelay $0x1  }
0x5c0: {  	v8 =	vld [tilespmem:s31+$0x8C40];
	v5 =	vunpack.i.u.s16.s32 v5  }
0x5c1: {  	[tilespmem:v4+s28+$0x0] =	vst.idx.add.s32.msk $0xffff, v1  }
0x5c2: {  	[tilespmem:v6+s21+$0x0] =	vst.idx.add.s32.msk $0xffff, v1  }
0x5c3: {  	[tilespmem:v3+s28+$0x0] =	vst.idx.add.s32.msk $0xffff, v1;
	v4 =	vunpack.i.l.s16.s32 v7  }
0x5c4: {  	v6 =	vld [tilespmem:s0+$0x8C40];
	v7 =	vunpack.i.u.s16.s32 v7  }
0x5c5: {  	[tilespmem:v5+s21+$0x0] =	vst.idx.add.s32.msk $0xffff, v1  }
0x5c6: {  	v3 =	vunpack.i.l.s16.s32 v8;
	v5 =	vunpack.i.u.s16.s32 v8;
	v8 =	vld [tilespmem:s23+$0x8C40];
	_ =	sdelay $0x1  }
0x5c7: {  	[tilespmem:v4+s28+$0x0] =	vst.idx.add.s32.msk $0xffff, v1  }
0x5c8: {  	v4 =	vunpack.i.l.s16.s32 v6;
	[tilespmem:v7+s21+$0x0] =	vst.idx.add.s32.msk $0xffff, v1  }
0x5c9: {  	v6 =	vunpack.i.u.s16.s32 v6;
	v7 =	vld [tilespmem:s1+$0x8C40]  }
0x5ca: {  	[tilespmem:v3+s28+$0x0] =	vst.idx.add.s32.msk $0xffff, v1;
	v3 =	vunpack.i.l.s16.s32 v8  }
0x5cb: {  	[tilespmem:v5+s21+$0x0] =	vst.idx.add.s32.msk $0xffff, v1  }
0x5cc: {  	v5 =	vld [tilespmem:s31+$0x8C60];
	v8 =	vunpack.i.u.s16.s32 v8  }
0x5cd: {  	[tilespmem:v4+s28+$0x0] =	vst.idx.add.s32.msk $0xffff, v1  }
0x5ce: {  	[tilespmem:v6+s21+$0x0] =	vst.idx.add.s32.msk $0xffff, v1;
	v4 =	vunpack.i.l.s16.s32 v7  }
0x5cf: {  	[tilespmem:v3+s28+$0x0] =	vst.idx.add.s32.msk $0xffff, v1;
	v7 =	vunpack.i.u.s16.s32 v7  }
0x5d0: {  	v6 =	vld [tilespmem:s0+$0x8C60]  }
0x5d1: {  	[tilespmem:v8+s21+$0x0] =	vst.idx.add.s32.msk $0xffff, v1  }
0x5d2: {  	v3 =	vld [tilespmem:s23+$0x8C60]  }
0x5d3: {  	[tilespmem:v4+s28+$0x0] =	vst.idx.add.s32.msk $0xffff, v1  }
0x5d4: {  	v4 =	vunpack.i.l.s16.s32 v5;
	[tilespmem:v7+s21+$0x0] =	vst.idx.add.s32.msk $0xffff, v1  }
0x5d5: {  	v8 =	vunpack.i.l.s16.s32 v6;
	v7 =	vld [tilespmem:s1+$0x8C60]  }
0x5d6: {  	v5 =	vunpack.i.u.s16.s32 v5  }
0x5d7: {  	v6 =	vunpack.i.u.s16.s32 v6  }
0x5d8: {  	v9 =	vunpack.i.l.s16.s32 v3  }
0x5d9: {  	v3 =	vunpack.i.u.s16.s32 v3;
	[tilespmem:v4+s28+$0x0] =	vst.idx.add.s32.msk $0xffff, v1  }
0x5da: {  	[tilespmem:v8+s28+$0x0] =	vst.idx.add.s32.msk $0xffff, v1;
	v4 =	vunpack.i.l.s16.s32 v7  }
0x5db: {  	[tilespmem:v5+s21+$0x0] =	vst.idx.add.s32.msk $0xffff, v1;
	v5 =	vunpack.i.u.s16.s32 v7  }
0x5dc: {  	[tilespmem:v6+s21+$0x0] =	vst.idx.add.s32.msk $0xffff, v1  }
0x5dd: {  	[tilespmem:v9+s28+$0x0] =	vst.idx.add.s32.msk $0xffff, v1  }
0x5de: {  	[tilespmem:v3+s21+$0x0] =	vst.idx.add.s32.msk $0xffff, v1  }
0x5df: {  	[tilespmem:v4+s28+$0x0] =	vst.idx.add.s32.msk $0xffff, v1  }
0x5e0: {  	s17 =	simm.s32 $0x10FF0;
	[tilespmem:v5+s21+$0x0] =	vst.idx.add.s32.msk $0xffff, v1  }
0x5e1: {  	s19 =	simm.s32 $0x11FF0;
	v3 =	vld [tilespmem:s17+$0x0]  }
0x5e2: {  	v4 =	vld [tilespmem:s19+$0x0];
	_ =	sdelay $0x4  }
0x5e3: {  	v4 =	vadd.s32 v3, v4  }
0x5e4: {  	s20 =	simm.s32 $0x10FE0;
	(xrf0) =	vadd.scan.msk.s32 $0xffff, v4  }
0x5e5: {  	s23 =	simm.s32 $0x11FE0;
	v5 =	vld [tilespmem:s20+$0x0]  }
0x5e6: {  	v6 =	vld [tilespmem:s23+$0x0];
	_ =	sdelay $0x1  }
0x5e7: {  	v3 =	vadd.s32 $0xF, v2  }
0x5e8: {  	v4 =	vperm.xlane v4, v3  }
0x5e9: {  	v7, _, _ =	vpop (xrf0)  }
0x5ea: {  	v5 =	vadd.s32 v5, v6;
	(xrf0) =	vadd.scan.msk.s32 $0xffff, v4;
	(v2sf) =	vpush v7, $0xF  }
0x5eb: {  	s25 =	simm.s32 $0xFFF;
	(xrf0) =	vadd.scan.msk.s32 $0xffff, v5  }
0x5ec: {  	s31 =	simm.s32 $0x11FD0;
	v7 =	vadd.s32 s25, v2  }
0x5ed: {  	s24 =	simm.s32 $0x10FD0;
	v8 =	vld [tilespmem:s31+$0x0];
	v7 =	vcvt.s32.f32 v7  }
0x5ee: {  	v6 =	vld [tilespmem:s24+$0x0]  }
0x5ef: {  	v7 =	vadd.f32 $5.000000000e-01, v7  }
0x5f0: {  	v10 =	vcvt.s32.f32 v4;
	v9, _, _ =	vpop (xrf0)  }
0x5f1: {  	v5 =	vperm.xlane v5, v3;
	v7 =	vmul.f32 $3.967285160e-03, v7;
	v11, _, _ =	vpop (xrf0)  }
0x5f2: {  	s2 =	simm.s32 $0xFEF;
	(v2sf) =	vpush v11, $0xF  }
0x5f3: {  	v6 =	vadd.s32 v6, v8;
	(xrf0) =	vadd.scan.msk.s32 $0xffff, v5;
	v8 =	vmul.f32 v10, v7;
	v10 =	vadd.s32 s2, v2  }
0x5f4: {  	s7 =	simm.s32 $0x10FC0;
	(xrf0) =	vadd.scan.msk.s32 $0xffff, v6;
	v10 =	vcvt.s32.f32 v10  }
0x5f5: {  	s8 =	simm.s32 $0x11FC0;
	v12 =	vld [tilespmem:s7+$0x0];
	v9 =	vadd.s32 s22, v9  }
0x5f6: {  	v14 =	vld [tilespmem:s8+$0x0];
	v4 =	vsub.s32 v9, v4;
	(xrf2) =	vadd.scan.msk.f32 $0xffff, v8;
	v10 =	vadd.f32 $5.000000000e-01, v10  }
0x5f7: {  	v13 =	vcvt.s32.f32 v5;
	v11 =	vsub.s32 $0x13333, v4  }
0x5f8: {  	v6 =	vperm.xlane v6, v3;
	vm2 =	vlt.s32 v9, $0x13334;
	v11 =	vcvt.s32.f32 v11  }
0x5f9: {  	vm3 =	vgt.s32 v9, $0x13333;
	vm4 =	vlt.s32 v4, $0x13334;
	v8 =	vnsel vm2, $0x0, v8;
	v9, _, _ =	vpop (xrf0);
	s9 =	spop (v2sf)  }
0x5fa: {  	vm3 =	vmand vm3, vm4;
	(xrf2) =	vadd.scan.msk.f32 $0xffff, v8;
	v7 =	vmul.f32 v11, v7;
	v4 =	vmul.f32 $3.967285160e-03, v10;
	v10, _, _ =	vpop (xrf0);
	s0 =	sadd.s32 $0x0, s9  }
0x5fb: {  	v11 =	vadd.s32 v12, v14;
	(xrf0) =	vadd.scan.msk.s32 $0xffff, v6;
	(v2sf) =	vpush v10, $0xF;
	v8 =	vadd.s32 s0, v9  }
0x5fc: {  	s17 =	simm.s32 $0xFDF;
	v12 =	vperm.xlane v11, v3;
	v7 =	vnsel vm3, $0x0, v7;
	v5 =	vsub.s32 v8, v5  }
0x5fd: {  	s20 =	simm.s32 $0x11FB0;
	(xrf2) =	vadd.scan.msk.f32 $0xffff, v7;
	v10 =	vmul.f32 v13, v4;
	v9 =	vadd.s32 s17, v2;
	v7 =	vsub.s32 $0x13333, v5  }
0x5fe: {  	s19 =	simm.s32 $0x10FB0;
	(xrf0) =	vadd.scan.msk.s32 $0xffff, v11;
	v11 =	vld [tilespmem:s20+$0x0];
	v9 =	vcvt.s32.f32 v9;
	v7 =	vcvt.s32.f32 v7  }
0x5ff: {  	v13 =	vld [tilespmem:s19+$0x0];
	vm2 =	vlt.s32 v8, $0x13334;
	vm3 =	vgt.s32 v8, $0x13333  }
0x600: {  	(xrf2) =	vadd.scan.msk.f32 $0xffff, v10;
	vm4 =	vlt.s32 v5, $0x13334;
	v9 =	vadd.f32 $5.000000000e-01, v9;
	v5, _, _ =	vpop (xrf2);
	v4 =	vmul.f32 v7, v4  }
0x601: {  	vm3 =	vmand vm3, vm4;
	v7 =	vnsel vm2, $0x0, v10;
	s2 =	spop (v2sf);
	(v2sf) =	vpush v5, $0xF;
	v5, _, _ =	vpop (xrf0);
	(xrf0) =	vadd.scan.msk.s32 $0xffff, v12  }
0x602: {  	v14 =	vcvt.s32.f32 v6;
	(xrf2) =	vadd.scan.msk.f32 $0xffff, v7;
	s0 =	sadd.s32 s0, s2;
	v4 =	vnsel vm3, $0x0, v4  }
0x603: {  	s22 =	simm.s32 $0xFCF;
	v15 =	vcvt.s32.f32 v12;
	v8 =	vmul.f32 $3.967285160e-03, v9;
	v10 =	vadd.s32 s0, v5;
	(xrf2) =	vadd.scan.msk.f32 $0xffff, v4  }
0x604: {  	s24 =	simm.s32 $0x11FA0;
	v9 =	vadd.s32 v13, v11;
	v7 =	vadd.s32 s22, v2;
	v13, _, _ =	vpop (xrf0);
	v6 =	vsub.s32 v10, v6  }
0x605: {  	s23 =	simm.s32 $0x10FA0;
	v16 =	vld [tilespmem:s24+$0x0];
	(xrf0) =	vadd.scan.msk.s32 $0xffff, v9;
	v7 =	vcvt.s32.f32 v7;
	(v2sf) =	vpush v13, $0xF;
	v13 =	vsub.s32 $0x13333, v6  }
0x606: {  	v11 =	vmul.f32 v14, v8;
	v14 =	vld [tilespmem:s23+$0x0];
	v13 =	vcvt.s32.f32 v13  }
0x607: {  	v5 =	vperm.xlane v9, v3;
	v9, _, _ =	vpop (xrf2);
	vm3 =	vgt.s32 v10, $0x13333;
	v7 =	vadd.f32 $5.000000000e-01, v7  }
0x608: {  	v17, _, _ =	vpop (xrf2);
	(v2sf) =	vpush v9, $0xF;
	vm4 =	vlt.s32 v6, $0x13334;
	v6 =	vmul.f32 v13, v8  }
0x609: {  	vm2 =	vlt.s32 v10, $0x13334;
	(xrf2) =	vadd.scan.msk.f32 $0xffff, v11;
	vm3 =	vmand vm3, vm4;
	v18 =	vmul.f32 $3.967285160e-03, v7;
	v10, _, _ =	vpop (xrf0)  }
0x60a: {  	v9 =	vnsel vm2, $0x0, v11;
	(v2sf) =	vpush v17, $0xF;
	v8, _, _ =	vpop (xrf2);
	s31 =	spop (v2sf);
	v11 =	vnsel vm3, $0x0, v6  }
0x60b: {  	s25 =	simm.s32 $0xFBF;
	v7 =	vmul.f32 v15, v18;
	(v2sf) =	vpush v8, $0xF;
	v8 =	vadd.s32 v14, v16;
	v14, _, _ =	vpop (xrf0);
	s19 =	sadd.s32 s0, s31  }
0x60c: {  	(xrf2) =	vadd.scan.msk.f32 $0xffff, v9;
	v6 =	vadd.s32 s25, v2;
	(v2sf) =	vpush v14, $0xF;
	v15 =	vadd.s32 s19, v10;
	v10, _, _ =	vpop (xrf2)  }
0x60d: {  	v13 =	vcvt.s32.f32 v6;
	(xrf2) =	vadd.scan.msk.f32 $0xffff, v11;
	(v2sf) =	vpush v10, $0xF;
	v11, _, _ =	vpop (xrf2)  }
0x60e: {  	(xrf0) =	vadd.scan.msk.s32 $0xffff, v5;
	(v2sf) =	vpush v11, $0xF  }
0x60f: {  	v12 =	vsub.s32 v15, v12;
	v13 =	vadd.f32 $5.000000000e-01, v13  }
0x610: {  	v6 =	vperm.xlane v8, v3;
	v14 =	vsub.s32 $0x13333, v12  }
0x611: {  	s7 =	simm.s32 $0x11F90;
	s22 =	simm.s32 $0x10F90;
	v4 =	vcvt.s32.f32 v5;
	vm2 =	vlt.s32 v15, $0x13334;
	v14 =	vcvt.s32.f32 v14  }
0x612: {  	s8 =	simm.s32 $0xF8F;
	s24 =	simm.s32 $0xFAF;
	s2 =	simm.f32 $0.0e+00;
	(xrf0) =	vadd.scan.msk.s32 $0xffff, v8;
	vm3 =	vgt.s32 v15, $0x13333;
	v9 =	vcvt.s32.f32 v6;
	v10 =	vld [tilespmem:s22+$0x0];
	vm4 =	vlt.s32 v12, $0x13334  }
0x613: {  	s23 =	simm.s32 $0xF9F;
	s0 =	simm.f32 $0.0e+00;
	(xrf2) =	vadd.scan.msk.f32 $0xffff, v7;
	v12 =	vld [tilespmem:s7+$0x0];
	vm3 =	vmand vm3, vm4;
	v8 =	vmul.f32 $3.967285160e-03, v13;
	v11 =	vmul.f32 v14, v18;
	s1 =	spop (v2sf);
	v13, _, _ =	vpop (xrf2)  }
.LBB2_12:
0x614: {  	p0 =	sne.s32 s8, $0xF;
	v14, _, _ =	vpop (xrf0);
	v15 =	vnsel vm2, $0x0, v7;
	s17 =	smov.u32 s8;
	s8 =	sadd.s32 $0xFFFFFFF0, s8  }
0x615: {  	v7 =	vmul.f32 v4, v8;
	v11 =	vnsel vm3, $0x0, v11;
	(xrf2) =	vadd.scan.msk.f32 $0xffff, v15;
	s31 =	spop (v2sf);
	v4 =	vmov v9  }
0x616: {  	v9 =	vadd.s32 s24, v2;
	s24 =	smov.u32 s23;
	s23 =	smov.u32 s17;
	s19 =	sadd.s32 s19, s31;
	(v2sf) =	vpush v13, $0xF;
	v13, _, _ =	vpop (xrf2)  }
0x617: {  	s17 =	spop (v2sf)  }
0x618: {  	v9 =	vcvt.s32.f32 v9;
	v12 =	vadd.s32 v10, v12;
	(xrf0) =	vadd.scan.msk.s32 $0xffff, v6;
	v10, _, _ =	vpop (xrf0);
	v14 =	vadd.s32 s19, v14;
	s2 =	sadd.f32 s17, s2  }
.Ltmp5:
0x619: {  	v15 =	vperm.xlane v12, v3;
	(v2sf) =	vpush v10, $0xF;
	v16 =	vsub.s32 v14, v5;
	(xrf2) =	vadd.scan.msk.f32 $0xffff, v11;
	s17 =	spop (v2sf);
	(pc) =	sbr.rel @p0 .LBB2_12-.Ltmp5, $4  }
0x61a: {  	s22 =	sadd.s32 $0xFFFFFFF0, s22;
	s0 =	sadd.f32 s1, s0;
	v17 =	vadd.f32 $5.000000000e-01, v9;
	vm2 =	vlt.s32 v14, $0x13334;
	v19 =	vsub.s32 $0x13333, v16;
	v11, _, _ =	vpop (xrf2)  }
0x61b: {  	s7 =	sadd.s32 $0xFFFFFFF0, s7;
	v5 =	vmovc v6;
	v10 =	vld [tilespmem:s22+$0x0];
	v9 =	vcvt.s32.f32 v15;
	(xrf0) =	vadd.scan.msk.s32 $0xffff, v12;
	v18 =	vcvt.s32.f32 v19;
	(v2sf) =	vpush v13, $0xF;
	s2 =	sadd.f32 s17, s2  }
0x61c: {  	vm3 =	vgt.s32 v14, $0x13333;
	vm4 =	vlt.s32 v16, $0x13334;
	v6 =	vmovc v15;
	v12 =	vld [tilespmem:s7+$0x0];
	(xrf2) =	vadd.scan.msk.f32 $0xffff, v7;
	(v2sf) =	vpush v11, $0xF  }
0x61d: {  	vm3 =	vmand vm3, vm4;
	v11 =	vmul.f32 v18, v8;
	v8 =	vmul.f32 $3.967285160e-03, v17;
	v13, _, _ =	vpop (xrf2);
	s1 =	spop (v2sf)  }
0x61e: {  	_ =	sdelay $0x1  }
0x61f: {  	v14, _, _ =	vpop (xrf0)  }
0x620: {  	(v2sf) =	vpush v13, $0xF;
	v40, _, _ =	vpop (xrf0)  }
0x621: {  	(v2sf) =	vpush v40, $0xF;
	_ =	sdelay $0x4  }
0x622: {  	s25 =	spop (v2sf);
	v43 =	vadd.s32 s24, v2;
	v15 =	vadd.s32 s23, v2  }
0x623: {  	(xrf0) =	vadd.scan.msk.s32 $0xffff, v6;
	v7 =	vnsel vm2, $0x0, v7;
	s25 =	sadd.s32 s19, s25;
	v13 =	vcvt.s32.f32 v43;
	v4 =	vmul.f32 v4, v8  }
0x624: {  	v46 =	vnsel vm3, $0x0, v11;
	v14 =	vadd.s32 s25, v14;
	v10 =	vadd.s32 v10, v12  }
0x625: {  	s8 =	spop (v2sf);
	(xrf2) =	vadd.scan.msk.f32 $0xffff, v7;
	v51 =	vcvt.s32.f32 v15;
	v5 =	vsub.s32 v14, v5;
	v3 =	vperm.xlane v10, v3  }
0x626: {  	s7 =	spop (v2sf);
	v47 =	vadd.f32 $5.000000000e-01, v13;
	vm2 =	vlt.s32 v14, $0x13334;
	vm3 =	vgt.s32 v14, $0x13333;
	(xrf0) =	vadd.scan.msk.s32 $0xffff, v10  }
0x627: {  	v17, _, _ =	vpop (xrf2);
	v7 =	vadd.f32 $5.000000000e-01, v51;
	v18 =	vsub.s32 $0x13333, v5;
	vm4 =	vlt.s32 v5, $0x13334;
	(xrf0) =	vadd.scan.msk.s32 $0xffff, v3;
	s22 =	spop (v2sf)  }
0x628: {  	(v2sf) =	vpush v17, $0xF;
	v44, _, _ =	vpop (xrf2);
	v45 =	vcvt.s32.f32 v18;
	v50 =	vmul.f32 $3.967285160e-03, v47;
	s9 =	spop (v2sf)  }
0x629: {  	(xrf2) =	vadd.scan.msk.f32 $0xffff, v46;
	v7 =	vmul.f32 $3.967285160e-03, v7;
	v41, _, _ =	vpop (xrf0);
	(v2sf) =	vpush v44, $0xF;
	v49 =	vcvt.s32.f32 v3;
	s9 =	sadd.s32 s25, s9;
	s17 =	spop (v2sf)  }
0x62a: {  	(xrf2) =	vadd.scan.msk.f32 $0xffff, v4;
	v4 =	vnsel vm2, $0x0, v4;
	v48 =	vmul.f32 v45, v8;
	v10 =	vadd.s32 s9, v41;
	s31 =	spop (v2sf)  }
0x62b: {  	vm2 =	vmand vm3, vm4;
	v9 =	vmul.f32 v9, v50;
	v54, _, _ =	vpop (xrf2);
	v52 =	vsub.s32 v10, v6;
	s19 =	spop (v2sf)  }
0x62c: {  	(xrf2) =	vadd.scan.msk.f32 $0xffff, v4;
	v56 =	vmul.f32 v49, v7;
	v8 =	vnsel vm2, $0x0, v48;
	v42, _, _ =	vpop (xrf0);
	v53 =	vsub.s32 $0x13333, v52;
	s20 =	spop (v2sf)  }
0x62d: {  	(v2sf) =	vpush v54, $0xF;
	v16, _, _ =	vpop (xrf0);
	vm2 =	vlt.s32 v10, $0x13334;
	v4 =	vcvt.s32.f32 v53;
	s20 =	sadd.s32 s9, s20  }
0x62e: {  	(xrf2) =	vadd.scan.msk.f32 $0xffff, v8;
	vm3 =	vgt.s32 v10, $0x13333;
	vm15 =	vlt.s32 v52, $0x13334;
	v16 =	vadd.s32 s20, v16  }
0x62f: {  	(xrf2) =	vadd.scan.msk.f32 $0xffff, v9;
	v55 =	vnsel vm2, $0x0, v9;
	v4 =	vmul.f32 v4, v50;
	v3 =	vsub.s32 v16, v3  }
0x630: {  	(v2sf) =	vpush v42, $0xF;
	vm2 =	vmand vm3, vm15;
	(xrf2) =	vadd.scan.msk.f32 $0xffff, v55;
	v57 =	vsub.s32 $0x13333, v3  }
0x631: {  	v58, _, _ =	vpop (xrf2);
	v4 =	vnsel vm2, $0x0, v4;
	vm2 =	vlt.s32 v16, $0x13334;
	v59 =	vcvt.s32.f32 v57  }
0x632: {  	(v2sf) =	vpush v58, $0xF;
	(xrf2) =	vadd.scan.msk.f32 $0xffff, v4;
	v5 =	vnsel vm2, $0x0, v56  }
0x633: {  	(xrf2) =	vadd.scan.msk.f32 $0xffff, v56;
	vm2 =	vgt.s32 v16, $0x13333;
	vm3 =	vlt.s32 v3, $0x13334;
	v3 =	vmul.f32 v59, v7  }
0x634: {  	v60, _, _ =	vpop (xrf2);
	(xrf2) =	vadd.scan.msk.f32 $0xffff, v5;
	vm2 =	vmand vm2, vm3  }
0x635: {  	v61, _, _ =	vpop (xrf2);
	(v2sf) =	vpush v60, $0xF;
	v3 =	vnsel vm2, $0x0, v3  }
0x636: {  	(v2sf) =	vpush v61, $0xF;
	v62, _, _ =	vpop (xrf2);
	(xrf2) =	vadd.scan.msk.f32 $0xffff, v3  }
0x637: {  	s2 =	sadd.f32 s8, s2;
	(v2sf) =	vpush v62, $0xF  }
0x638: {  	v3, _, _ =	vpop (xrf2)  }
0x639: {  	s2 =	sadd.f32 s7, s2;
	v63, _, _ =	vpop (xrf2);
	(v2sf) =	vpush v3, $0xF  }
0x63a: {  	v3, _, _ =	vpop (xrf2);
	(v2sf) =	vpush v63, $0xF  }
0x63b: {  	s2 =	sadd.f32 s17, s2;
	(v2sf) =	vpush v3, $0xF  }
0x63c: {  	v3, _, _ =	vpop (xrf2)  }
0x63d: {  	s2 =	sadd.f32 s31, s2;
	(v2sf) =	vpush v3, $0xF;
	v3, _, _ =	vpop (xrf2)  }
0x63e: {  	s24 =	spop (v2sf);
	(v2sf) =	vpush v3, $0xF;
	v3, _, _ =	vpop (xrf2)  }
0x63f: {  	s2 =	sadd.f32 s24, s2;
	s25 =	spop (v2sf);
	(v2sf) =	vpush v3, $0xF  }
0x640: {  	s8 =	spop (v2sf);
	v3, _, _ =	vpop (xrf2)  }
0x641: {  	s2 =	sadd.f32 s25, s2;
	s31 =	spop (v2sf);
	(v2sf) =	vpush v3, $0xF  }
0x642: {  	s0 =	sadd.f32 s1, s0;
	s17 =	spop (v2sf)  }
0x643: {  	s2 =	sadd.f32 s17, s2  }
0x644: {  	s0 =	sadd.f32 s22, s0;
	s20 =	spop (v2sf)  }
0x645: {  	s23 =	spop (v2sf);
	s2 =	sadd.f32 s20, s2  }
0x646: {  	s0 =	sadd.f32 s19, s0;
	s24 =	spop (v2sf)  }
0x647: {  	s2 =	sadd.f32 s24, s2  }
0x648: {  	s0 =	sadd.f32 s8, s0;
	s25 =	spop (v2sf)  }
0x649: {  	s2 =	sadd.f32 s25, s2;
	s31 =	spop (v2sf)  }
0x64a: {  	s0 =	sadd.f32 s23, s0;
	s9 =	spop (v2sf)  }
0x64b: {  	s2 =	sadd.f32 s9, s2  }
0x64c: {  	s0 =	sadd.f32 s31, s0;
	s17 =	spop (v2sf)  }
0x64d: {  	s19 =	spop (v2sf);
	s1 =	sadd.f32 s17, s2  }
0x64e: {  	s20 =	spop (v2sf);
	s0 =	sadd.f32 s19, s0  }
0x64f: {  	s1 =	sadd.f32 s20, s1  }
0x650: {  	s22 =	spop (v2sf)  }
0x651: {  	v3 =	vmov s0;
	s1 =	sadd.f32 s22, s1  }
0x652: {  	v3 =	vnsel vm0, $0x0, v3  }
0x653: {  	v3 =	vsel vm1, s1, v3  }
0x654: {  	s23 =	simm.s32 $0x0;
	s24 =	rddreg [dreg:$0x2];
	s25 =	simm.s32 $0x12000;
	[tilespmem:$0x12000] =	vst v3  }
0x655: {  	[hbm4b:s24+s23] =	stream.linear.scatter [tilespmem:s25], [sflag:$0x3], $0x10, $0x38;
	[tilespmem:$0x12080] =	vst v63  }
0x656: {  	_ =	swait.ge [sflag:s18], $0x10  }
0x657: {  	s30 =	sadd.s32 $0x1, s30;
	s31 =	rddreg [dreg:$0x3]  }
0x658: {  	p0 =	sne.s32 s30, s31  }
.Ltmp6:
0x659: {  	_ = 	snop;
	(pc) =	sbr.rel @p0 .LBB2_1-.Ltmp6, $4  }
0x65a: {  	_ = 	snop  }
0x65b: {  	s9 =	simm.s32 $0x400  }
0x65c: {  	s17 =	simm.s32 $0xC00;
	s20 =	simm.s32 $0x1000;
	[sflag:s18] =	ssyncset.done $0x0  }
0x65d: {  	s24 =	simm.s32 $0x1400;
	s25 =	simm.s32 $0x1800;
	[sflag:s18] =	ssyncadd.s32 $0xFFFFFFF0  }
0x65e: {  	_ =	sfence.sel $0x180000  }
0x65f: {  	[bflag:$0x0] =	sbarrier.arrive $0xFFFF  }
0x660: {  	_ =	strace $0x90000047  }
0x661: {  	s0 =	stileid.u32;
	[bflag:$0x2] =	sbarrier.arrive $0xFFFF  }
0x662: {  	p0 =	sne.s32 s0, $0x0;
	s0 =	rddreg [dreg:$0x1]  }
0x663: {  	s0 =	sadd.s32 @!p0 $0x100000, s0  }
0x664: {  	[sflag:s0] =	ssyncadd.tile.s32 @!p0 $0x1;
	_ =	shalt  }
.Lfunc_end2:
_tile_overlayer_lowered:
.L_overlay_start_2:
0x665: {  	(tag) =	ssettag $0x2  }
0x666: {  	s0 =	rddreg [dreg:$0x0];
	s2 =	stileid.u32  }
0x667: {  	s1 =	rddreg [dreg:$0x1];
	p0 =	sne.s32 s2, $0x0  }
0x668: {  	s3 =	rddreg [dreg:$0x2];
	[bflag:$0x3] =	sbarrier.arrive $0xFFFF;
	s2 =	simm.s32 @!p0 $0x1C03  }
0x669: {  	[timem:s3], [sflag:s2] =	dma.local @!p0 [hbm:s0], s1  }
0x66a: {  	s0 =	simm.s32 @!p0 $0x3  }
0x66b: {  	_ =	swait.ge @!p0 [sflag:s0], s1  }
0x66c: {  	s1 =	ssub.s32 @!p0 $0x0, s1;
	[sflag:s0] =	ssyncset.done @!p0 $0x0  }
0x66d: {  	[sflag:s0] =	ssyncadd.s32 @!p0 s1  }
0x66e: {  	[bflag:$0x3] =	sbarrier.arrive $0xFFFF  }
0x66f: {  	_ =	shalt  }

</sc_bundles>
